<compile_context>
chip_gen: v7x
topology: tpu7x:2x2x1
jax: 0.10.2.dev20260603
libtpu: 0.0.44.dev20260713+nightly
codegen_flags: <defaults>
</compile_context>

<pallas_src>
import jax
import jax.numpy as jnp
from jax import lax
from jax.experimental import pallas as pl
from jax.experimental.pallas import tpu as pltpu
from jax.experimental.pallas import tpu_sc as plsc

_NC = 4
_M = 4096
_D = 64
_B = 4608
_TB = 512
_NB = _B // _TB
_BN = _B * _NC
_NBINS = _NC * _M
_COMMITMENT_COST = 0.25

_SC_CORES = 2
_SC_SUBCORES = 16
_NW = _SC_CORES * _SC_SUBCORES
_RPW = _BN // _NW
_CH = 96
_NCH = _RPW // _CH


_MT = 1024
_NMT = _M // _MT
_LW = 128
_NCH_M = _MT // _LW


def _argmin_block(x_ref, e_ref, esq_ref, idx_ref, loss_ref):
    i = pl.program_id(0)
    xb = x_ref[...]
    loss_part = jnp.zeros((1, 1), dtype=jnp.float32)
    rows = []
    lane = lax.broadcasted_iota(jnp.int32, (_TB, _LW), 1)
    for c in range(_NC):
        xc = xb[:, c, :]
        xm2c = xc * (-2.0)
        xsq = jnp.sum(xc * xc, axis=-1)[:, None]
        run_min = None
        run_chunk = None
        for t in range(_NMT):
            et = e_ref[c, pl.ds(t * _MT, _MT), :]
            cross2 = lax.dot_general(
                xm2c, et, (((1,), (1,)), ((), ())),
                preferred_element_type=jnp.float32)
            for s in range(_NCH_M):
                d = ((xsq + cross2[:, s * _LW:(s + 1) * _LW])
                     + esq_ref[c, pl.ds(t * _MT + s * _LW, _LW)][None, :])
                cid = t * _NCH_M + s
                if run_min is None:
                    run_min = d
                    run_chunk = jnp.zeros((_TB, _LW), dtype=jnp.int32)
                else:
                    take = d < run_min
                    run_chunk = jnp.where(take, cid, run_chunk)
                    run_min = jnp.minimum(d, run_min)
        combined = run_chunk * _LW + lane
        gmin = jnp.min(run_min, axis=-1)
        idx_c = jnp.min(
            jnp.where(run_min == gmin[:, None], combined, _M), axis=-1)
        loss_part += jnp.sum(gmin)[None, None]
        rows.append(idx_c)
    idx_ref[...] = jnp.stack(rows, axis=0)

    @pl.when(i == 0)
    def _():
        loss_ref[...] = loss_part

    @pl.when(i > 0)
    def _():
        loss_ref[...] += loss_part


def _sc_gather_hist(table_hbm, gidx_hbm, out_hbm, counts_hbm,
                    idx_v, rows_v, counts_v, sem):
    cid = lax.axis_index("c")
    sid = lax.axis_index("s")
    wid = sid * _SC_CORES + cid
    base = wid * _RPW
    pltpu.sync_copy(gidx_hbm.at[pl.ds(base, _RPW)], idx_v)
    copies = []
    for j in range(_NCH):
        copies.append(pltpu.async_copy(
            table_hbm.at[idx_v.at[pl.ds(j * _CH, _CH)]],
            rows_v.at[pl.ds(j * _CH, _CH)], sem))

    def _zero(k, carry):
        counts_v[pl.ds(k * 16, 16)] = jnp.zeros((16,), dtype=jnp.float32)
        return carry

    lax.fori_loop(0, _NBINS // 16, _zero, 0)
    ones = jnp.ones((16,), dtype=jnp.float32)

    def _hist(k, carry):
        idx16 = idx_v[pl.ds(k * 16, 16)]
        plsc.addupdate_scatter(counts_v, [idx16], ones)
        return carry

    lax.fori_loop(0, _RPW // 16, _hist, 0)

    for cpy in copies:
        cpy.wait()
    pltpu.sync_copy(rows_v, out_hbm.at[pl.ds(base, _RPW)])
    pltpu.sync_copy(counts_v, counts_hbm.at[wid])


_sc_gather_call = pl.kernel(
    _sc_gather_hist,
    out_type=[
        jax.ShapeDtypeStruct((_BN, _D), jnp.float32),
        jax.ShapeDtypeStruct((_NW, _NBINS), jnp.float32),
    ],
    mesh=plsc.VectorSubcoreMesh(
        core_axis_name="c", subcore_axis_name="s",
        num_cores=_SC_CORES, num_subcores=_SC_SUBCORES),
    scratch_types=[
        pltpu.VMEM((_RPW,), jnp.int32),
        pltpu.VMEM((_RPW, _D), jnp.float32),
        pltpu.VMEM((_NBINS,), jnp.float32),
        pltpu.SemaphoreType.DMA,
    ],
    compiler_params=pltpu.CompilerParams(needs_layout_passes=False,
                                         use_tc_tiling_on_sc=False),
)


def _finalize(counts_ref, loss_ref, commit_ref, cb_ref, perp_ref):
    counts = jnp.sum(counts_ref[...], axis=0)
    p = counts / jnp.float32(_B)
    ent = jnp.sum(p * jnp.log(p + 1e-10))
    perp_ref[...] = jnp.exp(-ent)[None, None]
    mse = loss_ref[0, 0] / jnp.float32(_BN * _D)
    cb_ref[...] = jnp.full((1, 1), mse, dtype=jnp.float32)
    commit_ref[...] = jnp.full((1, 1), _COMMITMENT_COST * mse,
                               dtype=jnp.float32)


def kernel(x, embedding):
    x_flat = x.reshape(_B, _NC, _D)
    e_sq = jnp.sum(embedding ** 2, axis=-1)

    idx_t, loss = pl.pallas_call(
        _argmin_block,
        grid=(_NB,),
        in_specs=[
            pl.BlockSpec((_TB, _NC, _D), lambda i: (i, 0, 0)),
            pl.BlockSpec((_NC, _M, _D), lambda i: (0, 0, 0)),
            pl.BlockSpec((_NC, _M), lambda i: (0, 0)),
        ],
        out_specs=[
            pl.BlockSpec((_NC, _TB), lambda i: (0, i)),
            pl.BlockSpec((1, 1), lambda i: (0, 0)),
        ],
        out_shape=[
            jax.ShapeDtypeStruct((_NC, _B), jnp.int32),
            jax.ShapeDtypeStruct((1, 1), jnp.float32),
        ],
    )(x_flat, embedding, e_sq)

    indices = idx_t.T
    gidx = (indices
            + (jnp.arange(_NC, dtype=jnp.int32) * _M)[None, :]).reshape(_BN)
    table = embedding.reshape(_NBINS, _D)
    qrows, counts_part = _sc_gather_call(table, gidx)

    commit, cb, perp = pl.pallas_call(
        _finalize,
        out_shape=[
            jax.ShapeDtypeStruct((1, 1), jnp.float32),
            jax.ShapeDtypeStruct((1, 1), jnp.float32),
            jax.ShapeDtypeStruct((1, 1), jnp.float32),
        ],
    )(counts_part, loss)

    quantized_out = qrows.reshape(x.shape)
    return (quantized_out, commit[0, 0], cb[0, 0], perp[0, 0], indices)

# --- scband reference (transcript-rebuilt; emitter-appended) ---
"""Pipeline reference for scband-quantizer-39797166965033 (READ-ONLY COPY).

The authoritative reference and input builder live on the scoring server;
editing this copy changes nothing except your own understanding.
"""

import jax, jax.numpy as jnp
import numpy as np

NC = 4
M = 4096
D = 64
COMMITMENT_COST = 0.25


def setup_inputs(seed: int = 0) -> dict:
    key = jax.random.key(seed)
    k1, k2 = jax.random.split(key)
    x = jax.random.normal(k1, (8, 576, 256), dtype=jnp.float32)
    init_bound = 1.0 / M
    embedding = jax.random.uniform(k2, (NC, M, D), minval=-init_bound, maxval=init_bound, dtype=jnp.float32)
    return {"x": x, "embedding": embedding}


def reference(x, embedding):
    nc, m, d = embedding.shape
    x_flat = x.reshape(-1, nc, d)
    x_flat_detached = jax.lax.stop_gradient(x_flat)
    # squared L2 distances, algebraically identical to
    # sum((x[:, :, None, :] - e[None, :, :, :])**2, -1):
    # ||x||^2 - 2 x.e + ||e||^2  (avoids materializing the [B, nc, m, d] diff tensor)
    x_sq = jnp.sum(x_flat_detached ** 2, axis=-1, keepdims=True)          # [B, nc, 1]
    e_sq = jnp.sum(embedding ** 2, axis=-1)                                # [nc, m]
    cross = jnp.einsum('bcd,cmd->bcm', x_flat_detached, embedding)         # [B, nc, m]
    distances = x_sq - 2.0 * cross + e_sq[None, :, :]
    indices = jnp.argmin(distances.astype(jnp.float32), axis=-1)           # [B, nc]
    encodings = jax.nn.one_hot(indices, m, dtype=jnp.float32)              # [B, nc, m]
    # gather: quantized = embedding[idx0, indices]
    quantized = embedding[jnp.arange(nc)[None, :], indices]                # [B, nc, d]
    codebook_loss = jnp.mean((jax.lax.stop_gradient(x_flat) - quantized) ** 2)
    e_latent_loss = jnp.mean((x_flat - jax.lax.stop_gradient(quantized)) ** 2)
    commitment_loss = COMMITMENT_COST * e_latent_loss
    # straight-through estimator
    quantized_st = x_flat + jax.lax.stop_gradient(quantized - x_flat)
    quantized_out = quantized_st.reshape(x.shape)
    avg_probs = jnp.mean(encodings, axis=0)
    perplexity = jnp.exp(-jnp.sum(avg_probs * jnp.log(avg_probs + 1e-10)))
    return (quantized_out, commitment_loss, codebook_loss, perplexity, indices)

if __name__ == "__main__":
    import jax
    _d = setup_inputs()
    print(jax.jit(kernel)(*tuple(_d.values())))

</pallas_src>

<mosaic_0001>
#map = affine_map<(d0, d1) -> (0, 0)>
#map1 = affine_map<(d0, d1) -> (0)>
module attributes {stable_mosaic.version = 14 : i64} {
  func.func @_sc_gather_hist(%arg0: i32, %arg1: i32, %arg2: memref<16384x64xf32, #tpu.memory_space<hbm>>, %arg3: memref<18432xi32, #tpu.memory_space<hbm>>, %arg4: memref<18432x64xf32, #tpu.memory_space<hbm>>, %arg5: memref<32x16384xf32, #tpu.memory_space<hbm>>, %arg6: memref<576xi32, #tpu.memory_space<vmem>>, %arg7: memref<576x64xf32, #tpu.memory_space<vmem>>, %arg8: memref<16384xf32, #tpu.memory_space<vmem>>, %arg9: memref<!tpu.dma_semaphore, #tpu.memory_space<semaphore_mem>>) attributes {dimension_semantics = [#tpu.dimension_semantics<core_parallel>, #tpu.dimension_semantics<subcore_parallel>], iteration_bounds = array<i64: 2, 16>, scalar_prefetch = 0 : i64, scratch_operands = 4 : i64, tpu.core_type = #tpu.core_type<sc_vector_subcore>, window_params = [{transform_indices = #map}, {transform_indices = #map1}, {transform_indices = #map}, {transform_indices = #map}]} {
    %mul3A = arith.constant 2 : i32
    %mul3A_0 = arith.muli %arg1, %mul3A : i32
    %add3A = arith.addi %mul3A_0, %arg0 : i32
    %mul3A_1 = arith.constant 576 : i32
    %mul3A_2 = arith.muli %add3A, %mul3A_1 : i32
    "tpu.region"() ({
      %run_scoped3A = tpu.sem_alloc : memref<!tpu.dma_semaphore, #tpu.memory_space<semaphore_mem>>
      %dma_start3A_109 = tpu.memref_slice %arg3[%mul3A_2] : memref<18432xi32, #tpu.memory_space<hbm>> -> memref<576xi32, #tpu.memory_space<hbm>>
      %dma_start3A_110 = tpu.memref_slice %arg3[%mul3A_2] : memref<18432xi32, #tpu.memory_space<hbm>> -> memref<576xi32, #tpu.memory_space<hbm>>
      tpu.enqueue_dma source(%dma_start3A_110 : memref<576xi32, #tpu.memory_space<hbm>>) target(%arg6 : memref<576xi32, #tpu.memory_space<vmem>>) target_semaphore(%run_scoped3A : memref<!tpu.dma_semaphore, #tpu.memory_space<semaphore_mem>>)
      %dma_wait3A_111 = tpu.memref_slice %arg3[%mul3A_2] : memref<18432xi32, #tpu.memory_space<hbm>> -> memref<576xi32, #tpu.memory_space<hbm>>
      %dma_wait3A_112 = tpu.memref_slice %arg3[%mul3A_2] : memref<18432xi32, #tpu.memory_space<hbm>> -> memref<576xi32, #tpu.memory_space<hbm>>
      tpu.wait_dma2 semaphore(%run_scoped3A : memref<!tpu.dma_semaphore, #tpu.memory_space<semaphore_mem>>) src(%dma_wait3A_112 : memref<576xi32, #tpu.memory_space<hbm>>) dst(%arg6 : memref<576xi32, #tpu.memory_space<vmem>>)
      tpu.yield
    }) : () -> ()
    %dma_start3A = arith.constant 0 : i32
    %dma_start3A_3 = arith.constant 0 : i32
    %dma_start3A_4 = tpu.memref_slice %arg7[%dma_start3A, %dma_start3A_3] : memref<576x64xf32, #tpu.memory_space<vmem>> -> memref<96x64xf32, #tpu.memory_space<vmem>>
    %dma_start3A_5 = arith.constant 0 : i32
    %dma_start3A_6 = tpu.memref_slice %arg6[%dma_start3A_5] : memref<576xi32, #tpu.memory_space<vmem>> -> memref<96xi32, #tpu.memory_space<vmem>>
    %dma_start3A_7 = arith.constant 0 : i32
    %dma_start3A_8 = arith.constant 0 : i32
    %dma_start3A_9 = tpu.memref_slice %arg2[%dma_start3A_7, %dma_start3A_8] : memref<16384x64xf32, #tpu.memory_space<hbm>> -> memref<16384x64xf32, #tpu.memory_space<hbm>>
    tpu.enqueue_indirect_dma source(%dma_start3A_9 : memref<16384x64xf32, #tpu.memory_space<hbm>>) target(%dma_start3A_4 : memref<96x64xf32, #tpu.memory_space<vmem>>) offsets(%dma_start3A_6 : memref<96xi32, #tpu.memory_space<vmem>>) semaphore(%arg9 : memref<!tpu.dma_semaphore, #tpu.memory_space<semaphore_mem>>)
    %dma_start3A_10 = arith.constant 96 : i32
    %dma_start3A_11 = arith.constant 0 : i32
    %dma_start3A_12 = tpu.memref_slice %arg7[%dma_start3A_10, %dma_start3A_11] : memref<576x64xf32, #tpu.memory_space<vmem>> -> memref<96x64xf32, #tpu.memory_space<vmem>>
    %dma_start3A_13 = arith.constant 96 : i32
    %dma_start3A_14 = tpu.memref_slice %arg6[%dma_start3A_13] : memref<576xi32, #tpu.memory_space<vmem>> -> memref<96xi32, #tpu.memory_space<vmem>>
    %dma_start3A_15 = arith.constant 0 : i32
    %dma_start3A_16 = arith.constant 0 : i32
    %dma_start3A_17 = tpu.memref_slice %arg2[%dma_start3A_15, %dma_start3A_16] : memref<16384x64xf32, #tpu.memory_space<hbm>> -> memref<16384x64xf32, #tpu.memory_space<hbm>>
    tpu.enqueue_indirect_dma source(%dma_start3A_17 : memref<16384x64xf32, #tpu.memory_space<hbm>>) target(%dma_start3A_12 : memref<96x64xf32, #tpu.memory_space<vmem>>) offsets(%dma_start3A_14 : memref<96xi32, #tpu.memory_space<vmem>>) semaphore(%arg9 : memref<!tpu.dma_semaphore, #tpu.memory_space<semaphore_mem>>)
    %dma_start3A_18 = arith.constant 192 : i32
    %dma_start3A_19 = arith.constant 0 : i32
    %dma_start3A_20 = tpu.memref_slice %arg7[%dma_start3A_18, %dma_start3A_19] : memref<576x64xf32, #tpu.memory_space<vmem>> -> memref<96x64xf32, #tpu.memory_space<vmem>>
    %dma_start3A_21 = arith.constant 192 : i32
    %dma_start3A_22 = tpu.memref_slice %arg6[%dma_start3A_21] : memref<576xi32, #tpu.memory_space<vmem>> -> memref<96xi32, #tpu.memory_space<vmem>>
    %dma_start3A_23 = arith.constant 0 : i32
    %dma_start3A_24 = arith.constant 0 : i32
    %dma_start3A_25 = tpu.memref_slice %arg2[%dma_start3A_23, %dma_start3A_24] : memref<16384x64xf32, #tpu.memory_space<hbm>> -> memref<16384x64xf32, #tpu.memory_space<hbm>>
    tpu.enqueue_indirect_dma source(%dma_start3A_25 : memref<16384x64xf32, #tpu.memory_space<hbm>>) target(%dma_start3A_20 : memref<96x64xf32, #tpu.memory_space<vmem>>) offsets(%dma_start3A_22 : memref<96xi32, #tpu.memory_space<vmem>>) semaphore(%arg9 : memref<!tpu.dma_semaphore, #tpu.memory_space<semaphore_mem>>)
    %dma_start3A_26 = arith.constant 288 : i32
    %dma_start3A_27 = arith.constant 0 : i32
    %dma_start3A_28 = tpu.memref_slice %arg7[%dma_start3A_26, %dma_start3A_27] : memref<576x64xf32, #tpu.memory_space<vmem>> -> memref<96x64xf32, #tpu.memory_space<vmem>>
    %dma_start3A_29 = arith.constant 288 : i32
    %dma_start3A_30 = tpu.memref_slice %arg6[%dma_start3A_29] : memref<576xi32, #tpu.memory_space<vmem>> -> memref<96xi32, #tpu.memory_space<vmem>>
    %dma_start3A_31 = arith.constant 0 : i32
    %dma_start3A_32 = arith.constant 0 : i32
    %dma_start3A_33 = tpu.memref_slice %arg2[%dma_start3A_31, %dma_start3A_32] : memref<16384x64xf32, #tpu.memory_space<hbm>> -> memref<16384x64xf32, #tpu.memory_space<hbm>>
    tpu.enqueue_indirect_dma source(%dma_start3A_33 : memref<16384x64xf32, #tpu.memory_space<hbm>>) target(%dma_start3A_28 : memref<96x64xf32, #tpu.memory_space<vmem>>) offsets(%dma_start3A_30 : memref<96xi32, #tpu.memory_space<vmem>>) semaphore(%arg9 : memref<!tpu.dma_semaphore, #tpu.memory_space<semaphore_mem>>)
    %dma_start3A_34 = arith.constant 384 : i32
    %dma_start3A_35 = arith.constant 0 : i32
    %dma_start3A_36 = tpu.memref_slice %arg7[%dma_start3A_34, %dma_start3A_35] : memref<576x64xf32, #tpu.memory_space<vmem>> -> memref<96x64xf32, #tpu.memory_space<vmem>>
    %dma_start3A_37 = arith.constant 384 : i32
    %dma_start3A_38 = tpu.memref_slice %arg6[%dma_start3A_37] : memref<576xi32, #tpu.memory_space<vmem>> -> memref<96xi32, #tpu.memory_space<vmem>>
    %dma_start3A_39 = arith.constant 0 : i32
    %dma_start3A_40 = arith.constant 0 : i32
    %dma_start3A_41 = tpu.memref_slice %arg2[%dma_start3A_39, %dma_start3A_40] : memref<16384x64xf32, #tpu.memory_space<hbm>> -> memref<16384x64xf32, #tpu.memory_space<hbm>>
    tpu.enqueue_indirect_dma source(%dma_start3A_41 : memref<16384x64xf32, #tpu.memory_space<hbm>>) target(%dma_start3A_36 : memref<96x64xf32, #tpu.memory_space<vmem>>) offsets(%dma_start3A_38 : memref<96xi32, #tpu.memory_space<vmem>>) semaphore(%arg9 : memref<!tpu.dma_semaphore, #tpu.memory_space<semaphore_mem>>)
    %dma_start3A_42 = arith.constant 480 : i32
    %dma_start3A_43 = arith.constant 0 : i32
    %dma_start3A_44 = tpu.memref_slice %arg7[%dma_start3A_42, %dma_start3A_43] : memref<576x64xf32, #tpu.memory_space<vmem>> -> memref<96x64xf32, #tpu.memory_space<vmem>>
    %dma_start3A_45 = arith.constant 480 : i32
    %dma_start3A_46 = tpu.memref_slice %arg6[%dma_start3A_45] : memref<576xi32, #tpu.memory_space<vmem>> -> memref<96xi32, #tpu.memory_space<vmem>>
    %dma_start3A_47 = arith.constant 0 : i32
    %dma_start3A_48 = arith.constant 0 : i32
    %dma_start3A_49 = tpu.memref_slice %arg2[%dma_start3A_47, %dma_start3A_48] : memref<16384x64xf32, #tpu.memory_space<hbm>> -> memref<16384x64xf32, #tpu.memory_space<hbm>>
    tpu.enqueue_indirect_dma source(%dma_start3A_49 : memref<16384x64xf32, #tpu.memory_space<hbm>>) target(%dma_start3A_44 : memref<96x64xf32, #tpu.memory_space<vmem>>) offsets(%dma_start3A_46 : memref<96xi32, #tpu.memory_space<vmem>>) semaphore(%arg9 : memref<!tpu.dma_semaphore, #tpu.memory_space<semaphore_mem>>)
    %scan3A = arith.constant 0 : i32
    %scan3A_50 = arith.constant 0 : i32
    %scan3A_51 = arith.constant 1024 : i32
    %scan3A_52 = arith.addi %scan3A_50, %scan3A_51 : i32
    %scan3A_53 = arith.constant 1 : i32
    scf.for %scan3A_109 = %scan3A_50 to %scan3A_52 step %scan3A_53  : i32 {
      %broadcast_in_dim3A_110 = arith.constant 0.000000e+00 : f32
      %broadcast_in_dim3A_111 = vector.broadcast %broadcast_in_dim3A_110 : f32 to vector<16xf32>
      %mul3A_112 = arith.constant 16 : i32
      %mul3A_113 = arith.muli %scan3A_109, %mul3A_112 : i32
      %swap3A = arith.index_cast %mul3A_113 : i32 to index
      %swap3A_114 = tpu.vector_load %arg8[%swap3A] {strides = array<i32>} : memref<16384xf32, #tpu.memory_space<vmem>>, vector<16xf32>,
      tpu.vector_store %arg8[%swap3A], %broadcast_in_dim3A_111 {strides = array<i32>} : memref<16384xf32, #tpu.memory_space<vmem>>, vector<16xf32>,
    }
    %scan3A_54 = arith.constant 1024 : i32
    %broadcast_in_dim3A = arith.constant 1.000000e+00 : f32
    %broadcast_in_dim3A_55 = vector.broadcast %broadcast_in_dim3A : f32 to vector<16xf32>
    %scan3A_56 = arith.constant 0 : i32
    %scan3A_57 = arith.constant 0 : i32
    %scan3A_58 = arith.constant 36 : i32
    %scan3A_59 = arith.addi %scan3A_57, %scan3A_58 : i32
    %scan3A_60 = arith.constant 1 : i32
    scf.for %scan3A_109 = %scan3A_57 to %scan3A_59 step %scan3A_60  : i32 {
      %mul3A_110 = arith.constant 16 : i32
      %mul3A_111 = arith.muli %scan3A_109, %mul3A_110 : i32
      %get3A = arith.index_cast %mul3A_111 : i32 to index
      %get3A_112 = tpu.vector_load %arg6[%get3A] {strides = array<i32>} : memref<576xi32, #tpu.memory_space<vmem>>, vector<16xi32>,
      tpu.vector_store_idx %arg8[%get3A_112], %broadcast_in_dim3A_55 {add = true} : memref<16384xf32, #tpu.memory_space<vmem>>[vector<16xi32>], vector<16xf32>,
    }
    %scan3A_61 = arith.constant 36 : i32
    %dma_wait3A = arith.constant 0 : i32
    %dma_wait3A_62 = arith.constant 0 : i32
    %dma_wait3A_63 = tpu.memref_slice %arg7[%dma_wait3A, %dma_wait3A_62] : memref<576x64xf32, #tpu.memory_space<vmem>> -> memref<96x64xf32, #tpu.memory_space<vmem>>
    %dma_wait3A_64 = arith.constant 0 : i32
    %dma_wait3A_65 = tpu.memref_slice %arg6[%dma_wait3A_64] : memref<576xi32, #tpu.memory_space<vmem>> -> memref<96xi32, #tpu.memory_space<vmem>>
    %dma_wait3A_66 = arith.constant 0 : i32
    %dma_wait3A_67 = arith.constant 0 : i32
    %dma_wait3A_68 = tpu.memref_slice %arg2[%dma_wait3A_66, %dma_wait3A_67] : memref<16384x64xf32, #tpu.memory_space<hbm>> -> memref<16384x64xf32, #tpu.memory_space<hbm>>
    tpu.wait_indirect_dma semaphore(%arg9 : memref<!tpu.dma_semaphore, #tpu.memory_space<semaphore_mem>>) src(%dma_wait3A_68 : memref<16384x64xf32, #tpu.memory_space<hbm>>) dst(%dma_wait3A_63 : memref<96x64xf32, #tpu.memory_space<vmem>>)
    %dma_wait3A_69 = arith.constant 96 : i32
    %dma_wait3A_70 = arith.constant 0 : i32
    %dma_wait3A_71 = tpu.memref_slice %arg7[%dma_wait3A_69, %dma_wait3A_70] : memref<576x64xf32, #tpu.memory_space<vmem>> -> memref<96x64xf32, #tpu.memory_space<vmem>>
    %dma_wait3A_72 = arith.constant 96 : i32
    %dma_wait3A_73 = tpu.memref_slice %arg6[%dma_wait3A_72] : memref<576xi32, #tpu.memory_space<vmem>> -> memref<96xi32, #tpu.memory_space<vmem>>
    %dma_wait3A_74 = arith.constant 0 : i32
    %dma_wait3A_75 = arith.constant 0 : i32
    %dma_wait3A_76 = tpu.memref_slice %arg2[%dma_wait3A_74, %dma_wait3A_75] : memref<16384x64xf32, #tpu.memory_space<hbm>> -> memref<16384x64xf32, #tpu.memory_space<hbm>>
    tpu.wait_indirect_dma semaphore(%arg9 : memref<!tpu.dma_semaphore, #tpu.memory_space<semaphore_mem>>) src(%dma_wait3A_76 : memref<16384x64xf32, #tpu.memory_space<hbm>>) dst(%dma_wait3A_71 : memref<96x64xf32, #tpu.memory_space<vmem>>)
    %dma_wait3A_77 = arith.constant 192 : i32
    %dma_wait3A_78 = arith.constant 0 : i32
    %dma_wait3A_79 = tpu.memref_slice %arg7[%dma_wait3A_77, %dma_wait3A_78] : memref<576x64xf32, #tpu.memory_space<vmem>> -> memref<96x64xf32, #tpu.memory_space<vmem>>
    %dma_wait3A_80 = arith.constant 192 : i32
    %dma_wait3A_81 = tpu.memref_slice %arg6[%dma_wait3A_80] : memref<576xi32, #tpu.memory_space<vmem>> -> memref<96xi32, #tpu.memory_space<vmem>>
    %dma_wait3A_82 = arith.constant 0 : i32
    %dma_wait3A_83 = arith.constant 0 : i32
    %dma_wait3A_84 = tpu.memref_slice %arg2[%dma_wait3A_82, %dma_wait3A_83] : memref<16384x64xf32, #tpu.memory_space<hbm>> -> memref<16384x64xf32, #tpu.memory_space<hbm>>
    tpu.wait_indirect_dma semaphore(%arg9 : memref<!tpu.dma_semaphore, #tpu.memory_space<semaphore_mem>>) src(%dma_wait3A_84 : memref<16384x64xf32, #tpu.memory_space<hbm>>) dst(%dma_wait3A_79 : memref<96x64xf32, #tpu.memory_space<vmem>>)
    %dma_wait3A_85 = arith.constant 288 : i32
    %dma_wait3A_86 = arith.constant 0 : i32
    %dma_wait3A_87 = tpu.memref_slice %arg7[%dma_wait3A_85, %dma_wait3A_86] : memref<576x64xf32, #tpu.memory_space<vmem>> -> memref<96x64xf32, #tpu.memory_space<vmem>>
    %dma_wait3A_88 = arith.constant 288 : i32
    %dma_wait3A_89 = tpu.memref_slice %arg6[%dma_wait3A_88] : memref<576xi32, #tpu.memory_space<vmem>> -> memref<96xi32, #tpu.memory_space<vmem>>
    %dma_wait3A_90 = arith.constant 0 : i32
    %dma_wait3A_91 = arith.constant 0 : i32
    %dma_wait3A_92 = tpu.memref_slice %arg2[%dma_wait3A_90, %dma_wait3A_91] : memref<16384x64xf32, #tpu.memory_space<hbm>> -> memref<16384x64xf32, #tpu.memory_space<hbm>>
    tpu.wait_indirect_dma semaphore(%arg9 : memref<!tpu.dma_semaphore, #tpu.memory_space<semaphore_mem>>) src(%dma_wait3A_92 : memref<16384x64xf32, #tpu.memory_space<hbm>>) dst(%dma_wait3A_87 : memref<96x64xf32, #tpu.memory_space<vmem>>)
    %dma_wait3A_93 = arith.constant 384 : i32
    %dma_wait3A_94 = arith.constant 0 : i32
    %dma_wait3A_95 = tpu.memref_slice %arg7[%dma_wait3A_93, %dma_wait3A_94] : memref<576x64xf32, #tpu.memory_space<vmem>> -> memref<96x64xf32, #tpu.memory_space<vmem>>
    %dma_wait3A_96 = arith.constant 384 : i32
    %dma_wait3A_97 = tpu.memref_slice %arg6[%dma_wait3A_96] : memref<576xi32, #tpu.memory_space<vmem>> -> memref<96xi32, #tpu.memory_space<vmem>>
    %dma_wait3A_98 = arith.constant 0 : i32
    %dma_wait3A_99 = arith.constant 0 : i32
    %dma_wait3A_100 = tpu.memref_slice %arg2[%dma_wait3A_98, %dma_wait3A_99] : memref<16384x64xf32, #tpu.memory_space<hbm>> -> memref<16384x64xf32, #tpu.memory_space<hbm>>
    tpu.wait_indirect_dma semaphore(%arg9 : memref<!tpu.dma_semaphore, #tpu.memory_space<semaphore_mem>>) src(%dma_wait3A_100 : memref<16384x64xf32, #tpu.memory_space<hbm>>) dst(%dma_wait3A_95 : memref<96x64xf32, #tpu.memory_space<vmem>>)
    %dma_wait3A_101 = arith.constant 480 : i32
    %dma_wait3A_102 = arith.constant 0 : i32
    %dma_wait3A_103 = tpu.memref_slice %arg7[%dma_wait3A_101, %dma_wait3A_102] : memref<576x64xf32, #tpu.memory_space<vmem>> -> memref<96x64xf32, #tpu.memory_space<vmem>>
    %dma_wait3A_104 = arith.constant 480 : i32
    %dma_wait3A_105 = tpu.memref_slice %arg6[%dma_wait3A_104] : memref<576xi32, #tpu.memory_space<vmem>> -> memref<96xi32, #tpu.memory_space<vmem>>
    %dma_wait3A_106 = arith.constant 0 : i32
    %dma_wait3A_107 = arith.constant 0 : i32
    %dma_wait3A_108 = tpu.memref_slice %arg2[%dma_wait3A_106, %dma_wait3A_107] : memref<16384x64xf32, #tpu.memory_space<hbm>> -> memref<16384x64xf32, #tpu.memory_space<hbm>>
    tpu.wait_indirect_dma semaphore(%arg9 : memref<!tpu.dma_semaphore, #tpu.memory_space<semaphore_mem>>) src(%dma_wait3A_108 : memref<16384x64xf32, #tpu.memory_space<hbm>>) dst(%dma_wait3A_103 : memref<96x64xf32, #tpu.memory_space<vmem>>)
    "tpu.region"() ({
      %run_scoped3A = tpu.sem_alloc : memref<!tpu.dma_semaphore, #tpu.memory_space<semaphore_mem>>
      %dma_start3A_109 = arith.constant 0 : i32
      %dma_start3A_110 = tpu.memref_slice %arg4[%mul3A_2, %dma_start3A_109] : memref<18432x64xf32, #tpu.memory_space<hbm>> -> memref<576x64xf32, #tpu.memory_space<hbm>>
      %dma_start3A_111 = arith.constant 0 : i32
      %dma_start3A_112 = tpu.memref_slice %arg4[%mul3A_2, %dma_start3A_111] : memref<18432x64xf32, #tpu.memory_space<hbm>> -> memref<576x64xf32, #tpu.memory_space<hbm>>
      tpu.enqueue_dma source(%arg7 : memref<576x64xf32, #tpu.memory_space<vmem>>) target(%dma_start3A_112 : memref<576x64xf32, #tpu.memory_space<hbm>>) target_semaphore(%run_scoped3A : memref<!tpu.dma_semaphore, #tpu.memory_space<semaphore_mem>>)
      %dma_wait3A_113 = arith.constant 0 : i32
      %dma_wait3A_114 = tpu.memref_slice %arg4[%mul3A_2, %dma_wait3A_113] : memref<18432x64xf32, #tpu.memory_space<hbm>> -> memref<576x64xf32, #tpu.memory_space<hbm>>
      %dma_wait3A_115 = arith.constant 0 : i32
      %dma_wait3A_116 = tpu.memref_slice %arg4[%mul3A_2, %dma_wait3A_115] : memref<18432x64xf32, #tpu.memory_space<hbm>> -> memref<576x64xf32, #tpu.memory_space<hbm>>
      tpu.wait_dma2 semaphore(%run_scoped3A : memref<!tpu.dma_semaphore, #tpu.memory_space<semaphore_mem>>) src(%arg7 : memref<576x64xf32, #tpu.memory_space<vmem>>) dst(%dma_wait3A_116 : memref<576x64xf32, #tpu.memory_space<hbm>>)
      tpu.yield
    }) : () -> ()
    "tpu.region"() ({
      %run_scoped3A = tpu.sem_alloc : memref<!tpu.dma_semaphore, #tpu.memory_space<semaphore_mem>>
      %dma_start3A_109 = arith.constant 0 : i32
      %dma_start3A_110 = tpu.memref_slice %arg5[%add3A, %dma_start3A_109] : memref<32x16384xf32, #tpu.memory_space<hbm>> -> memref<1x16384xf32, #tpu.memory_space<hbm>>
      %dma_start3A_111 = tpu.memref_squeeze %dma_start3A_110 : memref<1x16384xf32, #tpu.memory_space<hbm>> -> memref<16384xf32, #tpu.memory_space<hbm>>
      %dma_start3A_112 = arith.constant 0 : i32
      %dma_start3A_113 = tpu.memref_slice %arg5[%add3A, %dma_start3A_112] : memref<32x16384xf32, #tpu.memory_space<hbm>> -> memref<1x16384xf32, #tpu.memory_space<hbm>>
      %dma_start3A_114 = tpu.memref_squeeze %dma_start3A_113 : memref<1x16384xf32, #tpu.memory_space<hbm>> -> memref<16384xf32, #tpu.memory_space<hbm>>
      tpu.enqueue_dma source(%arg8 : memref<16384xf32, #tpu.memory_space<vmem>>) target(%dma_start3A_114 : memref<16384xf32, #tpu.memory_space<hbm>>) target_semaphore(%run_scoped3A : memref<!tpu.dma_semaphore, #tpu.memory_space<semaphore_mem>>)
      %dma_wait3A_115 = arith.constant 0 : i32
      %dma_wait3A_116 = tpu.memref_slice %arg5[%add3A, %dma_wait3A_115] : memref<32x16384xf32, #tpu.memory_space<hbm>> -> memref<1x16384xf32, #tpu.memory_space<hbm>>
      %dma_wait3A_117 = tpu.memref_squeeze %dma_wait3A_116 : memref<1x16384xf32, #tpu.memory_space<hbm>> -> memref<16384xf32, #tpu.memory_space<hbm>>
      %dma_wait3A_118 = arith.constant 0 : i32
      %dma_wait3A_119 = tpu.memref_slice %arg5[%add3A, %dma_wait3A_118] : memref<32x16384xf32, #tpu.memory_space<hbm>> -> memref<1x16384xf32, #tpu.memory_space<hbm>>
      %dma_wait3A_120 = tpu.memref_squeeze %dma_wait3A_119 : memref<1x16384xf32, #tpu.memory_space<hbm>> -> memref<16384xf32, #tpu.memory_space<hbm>>
      tpu.wait_dma2 semaphore(%run_scoped3A : memref<!tpu.dma_semaphore, #tpu.memory_space<semaphore_mem>>) src(%arg8 : memref<16384xf32, #tpu.memory_space<vmem>>) dst(%dma_wait3A_120 : memref<16384xf32, #tpu.memory_space<hbm>>)
      tpu.yield
    }) : () -> ()
    return
  }
}

module attributes {stable_mosaic.version = 14 : i64} {
  func.func @_argmin_block(%arg0: i32, %arg1: memref<512x4x64xf32, #tpu.memory_space<vmem>>, %arg2: memref<4x4096x64xf32, #tpu.memory_space<vmem>>, %arg3: memref<4x4096xf32, #tpu.memory_space<vmem>>, %arg4: memref<4x512xi32, #tpu.memory_space<vmem>>, %arg5: memref<1x1xf32, #tpu.memory_space<vmem>>) attributes {dimension_semantics = [#tpu.dimension_semantics<arbitrary>], iteration_bounds = array<i64: 9>, scalar_prefetch = 0 : i64, scratch_operands = 0 : i64, tpu.core_type = #tpu.core_type<tc>, window_params = [{transform_indices = @transform_0, window_bounds = array<i64: 512, 4, 64>}, {pipeline_mode = #tpu.pipeline_mode<synchronous>, transform_indices = @transform_1, window_bounds = array<i64: 4, 4096, 64>}, {pipeline_mode = #tpu.pipeline_mode<synchronous>, transform_indices = @transform_2, window_bounds = array<i64: 4, 4096>}, {transform_indices = @transform_3, window_bounds = array<i64: 4, 512>}, {pipeline_mode = #tpu.pipeline_mode<synchronous>, transform_indices = @transform_4, window_bounds = array<i64: 1, 1>}]} {
    %get3A = arith.constant 0 : index
    %get3A_0 = arith.constant 0 : index
    %get3A_1 = arith.constant 0 : index
    %get3A_2 = vector.load %arg1[%get3A, %get3A_0, %get3A_1] : memref<512x4x64xf32, #tpu.memory_space<vmem>>, vector<512x4x64xf32>
    %broadcast_in_dim3A = arith.constant 0.000000e+00 : f32
    %broadcast_in_dim3A_3 = vector.broadcast %broadcast_in_dim3A : f32 to vector<1x1xf32>
    %iota3A = tpu.iota {dimensions = array<i32: 1>} : vector<512x128xi32>
    %slice3A = vector.extract_strided_slice %get3A_2 {offsets = [0, 0, 0], sizes = [512, 1, 64], strides = [1, 1, 1]} : vector<512x4x64xf32> to vector<512x1x64xf32>
    %squeeze3A = vector.shape_cast %slice3A : vector<512x1x64xf32> to vector<512x64xf32>
    %mul3A = arith.constant -2.000000e+00 : f32
    %mul3A_4 = vector.broadcast %mul3A : f32 to vector<512x64xf32>
    %mul3A_5 = arith.mulf %squeeze3A, %mul3A_4 : vector<512x64xf32>
    %mul3A_6 = arith.mulf %squeeze3A, %squeeze3A : vector<512x64xf32>
    %reduce_sum3A = arith.constant dense<0.000000e+00> : vector<512xf32>
    %reduce_sum3A_7 = vector.multi_reduction <add>, %mul3A_6, %reduce_sum3A [1] : vector<512x64xf32> to vector<512xf32>
    %broadcast_in_dim3A_8 = vector.shape_cast %reduce_sum3A_7 : vector<512xf32> to vector<512x1xf32>
    %get3A_9 = arith.constant 0 : index
    %get3A_10 = arith.constant 0 : index
    %get3A_11 = arith.constant 0 : index
    %get3A_12 = vector.load %arg2[%get3A_9, %get3A_10, %get3A_11] : memref<4x4096x64xf32, #tpu.memory_space<vmem>>, vector<1x1024x64xf32>
    %get3A_13 = vector.shape_cast %get3A_12 : vector<1x1024x64xf32> to vector<1024x64xf32>
    %dot_general3A = arith.constant dense<0.000000e+00> : vector<512x1024xf32>
    %dot_general3A_14 = tpu.matmul %mul3A_5, %get3A_13, %dot_general3A {dimension_numbers = #tpu.dot_dimension_numbers<[1], [1], [0], [0], [0, 0, 1, 0], [], []>, transpose_lhs_hint = false} : vector<512x64xf32>, vector<1024x64xf32>, vector<512x1024xf32> -> vector<512x1024xf32>
    %slice3A_15 = vector.extract_strided_slice %dot_general3A_14 {offsets = [0, 0], sizes = [512, 128], strides = [1, 1]} : vector<512x1024xf32> to vector<512x128xf32>
    %add3A = vector.broadcast %broadcast_in_dim3A_8 : vector<512x1xf32> to vector<512x128xf32>
    %add3A_16 = arith.addf %add3A, %slice3A_15 : vector<512x128xf32>
    %get3A_17 = arith.constant 0 : index
    %get3A_18 = arith.constant 0 : index
    %get3A_19 = vector.load %arg3[%get3A_17, %get3A_18] : memref<4x4096xf32, #tpu.memory_space<vmem>>, vector<1x128xf32>
    %get3A_20 = vector.shape_cast %get3A_19 : vector<1x128xf32> to vector<128xf32>
    %broadcast_in_dim3A_21 = vector.shape_cast %get3A_20 : vector<128xf32> to vector<1x128xf32>
    %add3A_22 = vector.broadcast %broadcast_in_dim3A_21 : vector<1x128xf32> to vector<512x128xf32>
    %add3A_23 = arith.addf %add3A_16, %add3A_22 : vector<512x128xf32>
    %broadcast_in_dim3A_24 = arith.constant 0 : i32
    %broadcast_in_dim3A_25 = vector.broadcast %broadcast_in_dim3A_24 : i32 to vector<512x128xi32>
    %slice3A_26 = vector.extract_strided_slice %dot_general3A_14 {offsets = [0, 128], sizes = [512, 128], strides = [1, 1]} : vector<512x1024xf32> to vector<512x128xf32>
    %add3A_27 = vector.broadcast %broadcast_in_dim3A_8 : vector<512x1xf32> to vector<512x128xf32>
    %add3A_28 = arith.addf %add3A_27, %slice3A_26 : vector<512x128xf32>
    %get3A_29 = arith.constant 0 : index
    %get3A_30 = arith.constant 128 : index
    %get3A_31 = vector.load %arg3[%get3A_29, %get3A_30] : memref<4x4096xf32, #tpu.memory_space<vmem>>, vector<1x128xf32>
    %get3A_32 = vector.shape_cast %get3A_31 : vector<1x128xf32> to vector<128xf32>
    %broadcast_in_dim3A_33 = vector.shape_cast %get3A_32 : vector<128xf32> to vector<1x128xf32>
    %add3A_34 = vector.broadcast %broadcast_in_dim3A_33 : vector<1x128xf32> to vector<512x128xf32>
    %add3A_35 = arith.addf %add3A_28, %add3A_34 : vector<512x128xf32>
    %lt3A = arith.cmpf olt, %add3A_35, %add3A_23 : vector<512x128xf32>
    %jit3A = arith.constant 1 : i32
    %broadcast_in_dim3A_36 = vector.broadcast %jit3A : i32 to vector<512x128xi32>
    %select_n3A = arith.select %lt3A, %broadcast_in_dim3A_36, %broadcast_in_dim3A_25 : vector<512x128xi1>, vector<512x128xi32>
    %min3A = arith.minimumf %add3A_35, %add3A_23 : vector<512x128xf32>
    %slice3A_37 = vector.extract_strided_slice %dot_general3A_14 {offsets = [0, 256], sizes = [512, 128], strides = [1, 1]} : vector<512x1024xf32> to vector<512x128xf32>
    %add3A_38 = vector.broadcast %broadcast_in_dim3A_8 : vector<512x1xf32> to vector<512x128xf32>
    %add3A_39 = arith.addf %add3A_38, %slice3A_37 : vector<512x128xf32>
    %get3A_40 = arith.constant 0 : index
    %get3A_41 = arith.constant 256 : index
    %get3A_42 = vector.load %arg3[%get3A_40, %get3A_41] : memref<4x4096xf32, #tpu.memory_space<vmem>>, vector<1x128xf32>
    %get3A_43 = vector.shape_cast %get3A_42 : vector<1x128xf32> to vector<128xf32>
    %broadcast_in_dim3A_44 = vector.shape_cast %get3A_43 : vector<128xf32> to vector<1x128xf32>
    %add3A_45 = vector.broadcast %broadcast_in_dim3A_44 : vector<1x128xf32> to vector<512x128xf32>
    %add3A_46 = arith.addf %add3A_39, %add3A_45 : vector<512x128xf32>
    %lt3A_47 = arith.cmpf olt, %add3A_46, %min3A : vector<512x128xf32>
    %jit3A_48 = arith.constant 2 : i32
    %broadcast_in_dim3A_49 = vector.broadcast %jit3A_48 : i32 to vector<512x128xi32>
    %select_n3A_50 = arith.select %lt3A_47, %broadcast_in_dim3A_49, %select_n3A : vector<512x128xi1>, vector<512x128xi32>
    %min3A_51 = arith.minimumf %add3A_46, %min3A : vector<512x128xf32>
    %slice3A_52 = vector.extract_strided_slice %dot_general3A_14 {offsets = [0, 384], sizes = [512, 128], strides = [1, 1]} : vector<512x1024xf32> to vector<512x128xf32>
    %add3A_53 = vector.broadcast %broadcast_in_dim3A_8 : vector<512x1xf32> to vector<512x128xf32>
    %add3A_54 = arith.addf %add3A_53, %slice3A_52 : vector<512x128xf32>
    %get3A_55 = arith.constant 0 : index
    %get3A_56 = arith.constant 384 : index
    %get3A_57 = vector.load %arg3[%get3A_55, %get3A_56] : memref<4x4096xf32, #tpu.memory_space<vmem>>, vector<1x128xf32>
    %get3A_58 = vector.shape_cast %get3A_57 : vector<1x128xf32> to vector<128xf32>
    %broadcast_in_dim3A_59 = vector.shape_cast %get3A_58 : vector<128xf32> to vector<1x128xf32>
    %add3A_60 = vector.broadcast %broadcast_in_dim3A_59 : vector<1x128xf32> to vector<512x128xf32>
    %add3A_61 = arith.addf %add3A_54, %add3A_60 : vector<512x128xf32>
    %lt3A_62 = arith.cmpf olt, %add3A_61, %min3A_51 : vector<512x128xf32>
    %jit3A_63 = arith.constant 3 : i32
    %broadcast_in_dim3A_64 = vector.broadcast %jit3A_63 : i32 to vector<512x128xi32>
    %select_n3A_65 = arith.select %lt3A_62, %broadcast_in_dim3A_64, %select_n3A_50 : vector<512x128xi1>, vector<512x128xi32>
    %min3A_66 = arith.minimumf %add3A_61, %min3A_51 : vector<512x128xf32>
    %slice3A_67 = vector.extract_strided_slice %dot_general3A_14 {offsets = [0, 512], sizes = [512, 128], strides = [1, 1]} : vector<512x1024xf32> to vector<512x128xf32>
    %add3A_68 = vector.broadcast %broadcast_in_dim3A_8 : vector<512x1xf32> to vector<512x128xf32>
    %add3A_69 = arith.addf %add3A_68, %slice3A_67 : vector<512x128xf32>
    %get3A_70 = arith.constant 0 : index
    %get3A_71 = arith.constant 512 : index
    %get3A_72 = vector.load %arg3[%get3A_70, %get3A_71] : memref<4x4096xf32, #tpu.memory_space<vmem>>, vector<1x128xf32>
    %get3A_73 = vector.shape_cast %get3A_72 : vector<1x128xf32> to vector<128xf32>
    %broadcast_in_dim3A_74 = vector.shape_cast %get3A_73 : vector<128xf32> to vector<1x128xf32>
    %add3A_75 = vector.broadcast %broadcast_in_dim3A_74 : vector<1x128xf32> to vector<512x128xf32>
    %add3A_76 = arith.addf %add3A_69, %add3A_75 : vector<512x128xf32>
    %lt3A_77 = arith.cmpf olt, %add3A_76, %min3A_66 : vector<512x128xf32>
    %jit3A_78 = arith.constant 4 : i32
    %broadcast_in_dim3A_79 = vector.broadcast %jit3A_78 : i32 to vector<512x128xi32>
    %select_n3A_80 = arith.select %lt3A_77, %broadcast_in_dim3A_79, %select_n3A_65 : vector<512x128xi1>, vector<512x128xi32>
    %min3A_81 = arith.minimumf %add3A_76, %min3A_66 : vector<512x128xf32>
    %slice3A_82 = vector.extract_strided_slice %dot_general3A_14 {offsets = [0, 640], sizes = [512, 128], strides = [1, 1]} : vector<512x1024xf32> to vector<512x128xf32>
    %add3A_83 = vector.broadcast %broadcast_in_dim3A_8 : vector<512x1xf32> to vector<512x128xf32>
    %add3A_84 = arith.addf %add3A_83, %slice3A_82 : vector<512x128xf32>
    %get3A_85 = arith.constant 0 : index
    %get3A_86 = arith.constant 640 : index
    %get3A_87 = vector.load %arg3[%get3A_85, %get3A_86] : memref<4x4096xf32, #tpu.memory_space<vmem>>, vector<1x128xf32>
    %get3A_88 = vector.shape_cast %get3A_87 : vector<1x128xf32> to vector<128xf32>
    %broadcast_in_dim3A_89 = vector.shape_cast %get3A_88 : vector<128xf32> to vector<1x128xf32>
    %add3A_90 = vector.broadcast %broadcast_in_dim3A_89 : vector<1x128xf32> to vector<512x128xf32>
    %add3A_91 = arith.addf %add3A_84, %add3A_90 : vector<512x128xf32>
    %lt3A_92 = arith.cmpf olt, %add3A_91, %min3A_81 : vector<512x128xf32>
    %jit3A_93 = arith.constant 5 : i32
    %broadcast_in_dim3A_94 = vector.broadcast %jit3A_93 : i32 to vector<512x128xi32>
    %select_n3A_95 = arith.select %lt3A_92, %broadcast_in_dim3A_94, %select_n3A_80 : vector<512x128xi1>, vector<512x128xi32>
    %min3A_96 = arith.minimumf %add3A_91, %min3A_81 : vector<512x128xf32>
    %slice3A_97 = vector.extract_strided_slice %dot_general3A_14 {offsets = [0, 768], sizes = [512, 128], strides = [1, 1]} : vector<512x1024xf32> to vector<512x128xf32>
    %add3A_98 = vector.broadcast %broadcast_in_dim3A_8 : vector<512x1xf32> to vector<512x128xf32>
    %add3A_99 = arith.addf %add3A_98, %slice3A_97 : vector<512x128xf32>
    %get3A_100 = arith.constant 0 : index
    %get3A_101 = arith.constant 768 : index
    %get3A_102 = vector.load %arg3[%get3A_100, %get3A_101] : memref<4x4096xf32, #tpu.memory_space<vmem>>, vector<1x128xf32>
    %get3A_103 = vector.shape_cast %get3A_102 : vector<1x128xf32> to vector<128xf32>
    %broadcast_in_dim3A_104 = vector.shape_cast %get3A_103 : vector<128xf32> to vector<1x128xf32>
    %add3A_105 = vector.broadcast %broadcast_in_dim3A_104 : vector<1x128xf32> to vector<512x128xf32>
    %add3A_106 = arith.addf %add3A_99, %add3A_105 : vector<512x128xf32>
    %lt3A_107 = arith.cmpf olt, %add3A_106, %min3A_96 : vector<512x128xf32>
    %jit3A_108 = arith.constant 6 : i32
    %broadcast_in_dim3A_109 = vector.broadcast %jit3A_108 : i32 to vector<512x128xi32>
    %select_n3A_110 = arith.select %lt3A_107, %broadcast_in_dim3A_109, %select_n3A_95 : vector<512x128xi1>, vector<512x128xi32>
    %min3A_111 = arith.minimumf %add3A_106, %min3A_96 : vector<512x128xf32>
    %slice3A_112 = vector.extract_strided_slice %dot_general3A_14 {offsets = [0, 896], sizes = [512, 128], strides = [1, 1]} : vector<512x1024xf32> to vector<512x128xf32>
    %add3A_113 = vector.broadcast %broadcast_in_dim3A_8 : vector<512x1xf32> to vector<512x128xf32>
    %add3A_114 = arith.addf %add3A_113, %slice3A_112 : vector<512x128xf32>
    %get3A_115 = arith.constant 0 : index
    %get3A_116 = arith.constant 896 : index
    %get3A_117 = vector.load %arg3[%get3A_115, %get3A_116] : memref<4x4096xf32, #tpu.memory_space<vmem>>, vector<1x128xf32>
    %get3A_118 = vector.shape_cast %get3A_117 : vector<1x128xf32> to vector<128xf32>
    %broadcast_in_dim3A_119 = vector.shape_cast %get3A_118 : vector<128xf32> to vector<1x128xf32>
    %add3A_120 = vector.broadcast %broadcast_in_dim3A_119 : vector<1x128xf32> to vector<512x128xf32>
    %add3A_121 = arith.addf %add3A_114, %add3A_120 : vector<512x128xf32>
    %lt3A_122 = arith.cmpf olt, %add3A_121, %min3A_111 : vector<512x128xf32>
    %jit3A_123 = arith.constant 7 : i32
    %broadcast_in_dim3A_124 = vector.broadcast %jit3A_123 : i32 to vector<512x128xi32>
    %select_n3A_125 = arith.select %lt3A_122, %broadcast_in_dim3A_124, %select_n3A_110 : vector<512x128xi1>, vector<512x128xi32>
    %min3A_126 = arith.minimumf %add3A_121, %min3A_111 : vector<512x128xf32>
    %get3A_127 = arith.constant 0 : index
    %get3A_128 = arith.constant 1024 : index
    %get3A_129 = arith.constant 0 : index
    %get3A_130 = vector.load %arg2[%get3A_127, %get3A_128, %get3A_129] : memref<4x4096x64xf32, #tpu.memory_space<vmem>>, vector<1x1024x64xf32>
    %get3A_131 = vector.shape_cast %get3A_130 : vector<1x1024x64xf32> to vector<1024x64xf32>
    %dot_general3A_132 = arith.constant dense<0.000000e+00> : vector<512x1024xf32>
    %dot_general3A_133 = tpu.matmul %mul3A_5, %get3A_131, %dot_general3A_132 {dimension_numbers = #tpu.dot_dimension_numbers<[1], [1], [0], [0], [0, 0, 1, 0], [], []>, transpose_lhs_hint = false} : vector<512x64xf32>, vector<1024x64xf32>, vector<512x1024xf32> -> vector<512x1024xf32>
    %slice3A_134 = vector.extract_strided_slice %dot_general3A_133 {offsets = [0, 0], sizes = [512, 128], strides = [1, 1]} : vector<512x1024xf32> to vector<512x128xf32>
    %add3A_135 = vector.broadcast %broadcast_in_dim3A_8 : vector<512x1xf32> to vector<512x128xf32>
    %add3A_136 = arith.addf %add3A_135, %slice3A_134 : vector<512x128xf32>
    %get3A_137 = arith.constant 0 : index
    %get3A_138 = arith.constant 1024 : index
    %get3A_139 = vector.load %arg3[%get3A_137, %get3A_138] : memref<4x4096xf32, #tpu.memory_space<vmem>>, vector<1x128xf32>
    %get3A_140 = vector.shape_cast %get3A_139 : vector<1x128xf32> to vector<128xf32>
    %broadcast_in_dim3A_141 = vector.shape_cast %get3A_140 : vector<128xf32> to vector<1x128xf32>
    %add3A_142 = vector.broadcast %broadcast_in_dim3A_141 : vector<1x128xf32> to vector<512x128xf32>
    %add3A_143 = arith.addf %add3A_136, %add3A_142 : vector<512x128xf32>
    %lt3A_144 = arith.cmpf olt, %add3A_143, %min3A_126 : vector<512x128xf32>
    %jit3A_145 = arith.constant 8 : i32
    %broadcast_in_dim3A_146 = vector.broadcast %jit3A_145 : i32 to vector<512x128xi32>
    %select_n3A_147 = arith.select %lt3A_144, %broadcast_in_dim3A_146, %select_n3A_125 : vector<512x128xi1>, vector<512x128xi32>
    %min3A_148 = arith.minimumf %add3A_143, %min3A_126 : vector<512x128xf32>
    %slice3A_149 = vector.extract_strided_slice %dot_general3A_133 {offsets = [0, 128], sizes = [512, 128], strides = [1, 1]} : vector<512x1024xf32> to vector<512x128xf32>
    %add3A_150 = vector.broadcast %broadcast_in_dim3A_8 : vector<512x1xf32> to vector<512x128xf32>
    %add3A_151 = arith.addf %add3A_150, %slice3A_149 : vector<512x128xf32>
    %get3A_152 = arith.constant 0 : index
    %get3A_153 = arith.constant 1152 : index
    %get3A_154 = vector.load %arg3[%get3A_152, %get3A_153] : memref<4x4096xf32, #tpu.memory_space<vmem>>, vector<1x128xf32>
    %get3A_155 = vector.shape_cast %get3A_154 : vector<1x128xf32> to vector<128xf32>
    %broadcast_in_dim3A_156 = vector.shape_cast %get3A_155 : vector<128xf32> to vector<1x128xf32>
    %add3A_157 = vector.broadcast %broadcast_in_dim3A_156 : vector<1x128xf32> to vector<512x128xf32>
    %add3A_158 = arith.addf %add3A_151, %add3A_157 : vector<512x128xf32>
    %lt3A_159 = arith.cmpf olt, %add3A_158, %min3A_148 : vector<512x128xf32>
    %jit3A_160 = arith.constant 9 : i32
    %broadcast_in_dim3A_161 = vector.broadcast %jit3A_160 : i32 to vector<512x128xi32>
    %select_n3A_162 = arith.select %lt3A_159, %broadcast_in_dim3A_161, %select_n3A_147 : vector<512x128xi1>, vector<512x128xi32>
    %min3A_163 = arith.minimumf %add3A_158, %min3A_148 : vector<512x128xf32>
    %slice3A_164 = vector.extract_strided_slice %dot_general3A_133 {offsets = [0, 256], sizes = [512, 128], strides = [1, 1]} : vector<512x1024xf32> to vector<512x128xf32>
    %add3A_165 = vector.broadcast %broadcast_in_dim3A_8 : vector<512x1xf32> to vector<512x128xf32>
    %add3A_166 = arith.addf %add3A_165, %slice3A_164 : vector<512x128xf32>
    %get3A_167 = arith.constant 0 : index
    %get3A_168 = arith.constant 1280 : index
    %get3A_169 = vector.load %arg3[%get3A_167, %get3A_168] : memref<4x4096xf32, #tpu.memory_space<vmem>>, vector<1x128xf32>
    %get3A_170 = vector.shape_cast %get3A_169 : vector<1x128xf32> to vector<128xf32>
    %broadcast_in_dim3A_171 = vector.shape_cast %get3A_170 : vector<128xf32> to vector<1x128xf32>
    %add3A_172 = vector.broadcast %broadcast_in_dim3A_171 : vector<1x128xf32> to vector<512x128xf32>
    %add3A_173 = arith.addf %add3A_166, %add3A_172 : vector<512x128xf32>
    %lt3A_174 = arith.cmpf olt, %add3A_173, %min3A_163 : vector<512x128xf32>
    %jit3A_175 = arith.constant 10 : i32
    %broadcast_in_dim3A_176 = vector.broadcast %jit3A_175 : i32 to vector<512x128xi32>
    %select_n3A_177 = arith.select %lt3A_174, %broadcast_in_dim3A_176, %select_n3A_162 : vector<512x128xi1>, vector<512x128xi32>
    %min3A_178 = arith.minimumf %add3A_173, %min3A_163 : vector<512x128xf32>
    %slice3A_179 = vector.extract_strided_slice %dot_general3A_133 {offsets = [0, 384], sizes = [512, 128], strides = [1, 1]} : vector<512x1024xf32> to vector<512x128xf32>
    %add3A_180 = vector.broadcast %broadcast_in_dim3A_8 : vector<512x1xf32> to vector<512x128xf32>
    %add3A_181 = arith.addf %add3A_180, %slice3A_179 : vector<512x128xf32>
    %get3A_182 = arith.constant 0 : index
    %get3A_183 = arith.constant 1408 : index
    %get3A_184 = vector.load %arg3[%get3A_182, %get3A_183] : memref<4x4096xf32, #tpu.memory_space<vmem>>, vector<1x128xf32>
    %get3A_185 = vector.shape_cast %get3A_184 : vector<1x128xf32> to vector<128xf32>
    %broadcast_in_dim3A_186 = vector.shape_cast %get3A_185 : vector<128xf32> to vector<1x128xf32>
    %add3A_187 = vector.broadcast %broadcast_in_dim3A_186 : vector<1x128xf32> to vector<512x128xf32>
    %add3A_188 = arith.addf %add3A_181, %add3A_187 : vector<512x128xf32>
    %lt3A_189 = arith.cmpf olt, %add3A_188, %min3A_178 : vector<512x128xf32>
    %jit3A_190 = arith.constant 11 : i32
    %broadcast_in_dim3A_191 = vector.broadcast %jit3A_190 : i32 to vector<512x128xi32>
    %select_n3A_192 = arith.select %lt3A_189, %broadcast_in_dim3A_191, %select_n3A_177 : vector<512x128xi1>, vector<512x128xi32>
    %min3A_193 = arith.minimumf %add3A_188, %min3A_178 : vector<512x128xf32>
    %slice3A_194 = vector.extract_strided_slice %dot_general3A_133 {offsets = [0, 512], sizes = [512, 128], strides = [1, 1]} : vector<512x1024xf32> to vector<512x128xf32>
    %add3A_195 = vector.broadcast %broadcast_in_dim3A_8 : vector<512x1xf32> to vector<512x128xf32>
    %add3A_196 = arith.addf %add3A_195, %slice3A_194 : vector<512x128xf32>
    %get3A_197 = arith.constant 0 : index
    %get3A_198 = arith.constant 1536 : index
    %get3A_199 = vector.load %arg3[%get3A_197, %get3A_198] : memref<4x4096xf32, #tpu.memory_space<vmem>>, vector<1x128xf32>
    %get3A_200 = vector.shape_cast %get3A_199 : vector<1x128xf32> to vector<128xf32>
    %broadcast_in_dim3A_201 = vector.shape_cast %get3A_200 : vector<128xf32> to vector<1x128xf32>
    %add3A_202 = vector.broadcast %broadcast_in_dim3A_201 : vector<1x128xf32> to vector<512x128xf32>
    %add3A_203 = arith.addf %add3A_196, %add3A_202 : vector<512x128xf32>
    %lt3A_204 = arith.cmpf olt, %add3A_203, %min3A_193 : vector<512x128xf32>
    %jit3A_205 = arith.constant 12 : i32
    %broadcast_in_dim3A_206 = vector.broadcast %jit3A_205 : i32 to vector<512x128xi32>
    %select_n3A_207 = arith.select %lt3A_204, %broadcast_in_dim3A_206, %select_n3A_192 : vector<512x128xi1>, vector<512x128xi32>
    %min3A_208 = arith.minimumf %add3A_203, %min3A_193 : vector<512x128xf32>
    %slice3A_209 = vector.extract_strided_slice %dot_general3A_133 {offsets = [0, 640], sizes = [512, 128], strides = [1, 1]} : vector<512x1024xf32> to vector<512x128xf32>
    %add3A_210 = vector.broadcast %broadcast_in_dim3A_8 : vector<512x1xf32> to vector<512x128xf32>
    %add3A_211 = arith.addf %add3A_210, %slice3A_209 : vector<512x128xf32>
    %get3A_212 = arith.constant 0 : index
    %get3A_213 = arith.constant 1664 : index
    %get3A_214 = vector.load %arg3[%get3A_212, %get3A_213] : memref<4x4096xf32, #tpu.memory_space<vmem>>, vector<1x128xf32>
    %get3A_215 = vector.shape_cast %get3A_214 : vector<1x128xf32> to vector<128xf32>
    %broadcast_in_dim3A_216 = vector.shape_cast %get3A_215 : vector<128xf32> to vector<1x128xf32>
    %add3A_217 = vector.broadcast %broadcast_in_dim3A_216 : vector<1x128xf32> to vector<512x128xf32>
    %add3A_218 = arith.addf %add3A_211, %add3A_217 : vector<512x128xf32>
    %lt3A_219 = arith.cmpf olt, %add3A_218, %min3A_208 : vector<512x128xf32>
    %jit3A_220 = arith.constant 13 : i32
    %broadcast_in_dim3A_221 = vector.broadcast %jit3A_220 : i32 to vector<512x128xi32>
    %select_n3A_222 = arith.select %lt3A_219, %broadcast_in_dim3A_221, %select_n3A_207 : vector<512x128xi1>, vector<512x128xi32>
    %min3A_223 = arith.minimumf %add3A_218, %min3A_208 : vector<512x128xf32>
    %slice3A_224 = vector.extract_strided_slice %dot_general3A_133 {offsets = [0, 768], sizes = [512, 128], strides = [1, 1]} : vector<512x1024xf32> to vector<512x128xf32>
    %add3A_225 = vector.broadcast %broadcast_in_dim3A_8 : vector<512x1xf32> to vector<512x128xf32>
    %add3A_226 = arith.addf %add3A_225, %slice3A_224 : vector<512x128xf32>
    %get3A_227 = arith.constant 0 : index
    %get3A_228 = arith.constant 1792 : index
    %get3A_229 = vector.load %arg3[%get3A_227, %get3A_228] : memref<4x4096xf32, #tpu.memory_space<vmem>>, vector<1x128xf32>
    %get3A_230 = vector.shape_cast %get3A_229 : vector<1x128xf32> to vector<128xf32>
    %broadcast_in_dim3A_231 = vector.shape_cast %get3A_230 : vector<128xf32> to vector<1x128xf32>
    %add3A_232 = vector.broadcast %broadcast_in_dim3A_231 : vector<1x128xf32> to vector<512x128xf32>
    %add3A_233 = arith.addf %add3A_226, %add3A_232 : vector<512x128xf32>
    %lt3A_234 = arith.cmpf olt, %add3A_233, %min3A_223 : vector<512x128xf32>
    %jit3A_235 = arith.constant 14 : i32
    %broadcast_in_dim3A_236 = vector.broadcast %jit3A_235 : i32 to vector<512x128xi32>
    %select_n3A_237 = arith.select %lt3A_234, %broadcast_in_dim3A_236, %select_n3A_222 : vector<512x128xi1>, vector<512x128xi32>
    %min3A_238 = arith.minimumf %add3A_233, %min3A_223 : vector<512x128xf32>
    %slice3A_239 = vector.extract_strided_slice %dot_general3A_133 {offsets = [0, 896], sizes = [512, 128], strides = [1, 1]} : vector<512x1024xf32> to vector<512x128xf32>
    %add3A_240 = vector.broadcast %broadcast_in_dim3A_8 : vector<512x1xf32> to vector<512x128xf32>
    %add3A_241 = arith.addf %add3A_240, %slice3A_239 : vector<512x128xf32>
    %get3A_242 = arith.constant 0 : index
    %get3A_243 = arith.constant 1920 : index
    %get3A_244 = vector.load %arg3[%get3A_242, %get3A_243] : memref<4x4096xf32, #tpu.memory_space<vmem>>, vector<1x128xf32>
    %get3A_245 = vector.shape_cast %get3A_244 : vector<1x128xf32> to vector<128xf32>
    %broadcast_in_dim3A_246 = vector.shape_cast %get3A_245 : vector<128xf32> to vector<1x128xf32>
    %add3A_247 = vector.broadcast %broadcast_in_dim3A_246 : vector<1x128xf32> to vector<512x128xf32>
    %add3A_248 = arith.addf %add3A_241, %add3A_247 : vector<512x128xf32>
    %lt3A_249 = arith.cmpf olt, %add3A_248, %min3A_238 : vector<512x128xf32>
    %jit3A_250 = arith.constant 15 : i32
    %broadcast_in_dim3A_251 = vector.broadcast %jit3A_250 : i32 to vector<512x128xi32>
    %select_n3A_252 = arith.select %lt3A_249, %broadcast_in_dim3A_251, %select_n3A_237 : vector<512x128xi1>, vector<512x128xi32>
    %min3A_253 = arith.minimumf %add3A_248, %min3A_238 : vector<512x128xf32>
    %get3A_254 = arith.constant 0 : index
    %get3A_255 = arith.constant 2048 : index
    %get3A_256 = arith.constant 0 : index
    %get3A_257 = vector.load %arg2[%get3A_254, %get3A_255, %get3A_256] : memref<4x4096x64xf32, #tpu.memory_space<vmem>>, vector<1x1024x64xf32>
    %get3A_258 = vector.shape_cast %get3A_257 : vector<1x1024x64xf32> to vector<1024x64xf32>
    %dot_general3A_259 = arith.constant dense<0.000000e+00> : vector<512x1024xf32>
    %dot_general3A_260 = tpu.matmul %mul3A_5, %get3A_258, %dot_general3A_259 {dimension_numbers = #tpu.dot_dimension_numbers<[1], [1], [0], [0], [0, 0, 1, 0], [], []>, transpose_lhs_hint = false} : vector<512x64xf32>, vector<1024x64xf32>, vector<512x1024xf32> -> vector<512x1024xf32>
    %slice3A_261 = vector.extract_strided_slice %dot_general3A_260 {offsets = [0, 0], sizes = [512, 128], strides = [1, 1]} : vector<512x1024xf32> to vector<512x128xf32>
    %add3A_262 = vector.broadcast %broadcast_in_dim3A_8 : vector<512x1xf32> to vector<512x128xf32>
    %add3A_263 = arith.addf %add3A_262, %slice3A_261 : vector<512x128xf32>
    %get3A_264 = arith.constant 0 : index
    %get3A_265 = arith.constant 2048 : index
    %get3A_266 = vector.load %arg3[%get3A_264, %get3A_265] : memref<4x4096xf32, #tpu.memory_space<vmem>>, vector<1x128xf32>
    %get3A_267 = vector.shape_cast %get3A_266 : vector<1x128xf32> to vector<128xf32>
    %broadcast_in_dim3A_268 = vector.shape_cast %get3A_267 : vector<128xf32> to vector<1x128xf32>
    %add3A_269 = vector.broadcast %broadcast_in_dim3A_268 : vector<1x128xf32> to vector<512x128xf32>
    %add3A_270 = arith.addf %add3A_263, %add3A_269 : vector<512x128xf32>
    %lt3A_271 = arith.cmpf olt, %add3A_270, %min3A_253 : vector<512x128xf32>
    %jit3A_272 = arith.constant 16 : i32
    %broadcast_in_dim3A_273 = vector.broadcast %jit3A_272 : i32 to vector<512x128xi32>
    %select_n3A_274 = arith.select %lt3A_271, %broadcast_in_dim3A_273, %select_n3A_252 : vector<512x128xi1>, vector<512x128xi32>
    %min3A_275 = arith.minimumf %add3A_270, %min3A_253 : vector<512x128xf32>
    %slice3A_276 = vector.extract_strided_slice %dot_general3A_260 {offsets = [0, 128], sizes = [512, 128], strides = [1, 1]} : vector<512x1024xf32> to vector<512x128xf32>
    %add3A_277 = vector.broadcast %broadcast_in_dim3A_8 : vector<512x1xf32> to vector<512x128xf32>
    %add3A_278 = arith.addf %add3A_277, %slice3A_276 : vector<512x128xf32>
    %get3A_279 = arith.constant 0 : index
    %get3A_280 = arith.constant 2176 : index
    %get3A_281 = vector.load %arg3[%get3A_279, %get3A_280] : memref<4x4096xf32, #tpu.memory_space<vmem>>, vector<1x128xf32>
    %get3A_282 = vector.shape_cast %get3A_281 : vector<1x128xf32> to vector<128xf32>
    %broadcast_in_dim3A_283 = vector.shape_cast %get3A_282 : vector<128xf32> to vector<1x128xf32>
    %add3A_284 = vector.broadcast %broadcast_in_dim3A_283 : vector<1x128xf32> to vector<512x128xf32>
    %add3A_285 = arith.addf %add3A_278, %add3A_284 : vector<512x128xf32>
    %lt3A_286 = arith.cmpf olt, %add3A_285, %min3A_275 : vector<512x128xf32>
    %jit3A_287 = arith.constant 17 : i32
    %broadcast_in_dim3A_288 = vector.broadcast %jit3A_287 : i32 to vector<512x128xi32>
    %select_n3A_289 = arith.select %lt3A_286, %broadcast_in_dim3A_288, %select_n3A_274 : vector<512x128xi1>, vector<512x128xi32>
    %min3A_290 = arith.minimumf %add3A_285, %min3A_275 : vector<512x128xf32>
    %slice3A_291 = vector.extract_strided_slice %dot_general3A_260 {offsets = [0, 256], sizes = [512, 128], strides = [1, 1]} : vector<512x1024xf32> to vector<512x128xf32>
    %add3A_292 = vector.broadcast %broadcast_in_dim3A_8 : vector<512x1xf32> to vector<512x128xf32>
    %add3A_293 = arith.addf %add3A_292, %slice3A_291 : vector<512x128xf32>
    %get3A_294 = arith.constant 0 : index
    %get3A_295 = arith.constant 2304 : index
    %get3A_296 = vector.load %arg3[%get3A_294, %get3A_295] : memref<4x4096xf32, #tpu.memory_space<vmem>>, vector<1x128xf32>
    %get3A_297 = vector.shape_cast %get3A_296 : vector<1x128xf32> to vector<128xf32>
    %broadcast_in_dim3A_298 = vector.shape_cast %get3A_297 : vector<128xf32> to vector<1x128xf32>
    %add3A_299 = vector.broadcast %broadcast_in_dim3A_298 : vector<1x128xf32> to vector<512x128xf32>
    %add3A_300 = arith.addf %add3A_293, %add3A_299 : vector<512x128xf32>
    %lt3A_301 = arith.cmpf olt, %add3A_300, %min3A_290 : vector<512x128xf32>
    %jit3A_302 = arith.constant 18 : i32
    %broadcast_in_dim3A_303 = vector.broadcast %jit3A_302 : i32 to vector<512x128xi32>
    %select_n3A_304 = arith.select %lt3A_301, %broadcast_in_dim3A_303, %select_n3A_289 : vector<512x128xi1>, vector<512x128xi32>
    %min3A_305 = arith.minimumf %add3A_300, %min3A_290 : vector<512x128xf32>
    %slice3A_306 = vector.extract_strided_slice %dot_general3A_260 {offsets = [0, 384], sizes = [512, 128], strides = [1, 1]} : vector<512x1024xf32> to vector<512x128xf32>
    %add3A_307 = vector.broadcast %broadcast_in_dim3A_8 : vector<512x1xf32> to vector<512x128xf32>
    %add3A_308 = arith.addf %add3A_307, %slice3A_306 : vector<512x128xf32>
    %get3A_309 = arith.constant 0 : index
    %get3A_310 = arith.constant 2432 : index
    %get3A_311 = vector.load %arg3[%get3A_309, %get3A_310] : memref<4x4096xf32, #tpu.memory_space<vmem>>, vector<1x128xf32>
    %get3A_312 = vector.shape_cast %get3A_311 : vector<1x128xf32> to vector<128xf32>
    %broadcast_in_dim3A_313 = vector.shape_cast %get3A_312 : vector<128xf32> to vector<1x128xf32>
    %add3A_314 = vector.broadcast %broadcast_in_dim3A_313 : vector<1x128xf32> to vector<512x128xf32>
    %add3A_315 = arith.addf %add3A_308, %add3A_314 : vector<512x128xf32>
    %lt3A_316 = arith.cmpf olt, %add3A_315, %min3A_305 : vector<512x128xf32>
    %jit3A_317 = arith.constant 19 : i32
    %broadcast_in_dim3A_318 = vector.broadcast %jit3A_317 : i32 to vector<512x128xi32>
    %select_n3A_319 = arith.select %lt3A_316, %broadcast_in_dim3A_318, %select_n3A_304 : vector<512x128xi1>, vector<512x128xi32>
    %min3A_320 = arith.minimumf %add3A_315, %min3A_305 : vector<512x128xf32>
    %slice3A_321 = vector.extract_strided_slice %dot_general3A_260 {offsets = [0, 512], sizes = [512, 128], strides = [1, 1]} : vector<512x1024xf32> to vector<512x128xf32>
    %add3A_322 = vector.broadcast %broadcast_in_dim3A_8 : vector<512x1xf32> to vector<512x128xf32>
    %add3A_323 = arith.addf %add3A_322, %slice3A_321 : vector<512x128xf32>
    %get3A_324 = arith.constant 0 : index
    %get3A_325 = arith.constant 2560 : index
    %get3A_326 = vector.load %arg3[%get3A_324, %get3A_325] : memref<4x4096xf32, #tpu.memory_space<vmem>>, vector<1x128xf32>
    %get3A_327 = vector.shape_cast %get3A_326 : vector<1x128xf32> to vector<128xf32>
    %broadcast_in_dim3A_328 = vector.shape_cast %get3A_327 : vector<128xf32> to vector<1x128xf32>
    %add3A_329 = vector.broadcast %broadcast_in_dim3A_328 : vector<1x128xf32> to vector<512x128xf32>
    %add3A_330 = arith.addf %add3A_323, %add3A_329 : vector<512x128xf32>
    %lt3A_331 = arith.cmpf olt, %add3A_330, %min3A_320 : vector<512x128xf32>
    %jit3A_332 = arith.constant 20 : i32
    %broadcast_in_dim3A_333 = vector.broadcast %jit3A_332 : i32 to vector<512x128xi32>
    %select_n3A_334 = arith.select %lt3A_331, %broadcast_in_dim3A_333, %select_n3A_319 : vector<512x128xi1>, vector<512x128xi32>
    %min3A_335 = arith.minimumf %add3A_330, %min3A_320 : vector<512x128xf32>
    %slice3A_336 = vector.extract_strided_slice %dot_general3A_260 {offsets = [0, 640], sizes = [512, 128], strides = [1, 1]} : vector<512x1024xf32> to vector<512x128xf32>
    %add3A_337 = vector.broadcast %broadcast_in_dim3A_8 : vector<512x1xf32> to vector<512x128xf32>
    %add3A_338 = arith.addf %add3A_337, %slice3A_336 : vector<512x128xf32>
    %get3A_339 = arith.constant 0 : index
    %get3A_340 = arith.constant 2688 : index
    %get3A_341 = vector.load %arg3[%get3A_339, %get3A_340] : memref<4x4096xf32, #tpu.memory_space<vmem>>, vector<1x128xf32>
    %get3A_342 = vector.shape_cast %get3A_341 : vector<1x128xf32> to vector<128xf32>
    %broadcast_in_dim3A_343 = vector.shape_cast %get3A_342 : vector<128xf32> to vector<1x128xf32>
    %add3A_344 = vector.broadcast %broadcast_in_dim3A_343 : vector<1x128xf32> to vector<512x128xf32>
    %add3A_345 = arith.addf %add3A_338, %add3A_344 : vector<512x128xf32>
    %lt3A_346 = arith.cmpf olt, %add3A_345, %min3A_335 : vector<512x128xf32>
    %jit3A_347 = arith.constant 21 : i32
    %broadcast_in_dim3A_348 = vector.broadcast %jit3A_347 : i32 to vector<512x128xi32>
    %select_n3A_349 = arith.select %lt3A_346, %broadcast_in_dim3A_348, %select_n3A_334 : vector<512x128xi1>, vector<512x128xi32>
    %min3A_350 = arith.minimumf %add3A_345, %min3A_335 : vector<512x128xf32>
    %slice3A_351 = vector.extract_strided_slice %dot_general3A_260 {offsets = [0, 768], sizes = [512, 128], strides = [1, 1]} : vector<512x1024xf32> to vector<512x128xf32>
    %add3A_352 = vector.broadcast %broadcast_in_dim3A_8 : vector<512x1xf32> to vector<512x128xf32>
    %add3A_353 = arith.addf %add3A_352, %slice3A_351 : vector<512x128xf32>
    %get3A_354 = arith.constant 0 : index
    %get3A_355 = arith.constant 2816 : index
    %get3A_356 = vector.load %arg3[%get3A_354, %get3A_355] : memref<4x4096xf32, #tpu.memory_space<vmem>>, vector<1x128xf32>
    %get3A_357 = vector.shape_cast %get3A_356 : vector<1x128xf32> to vector<128xf32>
    %broadcast_in_dim3A_358 = vector.shape_cast %get3A_357 : vector<128xf32> to vector<1x128xf32>
    %add3A_359 = vector.broadcast %broadcast_in_dim3A_358 : vector<1x128xf32> to vector<512x128xf32>
    %add3A_360 = arith.addf %add3A_353, %add3A_359 : vector<512x128xf32>
    %lt3A_361 = arith.cmpf olt, %add3A_360, %min3A_350 : vector<512x128xf32>
    %jit3A_362 = arith.constant 22 : i32
    %broadcast_in_dim3A_363 = vector.broadcast %jit3A_362 : i32 to vector<512x128xi32>
    %select_n3A_364 = arith.select %lt3A_361, %broadcast_in_dim3A_363, %select_n3A_349 : vector<512x128xi1>, vector<512x128xi32>
    %min3A_365 = arith.minimumf %add3A_360, %min3A_350 : vector<512x128xf32>
    %slice3A_366 = vector.extract_strided_slice %dot_general3A_260 {offsets = [0, 896], sizes = [512, 128], strides = [1, 1]} : vector<512x1024xf32> to vector<512x128xf32>
    %add3A_367 = vector.broadcast %broadcast_in_dim3A_8 : vector<512x1xf32> to vector<512x128xf32>
    %add3A_368 = arith.addf %add3A_367, %slice3A_366 : vector<512x128xf32>
    %get3A_369 = arith.constant 0 : index
    %get3A_370 = arith.constant 2944 : index
    %get3A_371 = vector.load %arg3[%get3A_369, %get3A_370] : memref<4x4096xf32, #tpu.memory_space<vmem>>, vector<1x128xf32>
    %get3A_372 = vector.shape_cast %get3A_371 : vector<1x128xf32> to vector<128xf32>
    %broadcast_in_dim3A_373 = vector.shape_cast %get3A_372 : vector<128xf32> to vector<1x128xf32>
    %add3A_374 = vector.broadcast %broadcast_in_dim3A_373 : vector<1x128xf32> to vector<512x128xf32>
    %add3A_375 = arith.addf %add3A_368, %add3A_374 : vector<512x128xf32>
    %lt3A_376 = arith.cmpf olt, %add3A_375, %min3A_365 : vector<512x128xf32>
    %jit3A_377 = arith.constant 23 : i32
    %broadcast_in_dim3A_378 = vector.broadcast %jit3A_377 : i32 to vector<512x128xi32>
    %select_n3A_379 = arith.select %lt3A_376, %broadcast_in_dim3A_378, %select_n3A_364 : vector<512x128xi1>, vector<512x128xi32>
    %min3A_380 = arith.minimumf %add3A_375, %min3A_365 : vector<512x128xf32>
    %get3A_381 = arith.constant 0 : index
    %get3A_382 = arith.constant 3072 : index
    %get3A_383 = arith.constant 0 : index
    %get3A_384 = vector.load %arg2[%get3A_381, %get3A_382, %get3A_383] : memref<4x4096x64xf32, #tpu.memory_space<vmem>>, vector<1x1024x64xf32>
    %get3A_385 = vector.shape_cast %get3A_384 : vector<1x1024x64xf32> to vector<1024x64xf32>
    %dot_general3A_386 = arith.constant dense<0.000000e+00> : vector<512x1024xf32>
    %dot_general3A_387 = tpu.matmul %mul3A_5, %get3A_385, %dot_general3A_386 {dimension_numbers = #tpu.dot_dimension_numbers<[1], [1], [0], [0], [0, 0, 1, 0], [], []>, transpose_lhs_hint = false} : vector<512x64xf32>, vector<1024x64xf32>, vector<512x1024xf32> -> vector<512x1024xf32>
    %slice3A_388 = vector.extract_strided_slice %dot_general3A_387 {offsets = [0, 0], sizes = [512, 128], strides = [1, 1]} : vector<512x1024xf32> to vector<512x128xf32>
    %add3A_389 = vector.broadcast %broadcast_in_dim3A_8 : vector<512x1xf32> to vector<512x128xf32>
    %add3A_390 = arith.addf %add3A_389, %slice3A_388 : vector<512x128xf32>
    %get3A_391 = arith.constant 0 : index
    %get3A_392 = arith.constant 3072 : index
    %get3A_393 = vector.load %arg3[%get3A_391, %get3A_392] : memref<4x4096xf32, #tpu.memory_space<vmem>>, vector<1x128xf32>
    %get3A_394 = vector.shape_cast %get3A_393 : vector<1x128xf32> to vector<128xf32>
    %broadcast_in_dim3A_395 = vector.shape_cast %get3A_394 : vector<128xf32> to vector<1x128xf32>
    %add3A_396 = vector.broadcast %broadcast_in_dim3A_395 : vector<1x128xf32> to vector<512x128xf32>
    %add3A_397 = arith.addf %add3A_390, %add3A_396 : vector<512x128xf32>
    %lt3A_398 = arith.cmpf olt, %add3A_397, %min3A_380 : vector<512x128xf32>
    %jit3A_399 = arith.constant 24 : i32
    %broadcast_in_dim3A_400 = vector.broadcast %jit3A_399 : i32 to vector<512x128xi32>
    %select_n3A_401 = arith.select %lt3A_398, %broadcast_in_dim3A_400, %select_n3A_379 : vector<512x128xi1>, vector<512x128xi32>
    %min3A_402 = arith.minimumf %add3A_397, %min3A_380 : vector<512x128xf32>
    %slice3A_403 = vector.extract_strided_slice %dot_general3A_387 {offsets = [0, 128], sizes = [512, 128], strides = [1, 1]} : vector<512x1024xf32> to vector<512x128xf32>
    %add3A_404 = vector.broadcast %broadcast_in_dim3A_8 : vector<512x1xf32> to vector<512x128xf32>
    %add3A_405 = arith.addf %add3A_404, %slice3A_403 : vector<512x128xf32>
    %get3A_406 = arith.constant 0 : index
    %get3A_407 = arith.constant 3200 : index
    %get3A_408 = vector.load %arg3[%get3A_406, %get3A_407] : memref<4x4096xf32, #tpu.memory_space<vmem>>, vector<1x128xf32>
    %get3A_409 = vector.shape_cast %get3A_408 : vector<1x128xf32> to vector<128xf32>
    %broadcast_in_dim3A_410 = vector.shape_cast %get3A_409 : vector<128xf32> to vector<1x128xf32>
    %add3A_411 = vector.broadcast %broadcast_in_dim3A_410 : vector<1x128xf32> to vector<512x128xf32>
    %add3A_412 = arith.addf %add3A_405, %add3A_411 : vector<512x128xf32>
    %lt3A_413 = arith.cmpf olt, %add3A_412, %min3A_402 : vector<512x128xf32>
    %jit3A_414 = arith.constant 25 : i32
    %broadcast_in_dim3A_415 = vector.broadcast %jit3A_414 : i32 to vector<512x128xi32>
    %select_n3A_416 = arith.select %lt3A_413, %broadcast_in_dim3A_415, %select_n3A_401 : vector<512x128xi1>, vector<512x128xi32>
    %min3A_417 = arith.minimumf %add3A_412, %min3A_402 : vector<512x128xf32>
    %slice3A_418 = vector.extract_strided_slice %dot_general3A_387 {offsets = [0, 256], sizes = [512, 128], strides = [1, 1]} : vector<512x1024xf32> to vector<512x128xf32>
    %add3A_419 = vector.broadcast %broadcast_in_dim3A_8 : vector<512x1xf32> to vector<512x128xf32>
    %add3A_420 = arith.addf %add3A_419, %slice3A_418 : vector<512x128xf32>
    %get3A_421 = arith.constant 0 : index
    %get3A_422 = arith.constant 3328 : index
    %get3A_423 = vector.load %arg3[%get3A_421, %get3A_422] : memref<4x4096xf32, #tpu.memory_space<vmem>>, vector<1x128xf32>
    %get3A_424 = vector.shape_cast %get3A_423 : vector<1x128xf32> to vector<128xf32>
    %broadcast_in_dim3A_425 = vector.shape_cast %get3A_424 : vector<128xf32> to vector<1x128xf32>
    %add3A_426 = vector.broadcast %broadcast_in_dim3A_425 : vector<1x128xf32> to vector<512x128xf32>
    %add3A_427 = arith.addf %add3A_420, %add3A_426 : vector<512x128xf32>
    %lt3A_428 = arith.cmpf olt, %add3A_427, %min3A_417 : vector<512x128xf32>
    %jit3A_429 = arith.constant 26 : i32
    %broadcast_in_dim3A_430 = vector.broadcast %jit3A_429 : i32 to vector<512x128xi32>
    %select_n3A_431 = arith.select %lt3A_428, %broadcast_in_dim3A_430, %select_n3A_416 : vector<512x128xi1>, vector<512x128xi32>
    %min3A_432 = arith.minimumf %add3A_427, %min3A_417 : vector<512x128xf32>
    %slice3A_433 = vector.extract_strided_slice %dot_general3A_387 {offsets = [0, 384], sizes = [512, 128], strides = [1, 1]} : vector<512x1024xf32> to vector<512x128xf32>
    %add3A_434 = vector.broadcast %broadcast_in_dim3A_8 : vector<512x1xf32> to vector<512x128xf32>
    %add3A_435 = arith.addf %add3A_434, %slice3A_433 : vector<512x128xf32>
    %get3A_436 = arith.constant 0 : index
    %get3A_437 = arith.constant 3456 : index
    %get3A_438 = vector.load %arg3[%get3A_436, %get3A_437] : memref<4x4096xf32, #tpu.memory_space<vmem>>, vector<1x128xf32>
    %get3A_439 = vector.shape_cast %get3A_438 : vector<1x128xf32> to vector<128xf32>
    %broadcast_in_dim3A_440 = vector.shape_cast %get3A_439 : vector<128xf32> to vector<1x128xf32>
    %add3A_441 = vector.broadcast %broadcast_in_dim3A_440 : vector<1x128xf32> to vector<512x128xf32>
    %add3A_442 = arith.addf %add3A_435, %add3A_441 : vector<512x128xf32>
    %lt3A_443 = arith.cmpf olt, %add3A_442, %min3A_432 : vector<512x128xf32>
    %jit3A_444 = arith.constant 27 : i32
    %broadcast_in_dim3A_445 = vector.broadcast %jit3A_444 : i32 to vector<512x128xi32>
    %select_n3A_446 = arith.select %lt3A_443, %broadcast_in_dim3A_445, %select_n3A_431 : vector<512x128xi1>, vector<512x128xi32>
    %min3A_447 = arith.minimumf %add3A_442, %min3A_432 : vector<512x128xf32>
    %slice3A_448 = vector.extract_strided_slice %dot_general3A_387 {offsets = [0, 512], sizes = [512, 128], strides = [1, 1]} : vector<512x1024xf32> to vector<512x128xf32>
    %add3A_449 = vector.broadcast %broadcast_in_dim3A_8 : vector<512x1xf32> to vector<512x128xf32>
    %add3A_450 = arith.addf %add3A_449, %slice3A_448 : vector<512x128xf32>
    %get3A_451 = arith.constant 0 : index
    %get3A_452 = arith.constant 3584 : index
    %get3A_453 = vector.load %arg3[%get3A_451, %get3A_452] : memref<4x4096xf32, #tpu.memory_space<vmem>>, vector<1x128xf32>
    %get3A_454 = vector.shape_cast %get3A_453 : vector<1x128xf32> to vector<128xf32>
    %broadcast_in_dim3A_455 = vector.shape_cast %get3A_454 : vector<128xf32> to vector<1x128xf32>
    %add3A_456 = vector.broadcast %broadcast_in_dim3A_455 : vector<1x128xf32> to vector<512x128xf32>
    %add3A_457 = arith.addf %add3A_450, %add3A_456 : vector<512x128xf32>
    %lt3A_458 = arith.cmpf olt, %add3A_457, %min3A_447 : vector<512x128xf32>
    %jit3A_459 = arith.constant 28 : i32
    %broadcast_in_dim3A_460 = vector.broadcast %jit3A_459 : i32 to vector<512x128xi32>
    %select_n3A_461 = arith.select %lt3A_458, %broadcast_in_dim3A_460, %select_n3A_446 : vector<512x128xi1>, vector<512x128xi32>
    %min3A_462 = arith.minimumf %add3A_457, %min3A_447 : vector<512x128xf32>
    %slice3A_463 = vector.extract_strided_slice %dot_general3A_387 {offsets = [0, 640], sizes = [512, 128], strides = [1, 1]} : vector<512x1024xf32> to vector<512x128xf32>
    %add3A_464 = vector.broadcast %broadcast_in_dim3A_8 : vector<512x1xf32> to vector<512x128xf32>
    %add3A_465 = arith.addf %add3A_464, %slice3A_463 : vector<512x128xf32>
    %get3A_466 = arith.constant 0 : index
    %get3A_467 = arith.constant 3712 : index
    %get3A_468 = vector.load %arg3[%get3A_466, %get3A_467] : memref<4x4096xf32, #tpu.memory_space<vmem>>, vector<1x128xf32>
    %get3A_469 = vector.shape_cast %get3A_468 : vector<1x128xf32> to vector<128xf32>
    %broadcast_in_dim3A_470 = vector.shape_cast %get3A_469 : vector<128xf32> to vector<1x128xf32>
    %add3A_471 = vector.broadcast %broadcast_in_dim3A_470 : vector<1x128xf32> to vector<512x128xf32>
    %add3A_472 = arith.addf %add3A_465, %add3A_471 : vector<512x128xf32>
    %lt3A_473 = arith.cmpf olt, %add3A_472, %min3A_462 : vector<512x128xf32>
    %jit3A_474 = arith.constant 29 : i32
    %broadcast_in_dim3A_475 = vector.broadcast %jit3A_474 : i32 to vector<512x128xi32>
    %select_n3A_476 = arith.select %lt3A_473, %broadcast_in_dim3A_475, %select_n3A_461 : vector<512x128xi1>, vector<512x128xi32>
    %min3A_477 = arith.minimumf %add3A_472, %min3A_462 : vector<512x128xf32>
    %slice3A_478 = vector.extract_strided_slice %dot_general3A_387 {offsets = [0, 768], sizes = [512, 128], strides = [1, 1]} : vector<512x1024xf32> to vector<512x128xf32>
    %add3A_479 = vector.broadcast %broadcast_in_dim3A_8 : vector<512x1xf32> to vector<512x128xf32>
    %add3A_480 = arith.addf %add3A_479, %slice3A_478 : vector<512x128xf32>
    %get3A_481 = arith.constant 0 : index
    %get3A_482 = arith.constant 3840 : index
    %get3A_483 = vector.load %arg3[%get3A_481, %get3A_482] : memref<4x4096xf32, #tpu.memory_space<vmem>>, vector<1x128xf32>
    %get3A_484 = vector.shape_cast %get3A_483 : vector<1x128xf32> to vector<128xf32>
    %broadcast_in_dim3A_485 = vector.shape_cast %get3A_484 : vector<128xf32> to vector<1x128xf32>
    %add3A_486 = vector.broadcast %broadcast_in_dim3A_485 : vector<1x128xf32> to vector<512x128xf32>
    %add3A_487 = arith.addf %add3A_480, %add3A_486 : vector<512x128xf32>
    %lt3A_488 = arith.cmpf olt, %add3A_487, %min3A_477 : vector<512x128xf32>
    %jit3A_489 = arith.constant 30 : i32
    %broadcast_in_dim3A_490 = vector.broadcast %jit3A_489 : i32 to vector<512x128xi32>
    %select_n3A_491 = arith.select %lt3A_488, %broadcast_in_dim3A_490, %select_n3A_476 : vector<512x128xi1>, vector<512x128xi32>
    %min3A_492 = arith.minimumf %add3A_487, %min3A_477 : vector<512x128xf32>
    %slice3A_493 = vector.extract_strided_slice %dot_general3A_387 {offsets = [0, 896], sizes = [512, 128], strides = [1, 1]} : vector<512x1024xf32> to vector<512x128xf32>
    %add3A_494 = vector.broadcast %broadcast_in_dim3A_8 : vector<512x1xf32> to vector<512x128xf32>
    %add3A_495 = arith.addf %add3A_494, %slice3A_493 : vector<512x128xf32>
    %get3A_496 = arith.constant 0 : index
    %get3A_497 = arith.constant 3968 : index
    %get3A_498 = vector.load %arg3[%get3A_496, %get3A_497] : memref<4x4096xf32, #tpu.memory_space<vmem>>, vector<1x128xf32>
    %get3A_499 = vector.shape_cast %get3A_498 : vector<1x128xf32> to vector<128xf32>
    %broadcast_in_dim3A_500 = vector.shape_cast %get3A_499 : vector<128xf32> to vector<1x128xf32>
    %add3A_501 = vector.broadcast %broadcast_in_dim3A_500 : vector<1x128xf32> to vector<512x128xf32>
    %add3A_502 = arith.addf %add3A_495, %add3A_501 : vector<512x128xf32>
    %lt3A_503 = arith.cmpf olt, %add3A_502, %min3A_492 : vector<512x128xf32>
    %jit3A_504 = arith.constant 31 : i32
    %broadcast_in_dim3A_505 = vector.broadcast %jit3A_504 : i32 to vector<512x128xi32>
    %select_n3A_506 = arith.select %lt3A_503, %broadcast_in_dim3A_505, %select_n3A_491 : vector<512x128xi1>, vector<512x128xi32>
    %min3A_507 = arith.minimumf %add3A_502, %min3A_492 : vector<512x128xf32>
    %mul3A_508 = arith.constant 128 : i32
    %mul3A_509 = vector.broadcast %mul3A_508 : i32 to vector<512x128xi32>
    %mul3A_510 = arith.muli %select_n3A_506, %mul3A_509 : vector<512x128xi32>
    %add3A_511 = arith.addi %mul3A_510, %iota3A : vector<512x128xi32>
    %reduce_min3A = arith.constant dense<0x7F800000> : vector<512xf32>
    %reduce_min3A_512 = vector.multi_reduction <minimumf>, %min3A_507, %reduce_min3A [1] : vector<512x128xf32> to vector<512xf32>
    %broadcast_in_dim3A_513 = vector.shape_cast %reduce_min3A_512 : vector<512xf32> to vector<512x1xf32>
    %eq3A = vector.broadcast %broadcast_in_dim3A_513 : vector<512x1xf32> to vector<512x128xf32>
    %eq3A_514 = arith.cmpf oeq, %min3A_507, %eq3A : vector<512x128xf32>
    %jit3A_515 = arith.constant 4096 : i32
    %broadcast_in_dim3A_516 = vector.broadcast %jit3A_515 : i32 to vector<512x128xi32>
    %select_n3A_517 = arith.select %eq3A_514, %add3A_511, %broadcast_in_dim3A_516 : vector<512x128xi1>, vector<512x128xi32>
    %reduce_min3A_518 = arith.constant dense<2147483647> : vector<512xi32>
    %reduce_min3A_519 = vector.multi_reduction <minsi>, %select_n3A_517, %reduce_min3A_518 [1] : vector<512x128xi32> to vector<512xi32>
    %reduce_sum3A_520 = vector.shape_cast %reduce_min3A_512 : vector<512xf32> to vector<1x512xf32>
    %reduce_sum3A_521 = arith.constant dense<0.000000e+00> : vector<1xf32>
    %reduce_sum3A_522 = vector.multi_reduction <add>, %reduce_sum3A_520, %reduce_sum3A_521 [1] : vector<1x512xf32> to vector<1xf32>
    %reduce_sum3A_523 = vector.shape_cast %reduce_sum3A_522 : vector<1xf32> to vector<1x1xf32>
    %reduce_sum3A_524 = vector.extract %reduce_sum3A_523[0, 0] : f32 from vector<1x1xf32>
    %broadcast_in_dim3A_525 = vector.broadcast %reduce_sum3A_524 : f32 to vector<1x1xf32>
    %add3A_526 = arith.addf %broadcast_in_dim3A_3, %broadcast_in_dim3A_525 : vector<1x1xf32>
    %slice3A_527 = vector.extract_strided_slice %get3A_2 {offsets = [0, 1, 0], sizes = [512, 1, 64], strides = [1, 1, 1]} : vector<512x4x64xf32> to vector<512x1x64xf32>
    %squeeze3A_528 = vector.shape_cast %slice3A_527 : vector<512x1x64xf32> to vector<512x64xf32>
    %mul3A_529 = arith.constant -2.000000e+00 : f32
    %mul3A_530 = vector.broadcast %mul3A_529 : f32 to vector<512x64xf32>
    %mul3A_531 = arith.mulf %squeeze3A_528, %mul3A_530 : vector<512x64xf32>
    %mul3A_532 = arith.mulf %squeeze3A_528, %squeeze3A_528 : vector<512x64xf32>
    %reduce_sum3A_533 = arith.constant dense<0.000000e+00> : vector<512xf32>
    %reduce_sum3A_534 = vector.multi_reduction <add>, %mul3A_532, %reduce_sum3A_533 [1] : vector<512x64xf32> to vector<512xf32>
    %broadcast_in_dim3A_535 = vector.shape_cast %reduce_sum3A_534 : vector<512xf32> to vector<512x1xf32>
    %get3A_536 = arith.constant 1 : index
    %get3A_537 = arith.constant 0 : index
    %get3A_538 = arith.constant 0 : index
    %get3A_539 = vector.load %arg2[%get3A_536, %get3A_537, %get3A_538] : memref<4x4096x64xf32, #tpu.memory_space<vmem>>, vector<1x1024x64xf32>
    %get3A_540 = vector.shape_cast %get3A_539 : vector<1x1024x64xf32> to vector<1024x64xf32>
    %dot_general3A_541 = arith.constant dense<0.000000e+00> : vector<512x1024xf32>
    %dot_general3A_542 = tpu.matmul %mul3A_531, %get3A_540, %dot_general3A_541 {dimension_numbers = #tpu.dot_dimension_numbers<[1], [1], [0], [0], [0, 0, 1, 0], [], []>, transpose_lhs_hint = false} : vector<512x64xf32>, vector<1024x64xf32>, vector<512x1024xf32> -> vector<512x1024xf32>
    %slice3A_543 = vector.extract_strided_slice %dot_general3A_542 {offsets = [0, 0], sizes = [512, 128], strides = [1, 1]} : vector<512x1024xf32> to vector<512x128xf32>
    %add3A_544 = vector.broadcast %broadcast_in_dim3A_535 : vector<512x1xf32> to vector<512x128xf32>
    %add3A_545 = arith.addf %add3A_544, %slice3A_543 : vector<512x128xf32>
    %get3A_546 = arith.constant 1 : index
    %get3A_547 = arith.constant 0 : index
    %get3A_548 = vector.load %arg3[%get3A_546, %get3A_547] : memref<4x4096xf32, #tpu.memory_space<vmem>>, vector<1x128xf32>
    %get3A_549 = vector.shape_cast %get3A_548 : vector<1x128xf32> to vector<128xf32>
    %broadcast_in_dim3A_550 = vector.shape_cast %get3A_549 : vector<128xf32> to vector<1x128xf32>
    %add3A_551 = vector.broadcast %broadcast_in_dim3A_550 : vector<1x128xf32> to vector<512x128xf32>
    %add3A_552 = arith.addf %add3A_545, %add3A_551 : vector<512x128xf32>
    %broadcast_in_dim3A_553 = arith.constant 0 : i32
    %broadcast_in_dim3A_554 = vector.broadcast %broadcast_in_dim3A_553 : i32 to vector<512x128xi32>
    %slice3A_555 = vector.extract_strided_slice %dot_general3A_542 {offsets = [0, 128], sizes = [512, 128], strides = [1, 1]} : vector<512x1024xf32> to vector<512x128xf32>
    %add3A_556 = vector.broadcast %broadcast_in_dim3A_535 : vector<512x1xf32> to vector<512x128xf32>
    %add3A_557 = arith.addf %add3A_556, %slice3A_555 : vector<512x128xf32>
    %get3A_558 = arith.constant 1 : index
    %get3A_559 = arith.constant 128 : index
    %get3A_560 = vector.load %arg3[%get3A_558, %get3A_559] : memref<4x4096xf32, #tpu.memory_space<vmem>>, vector<1x128xf32>
    %get3A_561 = vector.shape_cast %get3A_560 : vector<1x128xf32> to vector<128xf32>
    %broadcast_in_dim3A_562 = vector.shape_cast %get3A_561 : vector<128xf32> to vector<1x128xf32>
    %add3A_563 = vector.broadcast %broadcast_in_dim3A_562 : vector<1x128xf32> to vector<512x128xf32>
    %add3A_564 = arith.addf %add3A_557, %add3A_563 : vector<512x128xf32>
    %lt3A_565 = arith.cmpf olt, %add3A_564, %add3A_552 : vector<512x128xf32>
    %jit3A_566 = arith.constant 1 : i32
    %broadcast_in_dim3A_567 = vector.broadcast %jit3A_566 : i32 to vector<512x128xi32>
    %select_n3A_568 = arith.select %lt3A_565, %broadcast_in_dim3A_567, %broadcast_in_dim3A_554 : vector<512x128xi1>, vector<512x128xi32>
    %min3A_569 = arith.minimumf %add3A_564, %add3A_552 : vector<512x128xf32>
    %slice3A_570 = vector.extract_strided_slice %dot_general3A_542 {offsets = [0, 256], sizes = [512, 128], strides = [1, 1]} : vector<512x1024xf32> to vector<512x128xf32>
    %add3A_571 = vector.broadcast %broadcast_in_dim3A_535 : vector<512x1xf32> to vector<512x128xf32>
    %add3A_572 = arith.addf %add3A_571, %slice3A_570 : vector<512x128xf32>
    %get3A_573 = arith.constant 1 : index
    %get3A_574 = arith.constant 256 : index
    %get3A_575 = vector.load %arg3[%get3A_573, %get3A_574] : memref<4x4096xf32, #tpu.memory_space<vmem>>, vector<1x128xf32>
    %get3A_576 = vector.shape_cast %get3A_575 : vector<1x128xf32> to vector<128xf32>
    %broadcast_in_dim3A_577 = vector.shape_cast %get3A_576 : vector<128xf32> to vector<1x128xf32>
    %add3A_578 = vector.broadcast %broadcast_in_dim3A_577 : vector<1x128xf32> to vector<512x128xf32>
    %add3A_579 = arith.addf %add3A_572, %add3A_578 : vector<512x128xf32>
    %lt3A_580 = arith.cmpf olt, %add3A_579, %min3A_569 : vector<512x128xf32>
    %jit3A_581 = arith.constant 2 : i32
    %broadcast_in_dim3A_582 = vector.broadcast %jit3A_581 : i32 to vector<512x128xi32>
    %select_n3A_583 = arith.select %lt3A_580, %broadcast_in_dim3A_582, %select_n3A_568 : vector<512x128xi1>, vector<512x128xi32>
    %min3A_584 = arith.minimumf %add3A_579, %min3A_569 : vector<512x128xf32>
    %slice3A_585 = vector.extract_strided_slice %dot_general3A_542 {offsets = [0, 384], sizes = [512, 128], strides = [1, 1]} : vector<512x1024xf32> to vector<512x128xf32>
    %add3A_586 = vector.broadcast %broadcast_in_dim3A_535 : vector<512x1xf32> to vector<512x128xf32>
    %add3A_587 = arith.addf %add3A_586, %slice3A_585 : vector<512x128xf32>
    %get3A_588 = arith.constant 1 : index
    %get3A_589 = arith.constant 384 : index
    %get3A_590 = vector.load %arg3[%get3A_588, %get3A_589] : memref<4x4096xf32, #tpu.memory_space<vmem>>, vector<1x128xf32>
    %get3A_591 = vector.shape_cast %get3A_590 : vector<1x128xf32> to vector<128xf32>
    %broadcast_in_dim3A_592 = vector.shape_cast %get3A_591 : vector<128xf32> to vector<1x128xf32>
    %add3A_593 = vector.broadcast %broadcast_in_dim3A_592 : vector<1x128xf32> to vector<512x128xf32>
    %add3A_594 = arith.addf %add3A_587, %add3A_593 : vector<512x128xf32>
    %lt3A_595 = arith.cmpf olt, %add3A_594, %min3A_584 : vector<512x128xf32>
    %jit3A_596 = arith.constant 3 : i32
    %broadcast_in_dim3A_597 = vector.broadcast %jit3A_596 : i32 to vector<512x128xi32>
    %select_n3A_598 = arith.select %lt3A_595, %broadcast_in_dim3A_597, %select_n3A_583 : vector<512x128xi1>, vector<512x128xi32>
    %min3A_599 = arith.minimumf %add3A_594, %min3A_584 : vector<512x128xf32>
    %slice3A_600 = vector.extract_strided_slice %dot_general3A_542 {offsets = [0, 512], sizes = [512, 128], strides = [1, 1]} : vector<512x1024xf32> to vector<512x128xf32>
    %add3A_601 = vector.broadcast %broadcast_in_dim3A_535 : vector<512x1xf32> to vector<512x128xf32>
    %add3A_602 = arith.addf %add3A_601, %slice3A_600 : vector<512x128xf32>
    %get3A_603 = arith.constant 1 : index
    %get3A_604 = arith.constant 512 : index
    %get3A_605 = vector.load %arg3[%get3A_603, %get3A_604] : memref<4x4096xf32, #tpu.memory_space<vmem>>, vector<1x128xf32>
    %get3A_606 = vector.shape_cast %get3A_605 : vector<1x128xf32> to vector<128xf32>
    %broadcast_in_dim3A_607 = vector.shape_cast %get3A_606 : vector<128xf32> to vector<1x128xf32>
    %add3A_608 = vector.broadcast %broadcast_in_dim3A_607 : vector<1x128xf32> to vector<512x128xf32>
    %add3A_609 = arith.addf %add3A_602, %add3A_608 : vector<512x128xf32>
    %lt3A_610 = arith.cmpf olt, %add3A_609, %min3A_599 : vector<512x128xf32>
    %jit3A_611 = arith.constant 4 : i32
    %broadcast_in_dim3A_612 = vector.broadcast %jit3A_611 : i32 to vector<512x128xi32>
    %select_n3A_613 = arith.select %lt3A_610, %broadcast_in_dim3A_612, %select_n3A_598 : vector<512x128xi1>, vector<512x128xi32>
    %min3A_614 = arith.minimumf %add3A_609, %min3A_599 : vector<512x128xf32>
    %slice3A_615 = vector.extract_strided_slice %dot_general3A_542 {offsets = [0, 640], sizes = [512, 128], strides = [1, 1]} : vector<512x1024xf32> to vector<512x128xf32>
    %add3A_616 = vector.broadcast %broadcast_in_dim3A_535 : vector<512x1xf32> to vector<512x128xf32>
    %add3A_617 = arith.addf %add3A_616, %slice3A_615 : vector<512x128xf32>
    %get3A_618 = arith.constant 1 : index
    %get3A_619 = arith.constant 640 : index
    %get3A_620 = vector.load %arg3[%get3A_618, %get3A_619] : memref<4x4096xf32, #tpu.memory_space<vmem>>, vector<1x128xf32>
    %get3A_621 = vector.shape_cast %get3A_620 : vector<1x128xf32> to vector<128xf32>
    %broadcast_in_dim3A_622 = vector.shape_cast %get3A_621 : vector<128xf32> to vector<1x128xf32>
    %add3A_623 = vector.broadcast %broadcast_in_dim3A_622 : vector<1x128xf32> to vector<512x128xf32>
    %add3A_624 = arith.addf %add3A_617, %add3A_623 : vector<512x128xf32>
    %lt3A_625 = arith.cmpf olt, %add3A_624, %min3A_614 : vector<512x128xf32>
    %jit3A_626 = arith.constant 5 : i32
    %broadcast_in_dim3A_627 = vector.broadcast %jit3A_626 : i32 to vector<512x128xi32>
    %select_n3A_628 = arith.select %lt3A_625, %broadcast_in_dim3A_627, %select_n3A_613 : vector<512x128xi1>, vector<512x128xi32>
    %min3A_629 = arith.minimumf %add3A_624, %min3A_614 : vector<512x128xf32>
    %slice3A_630 = vector.extract_strided_slice %dot_general3A_542 {offsets = [0, 768], sizes = [512, 128], strides = [1, 1]} : vector<512x1024xf32> to vector<512x128xf32>
    %add3A_631 = vector.broadcast %broadcast_in_dim3A_535 : vector<512x1xf32> to vector<512x128xf32>
    %add3A_632 = arith.addf %add3A_631, %slice3A_630 : vector<512x128xf32>
    %get3A_633 = arith.constant 1 : index
    %get3A_634 = arith.constant 768 : index
    %get3A_635 = vector.load %arg3[%get3A_633, %get3A_634] : memref<4x4096xf32, #tpu.memory_space<vmem>>, vector<1x128xf32>
    %get3A_636 = vector.shape_cast %get3A_635 : vector<1x128xf32> to vector<128xf32>
    %broadcast_in_dim3A_637 = vector.shape_cast %get3A_636 : vector<128xf32> to vector<1x128xf32>
    %add3A_638 = vector.broadcast %broadcast_in_dim3A_637 : vector<1x128xf32> to vector<512x128xf32>
    %add3A_639 = arith.addf %add3A_632, %add3A_638 : vector<512x128xf32>
    %lt3A_640 = arith.cmpf olt, %add3A_639, %min3A_629 : vector<512x128xf32>
    %jit3A_641 = arith.constant 6 : i32
    %broadcast_in_dim3A_642 = vector.broadcast %jit3A_641 : i32 to vector<512x128xi32>
    %select_n3A_643 = arith.select %lt3A_640, %broadcast_in_dim3A_642, %select_n3A_628 : vector<512x128xi1>, vector<512x128xi32>
    %min3A_644 = arith.minimumf %add3A_639, %min3A_629 : vector<512x128xf32>
    %slice3A_645 = vector.extract_strided_slice %dot_general3A_542 {offsets = [0, 896], sizes = [512, 128], strides = [1, 1]} : vector<512x1024xf32> to vector<512x128xf32>
    %add3A_646 = vector.broadcast %broadcast_in_dim3A_535 : vector<512x1xf32> to vector<512x128xf32>
    %add3A_647 = arith.addf %add3A_646, %slice3A_645 : vector<512x128xf32>
    %get3A_648 = arith.constant 1 : index
    %get3A_649 = arith.constant 896 : index
    %get3A_650 = vector.load %arg3[%get3A_648, %get3A_649] : memref<4x4096xf32, #tpu.memory_space<vmem>>, vector<1x128xf32>
    %get3A_651 = vector.shape_cast %get3A_650 : vector<1x128xf32> to vector<128xf32>
    %broadcast_in_dim3A_652 = vector.shape_cast %get3A_651 : vector<128xf32> to vector<1x128xf32>
    %add3A_653 = vector.broadcast %broadcast_in_dim3A_652 : vector<1x128xf32> to vector<512x128xf32>
    %add3A_654 = arith.addf %add3A_647, %add3A_653 : vector<512x128xf32>
    %lt3A_655 = arith.cmpf olt, %add3A_654, %min3A_644 : vector<512x128xf32>
    %jit3A_656 = arith.constant 7 : i32
    %broadcast_in_dim3A_657 = vector.broadcast %jit3A_656 : i32 to vector<512x128xi32>
    %select_n3A_658 = arith.select %lt3A_655, %broadcast_in_dim3A_657, %select_n3A_643 : vector<512x128xi1>, vector<512x128xi32>
    %min3A_659 = arith.minimumf %add3A_654, %min3A_644 : vector<512x128xf32>
    %get3A_660 = arith.constant 1 : index
    %get3A_661 = arith.constant 1024 : index
    %get3A_662 = arith.constant 0 : index
    %get3A_663 = vector.load %arg2[%get3A_660, %get3A_661, %get3A_662] : memref<4x4096x64xf32, #tpu.memory_space<vmem>>, vector<1x1024x64xf32>
    %get3A_664 = vector.shape_cast %get3A_663 : vector<1x1024x64xf32> to vector<1024x64xf32>
    %dot_general3A_665 = arith.constant dense<0.000000e+00> : vector<512x1024xf32>
    %dot_general3A_666 = tpu.matmul %mul3A_531, %get3A_664, %dot_general3A_665 {dimension_numbers = #tpu.dot_dimension_numbers<[1], [1], [0], [0], [0, 0, 1, 0], [], []>, transpose_lhs_hint = false} : vector<512x64xf32>, vector<1024x64xf32>, vector<512x1024xf32> -> vector<512x1024xf32>
    %slice3A_667 = vector.extract_strided_slice %dot_general3A_666 {offsets = [0, 0], sizes = [512, 128], strides = [1, 1]} : vector<512x1024xf32> to vector<512x128xf32>
    %add3A_668 = vector.broadcast %broadcast_in_dim3A_535 : vector<512x1xf32> to vector<512x128xf32>
    %add3A_669 = arith.addf %add3A_668, %slice3A_667 : vector<512x128xf32>
    %get3A_670 = arith.constant 1 : index
    %get3A_671 = arith.constant 1024 : index
    %get3A_672 = vector.load %arg3[%get3A_670, %get3A_671] : memref<4x4096xf32, #tpu.memory_space<vmem>>, vector<1x128xf32>
    %get3A_673 = vector.shape_cast %get3A_672 : vector<1x128xf32> to vector<128xf32>
    %broadcast_in_dim3A_674 = vector.shape_cast %get3A_673 : vector<128xf32> to vector<1x128xf32>
    %add3A_675 = vector.broadcast %broadcast_in_dim3A_674 : vector<1x128xf32> to vector<512x128xf32>
    %add3A_676 = arith.addf %add3A_669, %add3A_675 : vector<512x128xf32>
    %lt3A_677 = arith.cmpf olt, %add3A_676, %min3A_659 : vector<512x128xf32>
    %jit3A_678 = arith.constant 8 : i32
    %broadcast_in_dim3A_679 = vector.broadcast %jit3A_678 : i32 to vector<512x128xi32>
    %select_n3A_680 = arith.select %lt3A_677, %broadcast_in_dim3A_679, %select_n3A_658 : vector<512x128xi1>, vector<512x128xi32>
    %min3A_681 = arith.minimumf %add3A_676, %min3A_659 : vector<512x128xf32>
    %slice3A_682 = vector.extract_strided_slice %dot_general3A_666 {offsets = [0, 128], sizes = [512, 128], strides = [1, 1]} : vector<512x1024xf32> to vector<512x128xf32>
    %add3A_683 = vector.broadcast %broadcast_in_dim3A_535 : vector<512x1xf32> to vector<512x128xf32>
    %add3A_684 = arith.addf %add3A_683, %slice3A_682 : vector<512x128xf32>
    %get3A_685 = arith.constant 1 : index
    %get3A_686 = arith.constant 1152 : index
    %get3A_687 = vector.load %arg3[%get3A_685, %get3A_686] : memref<4x4096xf32, #tpu.memory_space<vmem>>, vector<1x128xf32>
    %get3A_688 = vector.shape_cast %get3A_687 : vector<1x128xf32> to vector<128xf32>
    %broadcast_in_dim3A_689 = vector.shape_cast %get3A_688 : vector<128xf32> to vector<1x128xf32>
    %add3A_690 = vector.broadcast %broadcast_in_dim3A_689 : vector<1x128xf32> to vector<512x128xf32>
    %add3A_691 = arith.addf %add3A_684, %add3A_690 : vector<512x128xf32>
    %lt3A_692 = arith.cmpf olt, %add3A_691, %min3A_681 : vector<512x128xf32>
    %jit3A_693 = arith.constant 9 : i32
    %broadcast_in_dim3A_694 = vector.broadcast %jit3A_693 : i32 to vector<512x128xi32>
    %select_n3A_695 = arith.select %lt3A_692, %broadcast_in_dim3A_694, %select_n3A_680 : vector<512x128xi1>, vector<512x128xi32>
    %min3A_696 = arith.minimumf %add3A_691, %min3A_681 : vector<512x128xf32>
    %slice3A_697 = vector.extract_strided_slice %dot_general3A_666 {offsets = [0, 256], sizes = [512, 128], strides = [1, 1]} : vector<512x1024xf32> to vector<512x128xf32>
    %add3A_698 = vector.broadcast %broadcast_in_dim3A_535 : vector<512x1xf32> to vector<512x128xf32>
    %add3A_699 = arith.addf %add3A_698, %slice3A_697 : vector<512x128xf32>
    %get3A_700 = arith.constant 1 : index
    %get3A_701 = arith.constant 1280 : index
    %get3A_702 = vector.load %arg3[%get3A_700, %get3A_701] : memref<4x4096xf32, #tpu.memory_space<vmem>>, vector<1x128xf32>
    %get3A_703 = vector.shape_cast %get3A_702 : vector<1x128xf32> to vector<128xf32>
    %broadcast_in_dim3A_704 = vector.shape_cast %get3A_703 : vector<128xf32> to vector<1x128xf32>
    %add3A_705 = vector.broadcast %broadcast_in_dim3A_704 : vector<1x128xf32> to vector<512x128xf32>
    %add3A_706 = arith.addf %add3A_699, %add3A_705 : vector<512x128xf32>
    %lt3A_707 = arith.cmpf olt, %add3A_706, %min3A_696 : vector<512x128xf32>
    %jit3A_708 = arith.constant 10 : i32
    %broadcast_in_dim3A_709 = vector.broadcast %jit3A_708 : i32 to vector<512x128xi32>
    %select_n3A_710 = arith.select %lt3A_707, %broadcast_in_dim3A_709, %select_n3A_695 : vector<512x128xi1>, vector<512x128xi32>
    %min3A_711 = arith.minimumf %add3A_706, %min3A_696 : vector<512x128xf32>
    %slice3A_712 = vector.extract_strided_slice %dot_general3A_666 {offsets = [0, 384], sizes = [512, 128], strides = [1, 1]} : vector<512x1024xf32> to vector<512x128xf32>
    %add3A_713 = vector.broadcast %broadcast_in_dim3A_535 : vector<512x1xf32> to vector<512x128xf32>
    %add3A_714 = arith.addf %add3A_713, %slice3A_712 : vector<512x128xf32>
    %get3A_715 = arith.constant 1 : index
    %get3A_716 = arith.constant 1408 : index
    %get3A_717 = vector.load %arg3[%get3A_715, %get3A_716] : memref<4x4096xf32, #tpu.memory_space<vmem>>, vector<1x128xf32>
    %get3A_718 = vector.shape_cast %get3A_717 : vector<1x128xf32> to vector<128xf32>
    %broadcast_in_dim3A_719 = vector.shape_cast %get3A_718 : vector<128xf32> to vector<1x128xf32>
    %add3A_720 = vector.broadcast %broadcast_in_dim3A_719 : vector<1x128xf32> to vector<512x128xf32>
    %add3A_721 = arith.addf %add3A_714, %add3A_720 : vector<512x128xf32>
    %lt3A_722 = arith.cmpf olt, %add3A_721, %min3A_711 : vector<512x128xf32>
    %jit3A_723 = arith.constant 11 : i32
    %broadcast_in_dim3A_724 = vector.broadcast %jit3A_723 : i32 to vector<512x128xi32>
    %select_n3A_725 = arith.select %lt3A_722, %broadcast_in_dim3A_724, %select_n3A_710 : vector<512x128xi1>, vector<512x128xi32>
    %min3A_726 = arith.minimumf %add3A_721, %min3A_711 : vector<512x128xf32>
    %slice3A_727 = vector.extract_strided_slice %dot_general3A_666 {offsets = [0, 512], sizes = [512, 128], strides = [1, 1]} : vector<512x1024xf32> to vector<512x128xf32>
    %add3A_728 = vector.broadcast %broadcast_in_dim3A_535 : vector<512x1xf32> to vector<512x128xf32>
    %add3A_729 = arith.addf %add3A_728, %slice3A_727 : vector<512x128xf32>
    %get3A_730 = arith.constant 1 : index
    %get3A_731 = arith.constant 1536 : index
    %get3A_732 = vector.load %arg3[%get3A_730, %get3A_731] : memref<4x4096xf32, #tpu.memory_space<vmem>>, vector<1x128xf32>
    %get3A_733 = vector.shape_cast %get3A_732 : vector<1x128xf32> to vector<128xf32>
    %broadcast_in_dim3A_734 = vector.shape_cast %get3A_733 : vector<128xf32> to vector<1x128xf32>
    %add3A_735 = vector.broadcast %broadcast_in_dim3A_734 : vector<1x128xf32> to vector<512x128xf32>
    %add3A_736 = arith.addf %add3A_729, %add3A_735 : vector<512x128xf32>
    %lt3A_737 = arith.cmpf olt, %add3A_736, %min3A_726 : vector<512x128xf32>
    %jit3A_738 = arith.constant 12 : i32
    %broadcast_in_dim3A_739 = vector.broadcast %jit3A_738 : i32 to vector<512x128xi32>
    %select_n3A_740 = arith.select %lt3A_737, %broadcast_in_dim3A_739, %select_n3A_725 : vector<512x128xi1>, vector<512x128xi32>
    %min3A_741 = arith.minimumf %add3A_736, %min3A_726 : vector<512x128xf32>
    %slice3A_742 = vector.extract_strided_slice %dot_general3A_666 {offsets = [0, 640], sizes = [512, 128], strides = [1, 1]} : vector<512x1024xf32> to vector<512x128xf32>
    %add3A_743 = vector.broadcast %broadcast_in_dim3A_535 : vector<512x1xf32> to vector<512x128xf32>
    %add3A_744 = arith.addf %add3A_743, %slice3A_742 : vector<512x128xf32>
    %get3A_745 = arith.constant 1 : index
    %get3A_746 = arith.constant 1664 : index
    %get3A_747 = vector.load %arg3[%get3A_745, %get3A_746] : memref<4x4096xf32, #tpu.memory_space<vmem>>, vector<1x128xf32>
    %get3A_748 = vector.shape_cast %get3A_747 : vector<1x128xf32> to vector<128xf32>
    %broadcast_in_dim3A_749 = vector.shape_cast %get3A_748 : vector<128xf32> to vector<1x128xf32>
    %add3A_750 = vector.broadcast %broadcast_in_dim3A_749 : vector<1x128xf32> to vector<512x128xf32>
    %add3A_751 = arith.addf %add3A_744, %add3A_750 : vector<512x128xf32>
    %lt3A_752 = arith.cmpf olt, %add3A_751, %min3A_741 : vector<512x128xf32>
    %jit3A_753 = arith.constant 13 : i32
    %broadcast_in_dim3A_754 = vector.broadcast %jit3A_753 : i32 to vector<512x128xi32>
    %select_n3A_755 = arith.select %lt3A_752, %broadcast_in_dim3A_754, %select_n3A_740 : vector<512x128xi1>, vector<512x128xi32>
    %min3A_756 = arith.minimumf %add3A_751, %min3A_741 : vector<512x128xf32>
    %slice3A_757 = vector.extract_strided_slice %dot_general3A_666 {offsets = [0, 768], sizes = [512, 128], strides = [1, 1]} : vector<512x1024xf32> to vector<512x128xf32>
    %add3A_758 = vector.broadcast %broadcast_in_dim3A_535 : vector<512x1xf32> to vector<512x128xf32>
    %add3A_759 = arith.addf %add3A_758, %slice3A_757 : vector<512x128xf32>
    %get3A_760 = arith.constant 1 : index
    %get3A_761 = arith.constant 1792 : index
    %get3A_762 = vector.load %arg3[%get3A_760, %get3A_761] : memref<4x4096xf32, #tpu.memory_space<vmem>>, vector<1x128xf32>
    %get3A_763 = vector.shape_cast %get3A_762 : vector<1x128xf32> to vector<128xf32>
    %broadcast_in_dim3A_764 = vector.shape_cast %get3A_763 : vector<128xf32> to vector<1x128xf32>
    %add3A_765 = vector.broadcast %broadcast_in_dim3A_764 : vector<1x128xf32> to vector<512x128xf32>
    %add3A_766 = arith.addf %add3A_759, %add3A_765 : vector<512x128xf32>
    %lt3A_767 = arith.cmpf olt, %add3A_766, %min3A_756 : vector<512x128xf32>
    %jit3A_768 = arith.constant 14 : i32
    %broadcast_in_dim3A_769 = vector.broadcast %jit3A_768 : i32 to vector<512x128xi32>
    %select_n3A_770 = arith.select %lt3A_767, %broadcast_in_dim3A_769, %select_n3A_755 : vector<512x128xi1>, vector<512x128xi32>
    %min3A_771 = arith.minimumf %add3A_766, %min3A_756 : vector<512x128xf32>
    %slice3A_772 = vector.extract_strided_slice %dot_general3A_666 {offsets = [0, 896], sizes = [512, 128], strides = [1, 1]} : vector<512x1024xf32> to vector<512x128xf32>
    %add3A_773 = vector.broadcast %broadcast_in_dim3A_535 : vector<512x1xf32> to vector<512x128xf32>
    %add3A_774 = arith.addf %add3A_773, %slice3A_772 : vector<512x128xf32>
    %get3A_775 = arith.constant 1 : index
    %get3A_776 = arith.constant 1920 : index
    %get3A_777 = vector.load %arg3[%get3A_775, %get3A_776] : memref<4x4096xf32, #tpu.memory_space<vmem>>, vector<1x128xf32>
    %get3A_778 = vector.shape_cast %get3A_777 : vector<1x128xf32> to vector<128xf32>
    %broadcast_in_dim3A_779 = vector.shape_cast %get3A_778 : vector<128xf32> to vector<1x128xf32>
    %add3A_780 = vector.broadcast %broadcast_in_dim3A_779 : vector<1x128xf32> to vector<512x128xf32>
    %add3A_781 = arith.addf %add3A_774, %add3A_780 : vector<512x128xf32>
    %lt3A_782 = arith.cmpf olt, %add3A_781, %min3A_771 : vector<512x128xf32>
    %jit3A_783 = arith.constant 15 : i32
    %broadcast_in_dim3A_784 = vector.broadcast %jit3A_783 : i32 to vector<512x128xi32>
    %select_n3A_785 = arith.select %lt3A_782, %broadcast_in_dim3A_784, %select_n3A_770 : vector<512x128xi1>, vector<512x128xi32>
    %min3A_786 = arith.minimumf %add3A_781, %min3A_771 : vector<512x128xf32>
    %get3A_787 = arith.constant 1 : index
    %get3A_788 = arith.constant 2048 : index
    %get3A_789 = arith.constant 0 : index
    %get3A_790 = vector.load %arg2[%get3A_787, %get3A_788, %get3A_789] : memref<4x4096x64xf32, #tpu.memory_space<vmem>>, vector<1x1024x64xf32>
    %get3A_791 = vector.shape_cast %get3A_790 : vector<1x1024x64xf32> to vector<1024x64xf32>
    %dot_general3A_792 = arith.constant dense<0.000000e+00> : vector<512x1024xf32>
    %dot_general3A_793 = tpu.matmul %mul3A_531, %get3A_791, %dot_general3A_792 {dimension_numbers = #tpu.dot_dimension_numbers<[1], [1], [0], [0], [0, 0, 1, 0], [], []>, transpose_lhs_hint = false} : vector<512x64xf32>, vector<1024x64xf32>, vector<512x1024xf32> -> vector<512x1024xf32>
    %slice3A_794 = vector.extract_strided_slice %dot_general3A_793 {offsets = [0, 0], sizes = [512, 128], strides = [1, 1]} : vector<512x1024xf32> to vector<512x128xf32>
    %add3A_795 = vector.broadcast %broadcast_in_dim3A_535 : vector<512x1xf32> to vector<512x128xf32>
    %add3A_796 = arith.addf %add3A_795, %slice3A_794 : vector<512x128xf32>
    %get3A_797 = arith.constant 1 : index
    %get3A_798 = arith.constant 2048 : index
    %get3A_799 = vector.load %arg3[%get3A_797, %get3A_798] : memref<4x4096xf32, #tpu.memory_space<vmem>>, vector<1x128xf32>
    %get3A_800 = vector.shape_cast %get3A_799 : vector<1x128xf32> to vector<128xf32>
    %broadcast_in_dim3A_801 = vector.shape_cast %get3A_800 : vector<128xf32> to vector<1x128xf32>
    %add3A_802 = vector.broadcast %broadcast_in_dim3A_801 : vector<1x128xf32> to vector<512x128xf32>
    %add3A_803 = arith.addf %add3A_796, %add3A_802 : vector<512x128xf32>
    %lt3A_804 = arith.cmpf olt, %add3A_803, %min3A_786 : vector<512x128xf32>
    %jit3A_805 = arith.constant 16 : i32
    %broadcast_in_dim3A_806 = vector.broadcast %jit3A_805 : i32 to vector<512x128xi32>
    %select_n3A_807 = arith.select %lt3A_804, %broadcast_in_dim3A_806, %select_n3A_785 : vector<512x128xi1>, vector<512x128xi32>
    %min3A_808 = arith.minimumf %add3A_803, %min3A_786 : vector<512x128xf32>
    %slice3A_809 = vector.extract_strided_slice %dot_general3A_793 {offsets = [0, 128], sizes = [512, 128], strides = [1, 1]} : vector<512x1024xf32> to vector<512x128xf32>
    %add3A_810 = vector.broadcast %broadcast_in_dim3A_535 : vector<512x1xf32> to vector<512x128xf32>
    %add3A_811 = arith.addf %add3A_810, %slice3A_809 : vector<512x128xf32>
    %get3A_812 = arith.constant 1 : index
    %get3A_813 = arith.constant 2176 : index
    %get3A_814 = vector.load %arg3[%get3A_812, %get3A_813] : memref<4x4096xf32, #tpu.memory_space<vmem>>, vector<1x128xf32>
    %get3A_815 = vector.shape_cast %get3A_814 : vector<1x128xf32> to vector<128xf32>
    %broadcast_in_dim3A_816 = vector.shape_cast %get3A_815 : vector<128xf32> to vector<1x128xf32>
    %add3A_817 = vector.broadcast %broadcast_in_dim3A_816 : vector<1x128xf32> to vector<512x128xf32>
    %add3A_818 = arith.addf %add3A_811, %add3A_817 : vector<512x128xf32>
    %lt3A_819 = arith.cmpf olt, %add3A_818, %min3A_808 : vector<512x128xf32>
    %jit3A_820 = arith.constant 17 : i32
    %broadcast_in_dim3A_821 = vector.broadcast %jit3A_820 : i32 to vector<512x128xi32>
    %select_n3A_822 = arith.select %lt3A_819, %broadcast_in_dim3A_821, %select_n3A_807 : vector<512x128xi1>, vector<512x128xi32>
    %min3A_823 = arith.minimumf %add3A_818, %min3A_808 : vector<512x128xf32>
    %slice3A_824 = vector.extract_strided_slice %dot_general3A_793 {offsets = [0, 256], sizes = [512, 128], strides = [1, 1]} : vector<512x1024xf32> to vector<512x128xf32>
    %add3A_825 = vector.broadcast %broadcast_in_dim3A_535 : vector<512x1xf32> to vector<512x128xf32>
    %add3A_826 = arith.addf %add3A_825, %slice3A_824 : vector<512x128xf32>
    %get3A_827 = arith.constant 1 : index
    %get3A_828 = arith.constant 2304 : index
    %get3A_829 = vector.load %arg3[%get3A_827, %get3A_828] : memref<4x4096xf32, #tpu.memory_space<vmem>>, vector<1x128xf32>
    %get3A_830 = vector.shape_cast %get3A_829 : vector<1x128xf32> to vector<128xf32>
    %broadcast_in_dim3A_831 = vector.shape_cast %get3A_830 : vector<128xf32> to vector<1x128xf32>
    %add3A_832 = vector.broadcast %broadcast_in_dim3A_831 : vector<1x128xf32> to vector<512x128xf32>
    %add3A_833 = arith.addf %add3A_826, %add3A_832 : vector<512x128xf32>
    %lt3A_834 = arith.cmpf olt, %add3A_833, %min3A_823 : vector<512x128xf32>
    %jit3A_835 = arith.constant 18 : i32
    %broadcast_in_dim3A_836 = vector.broadcast %jit3A_835 : i32 to vector<512x128xi32>
    %select_n3A_837 = arith.select %lt3A_834, %broadcast_in_dim3A_836, %select_n3A_822 : vector<512x128xi1>, vector<512x128xi32>
    %min3A_838 = arith.minimumf %add3A_833, %min3A_823 : vector<512x128xf32>
    %slice3A_839 = vector.extract_strided_slice %dot_general3A_793 {offsets = [0, 384], sizes = [512, 128], strides = [1, 1]} : vector<512x1024xf32> to vector<512x128xf32>
    %add3A_840 = vector.broadcast %broadcast_in_dim3A_535 : vector<512x1xf32> to vector<512x128xf32>
    %add3A_841 = arith.addf %add3A_840, %slice3A_839 : vector<512x128xf32>
    %get3A_842 = arith.constant 1 : index
    %get3A_843 = arith.constant 2432 : index
    %get3A_844 = vector.load %arg3[%get3A_842, %get3A_843] : memref<4x4096xf32, #tpu.memory_space<vmem>>, vector<1x128xf32>
    %get3A_845 = vector.shape_cast %get3A_844 : vector<1x128xf32> to vector<128xf32>
    %broadcast_in_dim3A_846 = vector.shape_cast %get3A_845 : vector<128xf32> to vector<1x128xf32>
    %add3A_847 = vector.broadcast %broadcast_in_dim3A_846 : vector<1x128xf32> to vector<512x128xf32>
    %add3A_848 = arith.addf %add3A_841, %add3A_847 : vector<512x128xf32>
    %lt3A_849 = arith.cmpf olt, %add3A_848, %min3A_838 : vector<512x128xf32>
    %jit3A_850 = arith.constant 19 : i32
    %broadcast_in_dim3A_851 = vector.broadcast %jit3A_850 : i32 to vector<512x128xi32>
    %select_n3A_852 = arith.select %lt3A_849, %broadcast_in_dim3A_851, %select_n3A_837 : vector<512x128xi1>, vector<512x128xi32>
    %min3A_853 = arith.minimumf %add3A_848, %min3A_838 : vector<512x128xf32>
    %slice3A_854 = vector.extract_strided_slice %dot_general3A_793 {offsets = [0, 512], sizes = [512, 128], strides = [1, 1]} : vector<512x1024xf32> to vector<512x128xf32>
    %add3A_855 = vector.broadcast %broadcast_in_dim3A_535 : vector<512x1xf32> to vector<512x128xf32>
    %add3A_856 = arith.addf %add3A_855, %slice3A_854 : vector<512x128xf32>
    %get3A_857 = arith.constant 1 : index
    %get3A_858 = arith.constant 2560 : index
    %get3A_859 = vector.load %arg3[%get3A_857, %get3A_858] : memref<4x4096xf32, #tpu.memory_space<vmem>>, vector<1x128xf32>
    %get3A_860 = vector.shape_cast %get3A_859 : vector<1x128xf32> to vector<128xf32>
    %broadcast_in_dim3A_861 = vector.shape_cast %get3A_860 : vector<128xf32> to vector<1x128xf32>
    %add3A_862 = vector.broadcast %broadcast_in_dim3A_861 : vector<1x128xf32> to vector<512x128xf32>
    %add3A_863 = arith.addf %add3A_856, %add3A_862 : vector<512x128xf32>
    %lt3A_864 = arith.cmpf olt, %add3A_863, %min3A_853 : vector<512x128xf32>
    %jit3A_865 = arith.constant 20 : i32
    %broadcast_in_dim3A_866 = vector.broadcast %jit3A_865 : i32 to vector<512x128xi32>
    %select_n3A_867 = arith.select %lt3A_864, %broadcast_in_dim3A_866, %select_n3A_852 : vector<512x128xi1>, vector<512x128xi32>
    %min3A_868 = arith.minimumf %add3A_863, %min3A_853 : vector<512x128xf32>
    %slice3A_869 = vector.extract_strided_slice %dot_general3A_793 {offsets = [0, 640], sizes = [512, 128], strides = [1, 1]} : vector<512x1024xf32> to vector<512x128xf32>
    %add3A_870 = vector.broadcast %broadcast_in_dim3A_535 : vector<512x1xf32> to vector<512x128xf32>
    %add3A_871 = arith.addf %add3A_870, %slice3A_869 : vector<512x128xf32>
    %get3A_872 = arith.constant 1 : index
    %get3A_873 = arith.constant 2688 : index
    %get3A_874 = vector.load %arg3[%get3A_872, %get3A_873] : memref<4x4096xf32, #tpu.memory_space<vmem>>, vector<1x128xf32>
    %get3A_875 = vector.shape_cast %get3A_874 : vector<1x128xf32> to vector<128xf32>
    %broadcast_in_dim3A_876 = vector.shape_cast %get3A_875 : vector<128xf32> to vector<1x128xf32>
    %add3A_877 = vector.broadcast %broadcast_in_dim3A_876 : vector<1x128xf32> to vector<512x128xf32>
    %add3A_878 = arith.addf %add3A_871, %add3A_877 : vector<512x128xf32>
    %lt3A_879 = arith.cmpf olt, %add3A_878, %min3A_868 : vector<512x128xf32>
    %jit3A_880 = arith.constant 21 : i32
    %broadcast_in_dim3A_881 = vector.broadcast %jit3A_880 : i32 to vector<512x128xi32>
    %select_n3A_882 = arith.select %lt3A_879, %broadcast_in_dim3A_881, %select_n3A_867 : vector<512x128xi1>, vector<512x128xi32>
    %min3A_883 = arith.minimumf %add3A_878, %min3A_868 : vector<512x128xf32>
    %slice3A_884 = vector.extract_strided_slice %dot_general3A_793 {offsets = [0, 768], sizes = [512, 128], strides = [1, 1]} : vector<512x1024xf32> to vector<512x128xf32>
    %add3A_885 = vector.broadcast %broadcast_in_dim3A_535 : vector<512x1xf32> to vector<512x128xf32>
    %add3A_886 = arith.addf %add3A_885, %slice3A_884 : vector<512x128xf32>
    %get3A_887 = arith.constant 1 : index
    %get3A_888 = arith.constant 2816 : index
    %get3A_889 = vector.load %arg3[%get3A_887, %get3A_888] : memref<4x4096xf32, #tpu.memory_space<vmem>>, vector<1x128xf32>
    %get3A_890 = vector.shape_cast %get3A_889 : vector<1x128xf32> to vector<128xf32>
    %broadcast_in_dim3A_891 = vector.shape_cast %get3A_890 : vector<128xf32> to vector<1x128xf32>
    %add3A_892 = vector.broadcast %broadcast_in_dim3A_891 : vector<1x128xf32> to vector<512x128xf32>
    %add3A_893 = arith.addf %add3A_886, %add3A_892 : vector<512x128xf32>
    %lt3A_894 = arith.cmpf olt, %add3A_893, %min3A_883 : vector<512x128xf32>
    %jit3A_895 = arith.constant 22 : i32
    %broadcast_in_dim3A_896 = vector.broadcast %jit3A_895 : i32 to vector<512x128xi32>
    %select_n3A_897 = arith.select %lt3A_894, %broadcast_in_dim3A_896, %select_n3A_882 : vector<512x128xi1>, vector<512x128xi32>
    %min3A_898 = arith.minimumf %add3A_893, %min3A_883 : vector<512x128xf32>
    %slice3A_899 = vector.extract_strided_slice %dot_general3A_793 {offsets = [0, 896], sizes = [512, 128], strides = [1, 1]} : vector<512x1024xf32> to vector<512x128xf32>
    %add3A_900 = vector.broadcast %broadcast_in_dim3A_535 : vector<512x1xf32> to vector<512x128xf32>
    %add3A_901 = arith.addf %add3A_900, %slice3A_899 : vector<512x128xf32>
    %get3A_902 = arith.constant 1 : index
    %get3A_903 = arith.constant 2944 : index
    %get3A_904 = vector.load %arg3[%get3A_902, %get3A_903] : memref<4x4096xf32, #tpu.memory_space<vmem>>, vector<1x128xf32>
    %get3A_905 = vector.shape_cast %get3A_904 : vector<1x128xf32> to vector<128xf32>
    %broadcast_in_dim3A_906 = vector.shape_cast %get3A_905 : vector<128xf32> to vector<1x128xf32>
    %add3A_907 = vector.broadcast %broadcast_in_dim3A_906 : vector<1x128xf32> to vector<512x128xf32>
    %add3A_908 = arith.addf %add3A_901, %add3A_907 : vector<512x128xf32>
    %lt3A_909 = arith.cmpf olt, %add3A_908, %min3A_898 : vector<512x128xf32>
    %jit3A_910 = arith.constant 23 : i32
    %broadcast_in_dim3A_911 = vector.broadcast %jit3A_910 : i32 to vector<512x128xi32>
    %select_n3A_912 = arith.select %lt3A_909, %broadcast_in_dim3A_911, %select_n3A_897 : vector<512x128xi1>, vector<512x128xi32>
    %min3A_913 = arith.minimumf %add3A_908, %min3A_898 : vector<512x128xf32>
    %get3A_914 = arith.constant 1 : index
    %get3A_915 = arith.constant 3072 : index
    %get3A_916 = arith.constant 0 : index
    %get3A_917 = vector.load %arg2[%get3A_914, %get3A_915, %get3A_916] : memref<4x4096x64xf32, #tpu.memory_space<vmem>>, vector<1x1024x64xf32>
    %get3A_918 = vector.shape_cast %get3A_917 : vector<1x1024x64xf32> to vector<1024x64xf32>
    %dot_general3A_919 = arith.constant dense<0.000000e+00> : vector<512x1024xf32>
    %dot_general3A_920 = tpu.matmul %mul3A_531, %get3A_918, %dot_general3A_919 {dimension_numbers = #tpu.dot_dimension_numbers<[1], [1], [0], [0], [0, 0, 1, 0], [], []>, transpose_lhs_hint = false} : vector<512x64xf32>, vector<1024x64xf32>, vector<512x1024xf32> -> vector<512x1024xf32>
    %slice3A_921 = vector.extract_strided_slice %dot_general3A_920 {offsets = [0, 0], sizes = [512, 128], strides = [1, 1]} : vector<512x1024xf32> to vector<512x128xf32>
    %add3A_922 = vector.broadcast %broadcast_in_dim3A_535 : vector<512x1xf32> to vector<512x128xf32>
    %add3A_923 = arith.addf %add3A_922, %slice3A_921 : vector<512x128xf32>
    %get3A_924 = arith.constant 1 : index
    %get3A_925 = arith.constant 3072 : index
    %get3A_926 = vector.load %arg3[%get3A_924, %get3A_925] : memref<4x4096xf32, #tpu.memory_space<vmem>>, vector<1x128xf32>
    %get3A_927 = vector.shape_cast %get3A_926 : vector<1x128xf32> to vector<128xf32>
    %broadcast_in_dim3A_928 = vector.shape_cast %get3A_927 : vector<128xf32> to vector<1x128xf32>
    %add3A_929 = vector.broadcast %broadcast_in_dim3A_928 : vector<1x128xf32> to vector<512x128xf32>
    %add3A_930 = arith.addf %add3A_923, %add3A_929 : vector<512x128xf32>
    %lt3A_931 = arith.cmpf olt, %add3A_930, %min3A_913 : vector<512x128xf32>
    %jit3A_932 = arith.constant 24 : i32
    %broadcast_in_dim3A_933 = vector.broadcast %jit3A_932 : i32 to vector<512x128xi32>
    %select_n3A_934 = arith.select %lt3A_931, %broadcast_in_dim3A_933, %select_n3A_912 : vector<512x128xi1>, vector<512x128xi32>
    %min3A_935 = arith.minimumf %add3A_930, %min3A_913 : vector<512x128xf32>
    %slice3A_936 = vector.extract_strided_slice %dot_general3A_920 {offsets = [0, 128], sizes = [512, 128], strides = [1, 1]} : vector<512x1024xf32> to vector<512x128xf32>
    %add3A_937 = vector.broadcast %broadcast_in_dim3A_535 : vector<512x1xf32> to vector<512x128xf32>
    %add3A_938 = arith.addf %add3A_937, %slice3A_936 : vector<512x128xf32>
    %get3A_939 = arith.constant 1 : index
    %get3A_940 = arith.constant 3200 : index
    %get3A_941 = vector.load %arg3[%get3A_939, %get3A_940] : memref<4x4096xf32, #tpu.memory_space<vmem>>, vector<1x128xf32>
    %get3A_942 = vector.shape_cast %get3A_941 : vector<1x128xf32> to vector<128xf32>
    %broadcast_in_dim3A_943 = vector.shape_cast %get3A_942 : vector<128xf32> to vector<1x128xf32>
    %add3A_944 = vector.broadcast %broadcast_in_dim3A_943 : vector<1x128xf32> to vector<512x128xf32>
    %add3A_945 = arith.addf %add3A_938, %add3A_944 : vector<512x128xf32>
    %lt3A_946 = arith.cmpf olt, %add3A_945, %min3A_935 : vector<512x128xf32>
    %jit3A_947 = arith.constant 25 : i32
    %broadcast_in_dim3A_948 = vector.broadcast %jit3A_947 : i32 to vector<512x128xi32>
    %select_n3A_949 = arith.select %lt3A_946, %broadcast_in_dim3A_948, %select_n3A_934 : vector<512x128xi1>, vector<512x128xi32>
    %min3A_950 = arith.minimumf %add3A_945, %min3A_935 : vector<512x128xf32>
    %slice3A_951 = vector.extract_strided_slice %dot_general3A_920 {offsets = [0, 256], sizes = [512, 128], strides = [1, 1]} : vector<512x1024xf32> to vector<512x128xf32>
    %add3A_952 = vector.broadcast %broadcast_in_dim3A_535 : vector<512x1xf32> to vector<512x128xf32>
    %add3A_953 = arith.addf %add3A_952, %slice3A_951 : vector<512x128xf32>
    %get3A_954 = arith.constant 1 : index
    %get3A_955 = arith.constant 3328 : index
    %get3A_956 = vector.load %arg3[%get3A_954, %get3A_955] : memref<4x4096xf32, #tpu.memory_space<vmem>>, vector<1x128xf32>
    %get3A_957 = vector.shape_cast %get3A_956 : vector<1x128xf32> to vector<128xf32>
    %broadcast_in_dim3A_958 = vector.shape_cast %get3A_957 : vector<128xf32> to vector<1x128xf32>
    %add3A_959 = vector.broadcast %broadcast_in_dim3A_958 : vector<1x128xf32> to vector<512x128xf32>
    %add3A_960 = arith.addf %add3A_953, %add3A_959 : vector<512x128xf32>
    %lt3A_961 = arith.cmpf olt, %add3A_960, %min3A_950 : vector<512x128xf32>
    %jit3A_962 = arith.constant 26 : i32
    %broadcast_in_dim3A_963 = vector.broadcast %jit3A_962 : i32 to vector<512x128xi32>
    %select_n3A_964 = arith.select %lt3A_961, %broadcast_in_dim3A_963, %select_n3A_949 : vector<512x128xi1>, vector<512x128xi32>
    %min3A_965 = arith.minimumf %add3A_960, %min3A_950 : vector<512x128xf32>
    %slice3A_966 = vector.extract_strided_slice %dot_general3A_920 {offsets = [0, 384], sizes = [512, 128], strides = [1, 1]} : vector<512x1024xf32> to vector<512x128xf32>
    %add3A_967 = vector.broadcast %broadcast_in_dim3A_535 : vector<512x1xf32> to vector<512x128xf32>
    %add3A_968 = arith.addf %add3A_967, %slice3A_966 : vector<512x128xf32>
    %get3A_969 = arith.constant 1 : index
    %get3A_970 = arith.constant 3456 : index
    %get3A_971 = vector.load %arg3[%get3A_969, %get3A_970] : memref<4x4096xf32, #tpu.memory_space<vmem>>, vector<1x128xf32>
    %get3A_972 = vector.shape_cast %get3A_971 : vector<1x128xf32> to vector<128xf32>
    %broadcast_in_dim3A_973 = vector.shape_cast %get3A_972 : vector<128xf32> to vector<1x128xf32>
    %add3A_974 = vector.broadcast %broadcast_in_dim3A_973 : vector<1x128xf32> to vector<512x128xf32>
    %add3A_975 = arith.addf %add3A_968, %add3A_974 : vector<512x128xf32>
    %lt3A_976 = arith.cmpf olt, %add3A_975, %min3A_965 : vector<512x128xf32>
    %jit3A_977 = arith.constant 27 : i32
    %broadcast_in_dim3A_978 = vector.broadcast %jit3A_977 : i32 to vector<512x128xi32>
    %select_n3A_979 = arith.select %lt3A_976, %broadcast_in_dim3A_978, %select_n3A_964 : vector<512x128xi1>, vector<512x128xi32>
    %min3A_980 = arith.minimumf %add3A_975, %min3A_965 : vector<512x128xf32>
    %slice3A_981 = vector.extract_strided_slice %dot_general3A_920 {offsets = [0, 512], sizes = [512, 128], strides = [1, 1]} : vector<512x1024xf32> to vector<512x128xf32>
    %add3A_982 = vector.broadcast %broadcast_in_dim3A_535 : vector<512x1xf32> to vector<512x128xf32>
    %add3A_983 = arith.addf %add3A_982, %slice3A_981 : vector<512x128xf32>
    %get3A_984 = arith.constant 1 : index
    %get3A_985 = arith.constant 3584 : index
    %get3A_986 = vector.load %arg3[%get3A_984, %get3A_985] : memref<4x4096xf32, #tpu.memory_space<vmem>>, vector<1x128xf32>
    %get3A_987 = vector.shape_cast %get3A_986 : vector<1x128xf32> to vector<128xf32>
    %broadcast_in_dim3A_988 = vector.shape_cast %get3A_987 : vector<128xf32> to vector<1x128xf32>
    %add3A_989 = vector.broadcast %broadcast_in_dim3A_988 : vector<1x128xf32> to vector<512x128xf32>
    %add3A_990 = arith.addf %add3A_983, %add3A_989 : vector<512x128xf32>
    %lt3A_991 = arith.cmpf olt, %add3A_990, %min3A_980 : vector<512x128xf32>
    %jit3A_992 = arith.constant 28 : i32
    %broadcast_in_dim3A_993 = vector.broadcast %jit3A_992 : i32 to vector<512x128xi32>
    %select_n3A_994 = arith.select %lt3A_991, %broadcast_in_dim3A_993, %select_n3A_979 : vector<512x128xi1>, vector<512x128xi32>
    %min3A_995 = arith.minimumf %add3A_990, %min3A_980 : vector<512x128xf32>
    %slice3A_996 = vector.extract_strided_slice %dot_general3A_920 {offsets = [0, 640], sizes = [512, 128], strides = [1, 1]} : vector<512x1024xf32> to vector<512x128xf32>
    %add3A_997 = vector.broadcast %broadcast_in_dim3A_535 : vector<512x1xf32> to vector<512x128xf32>
    %add3A_998 = arith.addf %add3A_997, %slice3A_996 : vector<512x128xf32>
    %get3A_999 = arith.constant 1 : index
    %get3A_1000 = arith.constant 3712 : index
    %get3A_1001 = vector.load %arg3[%get3A_999, %get3A_1000] : memref<4x4096xf32, #tpu.memory_space<vmem>>, vector<1x128xf32>
    %get3A_1002 = vector.shape_cast %get3A_1001 : vector<1x128xf32> to vector<128xf32>
    %broadcast_in_dim3A_1003 = vector.shape_cast %get3A_1002 : vector<128xf32> to vector<1x128xf32>
    %add3A_1004 = vector.broadcast %broadcast_in_dim3A_1003 : vector<1x128xf32> to vector<512x128xf32>
    %add3A_1005 = arith.addf %add3A_998, %add3A_1004 : vector<512x128xf32>
    %lt3A_1006 = arith.cmpf olt, %add3A_1005, %min3A_995 : vector<512x128xf32>
    %jit3A_1007 = arith.constant 29 : i32
    %broadcast_in_dim3A_1008 = vector.broadcast %jit3A_1007 : i32 to vector<512x128xi32>
    %select_n3A_1009 = arith.select %lt3A_1006, %broadcast_in_dim3A_1008, %select_n3A_994 : vector<512x128xi1>, vector<512x128xi32>
    %min3A_1010 = arith.minimumf %add3A_1005, %min3A_995 : vector<512x128xf32>
    %slice3A_1011 = vector.extract_strided_slice %dot_general3A_920 {offsets = [0, 768], sizes = [512, 128], strides = [1, 1]} : vector<512x1024xf32> to vector<512x128xf32>
    %add3A_1012 = vector.broadcast %broadcast_in_dim3A_535 : vector<512x1xf32> to vector<512x128xf32>
    %add3A_1013 = arith.addf %add3A_1012, %slice3A_1011 : vector<512x128xf32>
    %get3A_1014 = arith.constant 1 : index
    %get3A_1015 = arith.constant 3840 : index
    %get3A_1016 = vector.load %arg3[%get3A_1014, %get3A_1015] : memref<4x4096xf32, #tpu.memory_space<vmem>>, vector<1x128xf32>
    %get3A_1017 = vector.shape_cast %get3A_1016 : vector<1x128xf32> to vector<128xf32>
    %broadcast_in_dim3A_1018 = vector.shape_cast %get3A_1017 : vector<128xf32> to vector<1x128xf32>
    %add3A_1019 = vector.broadcast %broadcast_in_dim3A_1018 : vector<1x128xf32> to vector<512x128xf32>
    %add3A_1020 = arith.addf %add3A_1013, %add3A_1019 : vector<512x128xf32>
    %lt3A_1021 = arith.cmpf olt, %add3A_1020, %min3A_1010 : vector<512x128xf32>
    %jit3A_1022 = arith.constant 30 : i32
    %broadcast_in_dim3A_1023 = vector.broadcast %jit3A_1022 : i32 to vector<512x128xi32>
    %select_n3A_1024 = arith.select %lt3A_1021, %broadcast_in_dim3A_1023, %select_n3A_1009 : vector<512x128xi1>, vector<512x128xi32>
    %min3A_1025 = arith.minimumf %add3A_1020, %min3A_1010 : vector<512x128xf32>
    %slice3A_1026 = vector.extract_strided_slice %dot_general3A_920 {offsets = [0, 896], sizes = [512, 128], strides = [1, 1]} : vector<512x1024xf32> to vector<512x128xf32>
    %add3A_1027 = vector.broadcast %broadcast_in_dim3A_535 : vector<512x1xf32> to vector<512x128xf32>
    %add3A_1028 = arith.addf %add3A_1027, %slice3A_1026 : vector<512x128xf32>
    %get3A_1029 = arith.constant 1 : index
    %get3A_1030 = arith.constant 3968 : index
    %get3A_1031 = vector.load %arg3[%get3A_1029, %get3A_1030] : memref<4x4096xf32, #tpu.memory_space<vmem>>, vector<1x128xf32>
    %get3A_1032 = vector.shape_cast %get3A_1031 : vector<1x128xf32> to vector<128xf32>
    %broadcast_in_dim3A_1033 = vector.shape_cast %get3A_1032 : vector<128xf32> to vector<1x128xf32>
    %add3A_1034 = vector.broadcast %broadcast_in_dim3A_1033 : vector<1x128xf32> to vector<512x128xf32>
    %add3A_1035 = arith.addf %add3A_1028, %add3A_1034 : vector<512x128xf32>
    %lt3A_1036 = arith.cmpf olt, %add3A_1035, %min3A_1025 : vector<512x128xf32>
    %jit3A_1037 = arith.constant 31 : i32
    %broadcast_in_dim3A_1038 = vector.broadcast %jit3A_1037 : i32 to vector<512x128xi32>
    %select_n3A_1039 = arith.select %lt3A_1036, %broadcast_in_dim3A_1038, %select_n3A_1024 : vector<512x128xi1>, vector<512x128xi32>
    %min3A_1040 = arith.minimumf %add3A_1035, %min3A_1025 : vector<512x128xf32>
    %mul3A_1041 = arith.constant 128 : i32
    %mul3A_1042 = vector.broadcast %mul3A_1041 : i32 to vector<512x128xi32>
    %mul3A_1043 = arith.muli %select_n3A_1039, %mul3A_1042 : vector<512x128xi32>
    %add3A_1044 = arith.addi %mul3A_1043, %iota3A : vector<512x128xi32>
    %reduce_min3A_1045 = arith.constant dense<0x7F800000> : vector<512xf32>
    %reduce_min3A_1046 = vector.multi_reduction <minimumf>, %min3A_1040, %reduce_min3A_1045 [1] : vector<512x128xf32> to vector<512xf32>
    %broadcast_in_dim3A_1047 = vector.shape_cast %reduce_min3A_1046 : vector<512xf32> to vector<512x1xf32>
    %eq3A_1048 = vector.broadcast %broadcast_in_dim3A_1047 : vector<512x1xf32> to vector<512x128xf32>
    %eq3A_1049 = arith.cmpf oeq, %min3A_1040, %eq3A_1048 : vector<512x128xf32>
    %jit3A_1050 = arith.constant 4096 : i32
    %broadcast_in_dim3A_1051 = vector.broadcast %jit3A_1050 : i32 to vector<512x128xi32>
    %select_n3A_1052 = arith.select %eq3A_1049, %add3A_1044, %broadcast_in_dim3A_1051 : vector<512x128xi1>, vector<512x128xi32>
    %reduce_min3A_1053 = arith.constant dense<2147483647> : vector<512xi32>
    %reduce_min3A_1054 = vector.multi_reduction <minsi>, %select_n3A_1052, %reduce_min3A_1053 [1] : vector<512x128xi32> to vector<512xi32>
    %reduce_sum3A_1055 = vector.shape_cast %reduce_min3A_1046 : vector<512xf32> to vector<1x512xf32>
    %reduce_sum3A_1056 = arith.constant dense<0.000000e+00> : vector<1xf32>
    %reduce_sum3A_1057 = vector.multi_reduction <add>, %reduce_sum3A_1055, %reduce_sum3A_1056 [1] : vector<1x512xf32> to vector<1xf32>
    %reduce_sum3A_1058 = vector.shape_cast %reduce_sum3A_1057 : vector<1xf32> to vector<1x1xf32>
    %reduce_sum3A_1059 = vector.extract %reduce_sum3A_1058[0, 0] : f32 from vector<1x1xf32>
    %broadcast_in_dim3A_1060 = vector.broadcast %reduce_sum3A_1059 : f32 to vector<1x1xf32>
    %add3A_1061 = arith.addf %add3A_526, %broadcast_in_dim3A_1060 : vector<1x1xf32>
    %slice3A_1062 = vector.extract_strided_slice %get3A_2 {offsets = [0, 2, 0], sizes = [512, 1, 64], strides = [1, 1, 1]} : vector<512x4x64xf32> to vector<512x1x64xf32>
    %squeeze3A_1063 = vector.shape_cast %slice3A_1062 : vector<512x1x64xf32> to vector<512x64xf32>
    %mul3A_1064 = arith.constant -2.000000e+00 : f32
    %mul3A_1065 = vector.broadcast %mul3A_1064 : f32 to vector<512x64xf32>
    %mul3A_1066 = arith.mulf %squeeze3A_1063, %mul3A_1065 : vector<512x64xf32>
    %mul3A_1067 = arith.mulf %squeeze3A_1063, %squeeze3A_1063 : vector<512x64xf32>
    %reduce_sum3A_1068 = arith.constant dense<0.000000e+00> : vector<512xf32>
    %reduce_sum3A_1069 = vector.multi_reduction <add>, %mul3A_1067, %reduce_sum3A_1068 [1] : vector<512x64xf32> to vector<512xf32>
    %broadcast_in_dim3A_1070 = vector.shape_cast %reduce_sum3A_1069 : vector<512xf32> to vector<512x1xf32>
    %get3A_1071 = arith.constant 2 : index
    %get3A_1072 = arith.constant 0 : index
    %get3A_1073 = arith.constant 0 : index
    %get3A_1074 = vector.load %arg2[%get3A_1071, %get3A_1072, %get3A_1073] : memref<4x4096x64xf32, #tpu.memory_space<vmem>>, vector<1x1024x64xf32>
    %get3A_1075 = vector.shape_cast %get3A_1074 : vector<1x1024x64xf32> to vector<1024x64xf32>
    %dot_general3A_1076 = arith.constant dense<0.000000e+00> : vector<512x1024xf32>
    %dot_general3A_1077 = tpu.matmul %mul3A_1066, %get3A_1075, %dot_general3A_1076 {dimension_numbers = #tpu.dot_dimension_numbers<[1], [1], [0], [0], [0, 0, 1, 0], [], []>, transpose_lhs_hint = false} : vector<512x64xf32>, vector<1024x64xf32>, vector<512x1024xf32> -> vector<512x1024xf32>
    %slice3A_1078 = vector.extract_strided_slice %dot_general3A_1077 {offsets = [0, 0], sizes = [512, 128], strides = [1, 1]} : vector<512x1024xf32> to vector<512x128xf32>
    %add3A_1079 = vector.broadcast %broadcast_in_dim3A_1070 : vector<512x1xf32> to vector<512x128xf32>
    %add3A_1080 = arith.addf %add3A_1079, %slice3A_1078 : vector<512x128xf32>
    %get3A_1081 = arith.constant 2 : index
    %get3A_1082 = arith.constant 0 : index
    %get3A_1083 = vector.load %arg3[%get3A_1081, %get3A_1082] : memref<4x4096xf32, #tpu.memory_space<vmem>>, vector<1x128xf32>
    %get3A_1084 = vector.shape_cast %get3A_1083 : vector<1x128xf32> to vector<128xf32>
    %broadcast_in_dim3A_1085 = vector.shape_cast %get3A_1084 : vector<128xf32> to vector<1x128xf32>
    %add3A_1086 = vector.broadcast %broadcast_in_dim3A_1085 : vector<1x128xf32> to vector<512x128xf32>
    %add3A_1087 = arith.addf %add3A_1080, %add3A_1086 : vector<512x128xf32>
    %broadcast_in_dim3A_1088 = arith.constant 0 : i32
    %broadcast_in_dim3A_1089 = vector.broadcast %broadcast_in_dim3A_1088 : i32 to vector<512x128xi32>
    %slice3A_1090 = vector.extract_strided_slice %dot_general3A_1077 {offsets = [0, 128], sizes = [512, 128], strides = [1, 1]} : vector<512x1024xf32> to vector<512x128xf32>
    %add3A_1091 = vector.broadcast %broadcast_in_dim3A_1070 : vector<512x1xf32> to vector<512x128xf32>
    %add3A_1092 = arith.addf %add3A_1091, %slice3A_1090 : vector<512x128xf32>
    %get3A_1093 = arith.constant 2 : index
    %get3A_1094 = arith.constant 128 : index
    %get3A_1095 = vector.load %arg3[%get3A_1093, %get3A_1094] : memref<4x4096xf32, #tpu.memory_space<vmem>>, vector<1x128xf32>
    %get3A_1096 = vector.shape_cast %get3A_1095 : vector<1x128xf32> to vector<128xf32>
    %broadcast_in_dim3A_1097 = vector.shape_cast %get3A_1096 : vector<128xf32> to vector<1x128xf32>
    %add3A_1098 = vector.broadcast %broadcast_in_dim3A_1097 : vector<1x128xf32> to vector<512x128xf32>
    %add3A_1099 = arith.addf %add3A_1092, %add3A_1098 : vector<512x128xf32>
    %lt3A_1100 = arith.cmpf olt, %add3A_1099, %add3A_1087 : vector<512x128xf32>
    %jit3A_1101 = arith.constant 1 : i32
    %broadcast_in_dim3A_1102 = vector.broadcast %jit3A_1101 : i32 to vector<512x128xi32>
    %select_n3A_1103 = arith.select %lt3A_1100, %broadcast_in_dim3A_1102, %broadcast_in_dim3A_1089 : vector<512x128xi1>, vector<512x128xi32>
    %min3A_1104 = arith.minimumf %add3A_1099, %add3A_1087 : vector<512x128xf32>
    %slice3A_1105 = vector.extract_strided_slice %dot_general3A_1077 {offsets = [0, 256], sizes = [512, 128], strides = [1, 1]} : vector<512x1024xf32> to vector<512x128xf32>
    %add3A_1106 = vector.broadcast %broadcast_in_dim3A_1070 : vector<512x1xf32> to vector<512x128xf32>
    %add3A_1107 = arith.addf %add3A_1106, %slice3A_1105 : vector<512x128xf32>
    %get3A_1108 = arith.constant 2 : index
    %get3A_1109 = arith.constant 256 : index
    %get3A_1110 = vector.load %arg3[%get3A_1108, %get3A_1109] : memref<4x4096xf32, #tpu.memory_space<vmem>>, vector<1x128xf32>
    %get3A_1111 = vector.shape_cast %get3A_1110 : vector<1x128xf32> to vector<128xf32>
    %broadcast_in_dim3A_1112 = vector.shape_cast %get3A_1111 : vector<128xf32> to vector<1x128xf32>
    %add3A_1113 = vector.broadcast %broadcast_in_dim3A_1112 : vector<1x128xf32> to vector<512x128xf32>
    %add3A_1114 = arith.addf %add3A_1107, %add3A_1113 : vector<512x128xf32>
    %lt3A_1115 = arith.cmpf olt, %add3A_1114, %min3A_1104 : vector<512x128xf32>
    %jit3A_1116 = arith.constant 2 : i32
    %broadcast_in_dim3A_1117 = vector.broadcast %jit3A_1116 : i32 to vector<512x128xi32>
    %select_n3A_1118 = arith.select %lt3A_1115, %broadcast_in_dim3A_1117, %select_n3A_1103 : vector<512x128xi1>, vector<512x128xi32>
    %min3A_1119 = arith.minimumf %add3A_1114, %min3A_1104 : vector<512x128xf32>
    %slice3A_1120 = vector.extract_strided_slice %dot_general3A_1077 {offsets = [0, 384], sizes = [512, 128], strides = [1, 1]} : vector<512x1024xf32> to vector<512x128xf32>
    %add3A_1121 = vector.broadcast %broadcast_in_dim3A_1070 : vector<512x1xf32> to vector<512x128xf32>
    %add3A_1122 = arith.addf %add3A_1121, %slice3A_1120 : vector<512x128xf32>
    %get3A_1123 = arith.constant 2 : index
    %get3A_1124 = arith.constant 384 : index
    %get3A_1125 = vector.load %arg3[%get3A_1123, %get3A_1124] : memref<4x4096xf32, #tpu.memory_space<vmem>>, vector<1x128xf32>
    %get3A_1126 = vector.shape_cast %get3A_1125 : vector<1x128xf32> to vector<128xf32>
    %broadcast_in_dim3A_1127 = vector.shape_cast %get3A_1126 : vector<128xf32> to vector<1x128xf32>
    %add3A_1128 = vector.broadcast %broadcast_in_dim3A_1127 : vector<1x128xf32> to vector<512x128xf32>
    %add3A_1129 = arith.addf %add3A_1122, %add3A_1128 : vector<512x128xf32>
    %lt3A_1130 = arith.cmpf olt, %add3A_1129, %min3A_1119 : vector<512x128xf32>
    %jit3A_1131 = arith.constant 3 : i32
    %broadcast_in_dim3A_1132 = vector.broadcast %jit3A_1131 : i32 to vector<512x128xi32>
    %select_n3A_1133 = arith.select %lt3A_1130, %broadcast_in_dim3A_1132, %select_n3A_1118 : vector<512x128xi1>, vector<512x128xi32>
    %min3A_1134 = arith.minimumf %add3A_1129, %min3A_1119 : vector<512x128xf32>
    %slice3A_1135 = vector.extract_strided_slice %dot_general3A_1077 {offsets = [0, 512], sizes = [512, 128], strides = [1, 1]} : vector<512x1024xf32> to vector<512x128xf32>
    %add3A_1136 = vector.broadcast %broadcast_in_dim3A_1070 : vector<512x1xf32> to vector<512x128xf32>
    %add3A_1137 = arith.addf %add3A_1136, %slice3A_1135 : vector<512x128xf32>
    %get3A_1138 = arith.constant 2 : index
    %get3A_1139 = arith.constant 512 : index
    %get3A_1140 = vector.load %arg3[%get3A_1138, %get3A_1139] : memref<4x4096xf32, #tpu.memory_space<vmem>>, vector<1x128xf32>
    %get3A_1141 = vector.shape_cast %get3A_1140 : vector<1x128xf32> to vector<128xf32>
    %broadcast_in_dim3A_1142 = vector.shape_cast %get3A_1141 : vector<128xf32> to vector<1x128xf32>
    %add3A_1143 = vector.broadcast %broadcast_in_dim3A_1142 : vector<1x128xf32> to vector<512x128xf32>
    %add3A_1144 = arith.addf %add3A_1137, %add3A_1143 : vector<512x128xf32>
    %lt3A_1145 = arith.cmpf olt, %add3A_1144, %min3A_1134 : vector<512x128xf32>
    %jit3A_1146 = arith.constant 4 : i32
    %broadcast_in_dim3A_1147 = vector.broadcast %jit3A_1146 : i32 to vector<512x128xi32>
    %select_n3A_1148 = arith.select %lt3A_1145, %broadcast_in_dim3A_1147, %select_n3A_1133 : vector<512x128xi1>, vector<512x128xi32>
    %min3A_1149 = arith.minimumf %add3A_1144, %min3A_1134 : vector<512x128xf32>
    %slice3A_1150 = vector.extract_strided_slice %dot_general3A_1077 {offsets = [0, 640], sizes = [512, 128], strides = [1, 1]} : vector<512x1024xf32> to vector<512x128xf32>
    %add3A_1151 = vector.broadcast %broadcast_in_dim3A_1070 : vector<512x1xf32> to vector<512x128xf32>
    %add3A_1152 = arith.addf %add3A_1151, %slice3A_1150 : vector<512x128xf32>
    %get3A_1153 = arith.constant 2 : index
    %get3A_1154 = arith.constant 640 : index
    %get3A_1155 = vector.load %arg3[%get3A_1153, %get3A_1154] : memref<4x4096xf32, #tpu.memory_space<vmem>>, vector<1x128xf32>
    %get3A_1156 = vector.shape_cast %get3A_1155 : vector<1x128xf32> to vector<128xf32>
    %broadcast_in_dim3A_1157 = vector.shape_cast %get3A_1156 : vector<128xf32> to vector<1x128xf32>
    %add3A_1158 = vector.broadcast %broadcast_in_dim3A_1157 : vector<1x128xf32> to vector<512x128xf32>
    %add3A_1159 = arith.addf %add3A_1152, %add3A_1158 : vector<512x128xf32>
    %lt3A_1160 = arith.cmpf olt, %add3A_1159, %min3A_1149 : vector<512x128xf32>
    %jit3A_1161 = arith.constant 5 : i32
    %broadcast_in_dim3A_1162 = vector.broadcast %jit3A_1161 : i32 to vector<512x128xi32>
    %select_n3A_1163 = arith.select %lt3A_1160, %broadcast_in_dim3A_1162, %select_n3A_1148 : vector<512x128xi1>, vector<512x128xi32>
    %min3A_1164 = arith.minimumf %add3A_1159, %min3A_1149 : vector<512x128xf32>
    %slice3A_1165 = vector.extract_strided_slice %dot_general3A_1077 {offsets = [0, 768], sizes = [512, 128], strides = [1, 1]} : vector<512x1024xf32> to vector<512x128xf32>
    %add3A_1166 = vector.broadcast %broadcast_in_dim3A_1070 : vector<512x1xf32> to vector<512x128xf32>
    %add3A_1167 = arith.addf %add3A_1166, %slice3A_1165 : vector<512x128xf32>
    %get3A_1168 = arith.constant 2 : index
    %get3A_1169 = arith.constant 768 : index
    %get3A_1170 = vector.load %arg3[%get3A_1168, %get3A_1169] : memref<4x4096xf32, #tpu.memory_space<vmem>>, vector<1x128xf32>
    %get3A_1171 = vector.shape_cast %get3A_1170 : vector<1x128xf32> to vector<128xf32>
    %broadcast_in_dim3A_1172 = vector.shape_cast %get3A_1171 : vector<128xf32> to vector<1x128xf32>
    %add3A_1173 = vector.broadcast %broadcast_in_dim3A_1172 : vector<1x128xf32> to vector<512x128xf32>
    %add3A_1174 = arith.addf %add3A_1167, %add3A_1173 : vector<512x128xf32>
    %lt3A_1175 = arith.cmpf olt, %add3A_1174, %min3A_1164 : vector<512x128xf32>
    %jit3A_1176 = arith.constant 6 : i32
    %broadcast_in_dim3A_1177 = vector.broadcast %jit3A_1176 : i32 to vector<512x128xi32>
    %select_n3A_1178 = arith.select %lt3A_1175, %broadcast_in_dim3A_1177, %select_n3A_1163 : vector<512x128xi1>, vector<512x128xi32>
    %min3A_1179 = arith.minimumf %add3A_1174, %min3A_1164 : vector<512x128xf32>
    %slice3A_1180 = vector.extract_strided_slice %dot_general3A_1077 {offsets = [0, 896], sizes = [512, 128], strides = [1, 1]} : vector<512x1024xf32> to vector<512x128xf32>
    %add3A_1181 = vector.broadcast %broadcast_in_dim3A_1070 : vector<512x1xf32> to vector<512x128xf32>
    %add3A_1182 = arith.addf %add3A_1181, %slice3A_1180 : vector<512x128xf32>
    %get3A_1183 = arith.constant 2 : index
    %get3A_1184 = arith.constant 896 : index
    %get3A_1185 = vector.load %arg3[%get3A_1183, %get3A_1184] : memref<4x4096xf32, #tpu.memory_space<vmem>>, vector<1x128xf32>
    %get3A_1186 = vector.shape_cast %get3A_1185 : vector<1x128xf32> to vector<128xf32>
    %broadcast_in_dim3A_1187 = vector.shape_cast %get3A_1186 : vector<128xf32> to vector<1x128xf32>
    %add3A_1188 = vector.broadcast %broadcast_in_dim3A_1187 : vector<1x128xf32> to vector<512x128xf32>
    %add3A_1189 = arith.addf %add3A_1182, %add3A_1188 : vector<512x128xf32>
    %lt3A_1190 = arith.cmpf olt, %add3A_1189, %min3A_1179 : vector<512x128xf32>
    %jit3A_1191 = arith.constant 7 : i32
    %broadcast_in_dim3A_1192 = vector.broadcast %jit3A_1191 : i32 to vector<512x128xi32>
    %select_n3A_1193 = arith.select %lt3A_1190, %broadcast_in_dim3A_1192, %select_n3A_1178 : vector<512x128xi1>, vector<512x128xi32>
    %min3A_1194 = arith.minimumf %add3A_1189, %min3A_1179 : vector<512x128xf32>
    %get3A_1195 = arith.constant 2 : index
    %get3A_1196 = arith.constant 1024 : index
    %get3A_1197 = arith.constant 0 : index
    %get3A_1198 = vector.load %arg2[%get3A_1195, %get3A_1196, %get3A_1197] : memref<4x4096x64xf32, #tpu.memory_space<vmem>>, vector<1x1024x64xf32>
    %get3A_1199 = vector.shape_cast %get3A_1198 : vector<1x1024x64xf32> to vector<1024x64xf32>
    %dot_general3A_1200 = arith.constant dense<0.000000e+00> : vector<512x1024xf32>
    %dot_general3A_1201 = tpu.matmul %mul3A_1066, %get3A_1199, %dot_general3A_1200 {dimension_numbers = #tpu.dot_dimension_numbers<[1], [1], [0], [0], [0, 0, 1, 0], [], []>, transpose_lhs_hint = false} : vector<512x64xf32>, vector<1024x64xf32>, vector<512x1024xf32> -> vector<512x1024xf32>
    %slice3A_1202 = vector.extract_strided_slice %dot_general3A_1201 {offsets = [0, 0], sizes = [512, 128], strides = [1, 1]} : vector<512x1024xf32> to vector<512x128xf32>
    %add3A_1203 = vector.broadcast %broadcast_in_dim3A_1070 : vector<512x1xf32> to vector<512x128xf32>
    %add3A_1204 = arith.addf %add3A_1203, %slice3A_1202 : vector<512x128xf32>
    %get3A_1205 = arith.constant 2 : index
    %get3A_1206 = arith.constant 1024 : index
    %get3A_1207 = vector.load %arg3[%get3A_1205, %get3A_1206] : memref<4x4096xf32, #tpu.memory_space<vmem>>, vector<1x128xf32>
    %get3A_1208 = vector.shape_cast %get3A_1207 : vector<1x128xf32> to vector<128xf32>
    %broadcast_in_dim3A_1209 = vector.shape_cast %get3A_1208 : vector<128xf32> to vector<1x128xf32>
    %add3A_1210 = vector.broadcast %broadcast_in_dim3A_1209 : vector<1x128xf32> to vector<512x128xf32>
    %add3A_1211 = arith.addf %add3A_1204, %add3A_1210 : vector<512x128xf32>
    %lt3A_1212 = arith.cmpf olt, %add3A_1211, %min3A_1194 : vector<512x128xf32>
    %jit3A_1213 = arith.constant 8 : i32
    %broadcast_in_dim3A_1214 = vector.broadcast %jit3A_1213 : i32 to vector<512x128xi32>
    %select_n3A_1215 = arith.select %lt3A_1212, %broadcast_in_dim3A_1214, %select_n3A_1193 : vector<512x128xi1>, vector<512x128xi32>
    %min3A_1216 = arith.minimumf %add3A_1211, %min3A_1194 : vector<512x128xf32>
    %slice3A_1217 = vector.extract_strided_slice %dot_general3A_1201 {offsets = [0, 128], sizes = [512, 128], strides = [1, 1]} : vector<512x1024xf32> to vector<512x128xf32>
    %add3A_1218 = vector.broadcast %broadcast_in_dim3A_1070 : vector<512x1xf32> to vector<512x128xf32>
    %add3A_1219 = arith.addf %add3A_1218, %slice3A_1217 : vector<512x128xf32>
    %get3A_1220 = arith.constant 2 : index
    %get3A_1221 = arith.constant 1152 : index
    %get3A_1222 = vector.load %arg3[%get3A_1220, %get3A_1221] : memref<4x4096xf32, #tpu.memory_space<vmem>>, vector<1x128xf32>
    %get3A_1223 = vector.shape_cast %get3A_1222 : vector<1x128xf32> to vector<128xf32>
    %broadcast_in_dim3A_1224 = vector.shape_cast %get3A_1223 : vector<128xf32> to vector<1x128xf32>
    %add3A_1225 = vector.broadcast %broadcast_in_dim3A_1224 : vector<1x128xf32> to vector<512x128xf32>
    %add3A_1226 = arith.addf %add3A_1219, %add3A_1225 : vector<512x128xf32>
    %lt3A_1227 = arith.cmpf olt, %add3A_1226, %min3A_1216 : vector<512x128xf32>
    %jit3A_1228 = arith.constant 9 : i32
    %broadcast_in_dim3A_1229 = vector.broadcast %jit3A_1228 : i32 to vector<512x128xi32>
    %select_n3A_1230 = arith.select %lt3A_1227, %broadcast_in_dim3A_1229, %select_n3A_1215 : vector<512x128xi1>, vector<512x128xi32>
    %min3A_1231 = arith.minimumf %add3A_1226, %min3A_1216 : vector<512x128xf32>
    %slice3A_1232 = vector.extract_strided_slice %dot_general3A_1201 {offsets = [0, 256], sizes = [512, 128], strides = [1, 1]} : vector<512x1024xf32> to vector<512x128xf32>
    %add3A_1233 = vector.broadcast %broadcast_in_dim3A_1070 : vector<512x1xf32> to vector<512x128xf32>
    %add3A_1234 = arith.addf %add3A_1233, %slice3A_1232 : vector<512x128xf32>
    %get3A_1235 = arith.constant 2 : index
    %get3A_1236 = arith.constant 1280 : index
    %get3A_1237 = vector.load %arg3[%get3A_1235, %get3A_1236] : memref<4x4096xf32, #tpu.memory_space<vmem>>, vector<1x128xf32>
    %get3A_1238 = vector.shape_cast %get3A_1237 : vector<1x128xf32> to vector<128xf32>
    %broadcast_in_dim3A_1239 = vector.shape_cast %get3A_1238 : vector<128xf32> to vector<1x128xf32>
    %add3A_1240 = vector.broadcast %broadcast_in_dim3A_1239 : vector<1x128xf32> to vector<512x128xf32>
    %add3A_1241 = arith.addf %add3A_1234, %add3A_1240 : vector<512x128xf32>
    %lt3A_1242 = arith.cmpf olt, %add3A_1241, %min3A_1231 : vector<512x128xf32>
    %jit3A_1243 = arith.constant 10 : i32
    %broadcast_in_dim3A_1244 = vector.broadcast %jit3A_1243 : i32 to vector<512x128xi32>
    %select_n3A_1245 = arith.select %lt3A_1242, %broadcast_in_dim3A_1244, %select_n3A_1230 : vector<512x128xi1>, vector<512x128xi32>
    %min3A_1246 = arith.minimumf %add3A_1241, %min3A_1231 : vector<512x128xf32>
    %slice3A_1247 = vector.extract_strided_slice %dot_general3A_1201 {offsets = [0, 384], sizes = [512, 128], strides = [1, 1]} : vector<512x1024xf32> to vector<512x128xf32>
    %add3A_1248 = vector.broadcast %broadcast_in_dim3A_1070 : vector<512x1xf32> to vector<512x128xf32>
    %add3A_1249 = arith.addf %add3A_1248, %slice3A_1247 : vector<512x128xf32>
    %get3A_1250 = arith.constant 2 : index
    %get3A_1251 = arith.constant 1408 : index
    %get3A_1252 = vector.load %arg3[%get3A_1250, %get3A_1251] : memref<4x4096xf32, #tpu.memory_space<vmem>>, vector<1x128xf32>
    %get3A_1253 = vector.shape_cast %get3A_1252 : vector<1x128xf32> to vector<128xf32>
    %broadcast_in_dim3A_1254 = vector.shape_cast %get3A_1253 : vector<128xf32> to vector<1x128xf32>
    %add3A_1255 = vector.broadcast %broadcast_in_dim3A_1254 : vector<1x128xf32> to vector<512x128xf32>
    %add3A_1256 = arith.addf %add3A_1249, %add3A_1255 : vector<512x128xf32>
    %lt3A_1257 = arith.cmpf olt, %add3A_1256, %min3A_1246 : vector<512x128xf32>
    %jit3A_1258 = arith.constant 11 : i32
    %broadcast_in_dim3A_1259 = vector.broadcast %jit3A_1258 : i32 to vector<512x128xi32>
    %select_n3A_1260 = arith.select %lt3A_1257, %broadcast_in_dim3A_1259, %select_n3A_1245 : vector<512x128xi1>, vector<512x128xi32>
    %min3A_1261 = arith.minimumf %add3A_1256, %min3A_1246 : vector<512x128xf32>
    %slice3A_1262 = vector.extract_strided_slice %dot_general3A_1201 {offsets = [0, 512], sizes = [512, 128], strides = [1, 1]} : vector<512x1024xf32> to vector<512x128xf32>
    %add3A_1263 = vector.broadcast %broadcast_in_dim3A_1070 : vector<512x1xf32> to vector<512x128xf32>
    %add3A_1264 = arith.addf %add3A_1263, %slice3A_1262 : vector<512x128xf32>
    %get3A_1265 = arith.constant 2 : index
    %get3A_1266 = arith.constant 1536 : index
    %get3A_1267 = vector.load %arg3[%get3A_1265, %get3A_1266] : memref<4x4096xf32, #tpu.memory_space<vmem>>, vector<1x128xf32>
    %get3A_1268 = vector.shape_cast %get3A_1267 : vector<1x128xf32> to vector<128xf32>
    %broadcast_in_dim3A_1269 = vector.shape_cast %get3A_1268 : vector<128xf32> to vector<1x128xf32>
    %add3A_1270 = vector.broadcast %broadcast_in_dim3A_1269 : vector<1x128xf32> to vector<512x128xf32>
    %add3A_1271 = arith.addf %add3A_1264, %add3A_1270 : vector<512x128xf32>
    %lt3A_1272 = arith.cmpf olt, %add3A_1271, %min3A_1261 : vector<512x128xf32>
    %jit3A_1273 = arith.constant 12 : i32
    %broadcast_in_dim3A_1274 = vector.broadcast %jit3A_1273 : i32 to vector<512x128xi32>
    %select_n3A_1275 = arith.select %lt3A_1272, %broadcast_in_dim3A_1274, %select_n3A_1260 : vector<512x128xi1>, vector<512x128xi32>
    %min3A_1276 = arith.minimumf %add3A_1271, %min3A_1261 : vector<512x128xf32>
    %slice3A_1277 = vector.extract_strided_slice %dot_general3A_1201 {offsets = [0, 640], sizes = [512, 128], strides = [1, 1]} : vector<512x1024xf32> to vector<512x128xf32>
    %add3A_1278 = vector.broadcast %broadcast_in_dim3A_1070 : vector<512x1xf32> to vector<512x128xf32>
    %add3A_1279 = arith.addf %add3A_1278, %slice3A_1277 : vector<512x128xf32>
    %get3A_1280 = arith.constant 2 : index
    %get3A_1281 = arith.constant 1664 : index
    %get3A_1282 = vector.load %arg3[%get3A_1280, %get3A_1281] : memref<4x4096xf32, #tpu.memory_space<vmem>>, vector<1x128xf32>
    %get3A_1283 = vector.shape_cast %get3A_1282 : vector<1x128xf32> to vector<128xf32>
    %broadcast_in_dim3A_1284 = vector.shape_cast %get3A_1283 : vector<128xf32> to vector<1x128xf32>
    %add3A_1285 = vector.broadcast %broadcast_in_dim3A_1284 : vector<1x128xf32> to vector<512x128xf32>
    %add3A_1286 = arith.addf %add3A_1279, %add3A_1285 : vector<512x128xf32>
    %lt3A_1287 = arith.cmpf olt, %add3A_1286, %min3A_1276 : vector<512x128xf32>
    %jit3A_1288 = arith.constant 13 : i32
    %broadcast_in_dim3A_1289 = vector.broadcast %jit3A_1288 : i32 to vector<512x128xi32>
    %select_n3A_1290 = arith.select %lt3A_1287, %broadcast_in_dim3A_1289, %select_n3A_1275 : vector<512x128xi1>, vector<512x128xi32>
    %min3A_1291 = arith.minimumf %add3A_1286, %min3A_1276 : vector<512x128xf32>
    %slice3A_1292 = vector.extract_strided_slice %dot_general3A_1201 {offsets = [0, 768], sizes = [512, 128], strides = [1, 1]} : vector<512x1024xf32> to vector<512x128xf32>
    %add3A_1293 = vector.broadcast %broadcast_in_dim3A_1070 : vector<512x1xf32> to vector<512x128xf32>
    %add3A_1294 = arith.addf %add3A_1293, %slice3A_1292 : vector<512x128xf32>
    %get3A_1295 = arith.constant 2 : index
    %get3A_1296 = arith.constant 1792 : index
    %get3A_1297 = vector.load %arg3[%get3A_1295, %get3A_1296] : memref<4x4096xf32, #tpu.memory_space<vmem>>, vector<1x128xf32>
    %get3A_1298 = vector.shape_cast %get3A_1297 : vector<1x128xf32> to vector<128xf32>
    %broadcast_in_dim3A_1299 = vector.shape_cast %get3A_1298 : vector<128xf32> to vector<1x128xf32>
    %add3A_1300 = vector.broadcast %broadcast_in_dim3A_1299 : vector<1x128xf32> to vector<512x128xf32>
    %add3A_1301 = arith.addf %add3A_1294, %add3A_1300 : vector<512x128xf32>
    %lt3A_1302 = arith.cmpf olt, %add3A_1301, %min3A_1291 : vector<512x128xf32>
    %jit3A_1303 = arith.constant 14 : i32
    %broadcast_in_dim3A_1304 = vector.broadcast %jit3A_1303 : i32 to vector<512x128xi32>
    %select_n3A_1305 = arith.select %lt3A_1302, %broadcast_in_dim3A_1304, %select_n3A_1290 : vector<512x128xi1>, vector<512x128xi32>
    %min3A_1306 = arith.minimumf %add3A_1301, %min3A_1291 : vector<512x128xf32>
    %slice3A_1307 = vector.extract_strided_slice %dot_general3A_1201 {offsets = [0, 896], sizes = [512, 128], strides = [1, 1]} : vector<512x1024xf32> to vector<512x128xf32>
    %add3A_1308 = vector.broadcast %broadcast_in_dim3A_1070 : vector<512x1xf32> to vector<512x128xf32>
    %add3A_1309 = arith.addf %add3A_1308, %slice3A_1307 : vector<512x128xf32>
    %get3A_1310 = arith.constant 2 : index
    %get3A_1311 = arith.constant 1920 : index
    %get3A_1312 = vector.load %arg3[%get3A_1310, %get3A_1311] : memref<4x4096xf32, #tpu.memory_space<vmem>>, vector<1x128xf32>
    %get3A_1313 = vector.shape_cast %get3A_1312 : vector<1x128xf32> to vector<128xf32>
    %broadcast_in_dim3A_1314 = vector.shape_cast %get3A_1313 : vector<128xf32> to vector<1x128xf32>
    %add3A_1315 = vector.broadcast %broadcast_in_dim3A_1314 : vector<1x128xf32> to vector<512x128xf32>
    %add3A_1316 = arith.addf %add3A_1309, %add3A_1315 : vector<512x128xf32>
    %lt3A_1317 = arith.cmpf olt, %add3A_1316, %min3A_1306 : vector<512x128xf32>
    %jit3A_1318 = arith.constant 15 : i32
    %broadcast_in_dim3A_1319 = vector.broadcast %jit3A_1318 : i32 to vector<512x128xi32>
    %select_n3A_1320 = arith.select %lt3A_1317, %broadcast_in_dim3A_1319, %select_n3A_1305 : vector<512x128xi1>, vector<512x128xi32>
    %min3A_1321 = arith.minimumf %add3A_1316, %min3A_1306 : vector<512x128xf32>
    %get3A_1322 = arith.constant 2 : index
    %get3A_1323 = arith.constant 2048 : index
    %get3A_1324 = arith.constant 0 : index
    %get3A_1325 = vector.load %arg2[%get3A_1322, %get3A_1323, %get3A_1324] : memref<4x4096x64xf32, #tpu.memory_space<vmem>>, vector<1x1024x64xf32>
    %get3A_1326 = vector.shape_cast %get3A_1325 : vector<1x1024x64xf32> to vector<1024x64xf32>
    %dot_general3A_1327 = arith.constant dense<0.000000e+00> : vector<512x1024xf32>
    %dot_general3A_1328 = tpu.matmul %mul3A_1066, %get3A_1326, %dot_general3A_1327 {dimension_numbers = #tpu.dot_dimension_numbers<[1], [1], [0], [0], [0, 0, 1, 0], [], []>, transpose_lhs_hint = false} : vector<512x64xf32>, vector<1024x64xf32>, vector<512x1024xf32> -> vector<512x1024xf32>
    %slice3A_1329 = vector.extract_strided_slice %dot_general3A_1328 {offsets = [0, 0], sizes = [512, 128], strides = [1, 1]} : vector<512x1024xf32> to vector<512x128xf32>
    %add3A_1330 = vector.broadcast %broadcast_in_dim3A_1070 : vector<512x1xf32> to vector<512x128xf32>
    %add3A_1331 = arith.addf %add3A_1330, %slice3A_1329 : vector<512x128xf32>
    %get3A_1332 = arith.constant 2 : index
    %get3A_1333 = arith.constant 2048 : index
    %get3A_1334 = vector.load %arg3[%get3A_1332, %get3A_1333] : memref<4x4096xf32, #tpu.memory_space<vmem>>, vector<1x128xf32>
    %get3A_1335 = vector.shape_cast %get3A_1334 : vector<1x128xf32> to vector<128xf32>
    %broadcast_in_dim3A_1336 = vector.shape_cast %get3A_1335 : vector<128xf32> to vector<1x128xf32>
    %add3A_1337 = vector.broadcast %broadcast_in_dim3A_1336 : vector<1x128xf32> to vector<512x128xf32>
    %add3A_1338 = arith.addf %add3A_1331, %add3A_1337 : vector<512x128xf32>
    %lt3A_1339 = arith.cmpf olt, %add3A_1338, %min3A_1321 : vector<512x128xf32>
    %jit3A_1340 = arith.constant 16 : i32
    %broadcast_in_dim3A_1341 = vector.broadcast %jit3A_1340 : i32 to vector<512x128xi32>
    %select_n3A_1342 = arith.select %lt3A_1339, %broadcast_in_dim3A_1341, %select_n3A_1320 : vector<512x128xi1>, vector<512x128xi32>
    %min3A_1343 = arith.minimumf %add3A_1338, %min3A_1321 : vector<512x128xf32>
    %slice3A_1344 = vector.extract_strided_slice %dot_general3A_1328 {offsets = [0, 128], sizes = [512, 128], strides = [1, 1]} : vector<512x1024xf32> to vector<512x128xf32>
    %add3A_1345 = vector.broadcast %broadcast_in_dim3A_1070 : vector<512x1xf32> to vector<512x128xf32>
    %add3A_1346 = arith.addf %add3A_1345, %slice3A_1344 : vector<512x128xf32>
    %get3A_1347 = arith.constant 2 : index
    %get3A_1348 = arith.constant 2176 : index
    %get3A_1349 = vector.load %arg3[%get3A_1347, %get3A_1348] : memref<4x4096xf32, #tpu.memory_space<vmem>>, vector<1x128xf32>
    %get3A_1350 = vector.shape_cast %get3A_1349 : vector<1x128xf32> to vector<128xf32>
    %broadcast_in_dim3A_1351 = vector.shape_cast %get3A_1350 : vector<128xf32> to vector<1x128xf32>
    %add3A_1352 = vector.broadcast %broadcast_in_dim3A_1351 : vector<1x128xf32> to vector<512x128xf32>
    %add3A_1353 = arith.addf %add3A_1346, %add3A_1352 : vector<512x128xf32>
    %lt3A_1354 = arith.cmpf olt, %add3A_1353, %min3A_1343 : vector<512x128xf32>
    %jit3A_1355 = arith.constant 17 : i32
    %broadcast_in_dim3A_1356 = vector.broadcast %jit3A_1355 : i32 to vector<512x128xi32>
    %select_n3A_1357 = arith.select %lt3A_1354, %broadcast_in_dim3A_1356, %select_n3A_1342 : vector<512x128xi1>, vector<512x128xi32>
    %min3A_1358 = arith.minimumf %add3A_1353, %min3A_1343 : vector<512x128xf32>
    %slice3A_1359 = vector.extract_strided_slice %dot_general3A_1328 {offsets = [0, 256], sizes = [512, 128], strides = [1, 1]} : vector<512x1024xf32> to vector<512x128xf32>
    %add3A_1360 = vector.broadcast %broadcast_in_dim3A_1070 : vector<512x1xf32> to vector<512x128xf32>
    %add3A_1361 = arith.addf %add3A_1360, %slice3A_1359 : vector<512x128xf32>
    %get3A_1362 = arith.constant 2 : index
    %get3A_1363 = arith.constant 2304 : index
    %get3A_1364 = vector.load %arg3[%get3A_1362, %get3A_1363] : memref<4x4096xf32, #tpu.memory_space<vmem>>, vector<1x128xf32>
    %get3A_1365 = vector.shape_cast %get3A_1364 : vector<1x128xf32> to vector<128xf32>
    %broadcast_in_dim3A_1366 = vector.shape_cast %get3A_1365 : vector<128xf32> to vector<1x128xf32>
    %add3A_1367 = vector.broadcast %broadcast_in_dim3A_1366 : vector<1x128xf32> to vector<512x128xf32>
    %add3A_1368 = arith.addf %add3A_1361, %add3A_1367 : vector<512x128xf32>
    %lt3A_1369 = arith.cmpf olt, %add3A_1368, %min3A_1358 : vector<512x128xf32>
    %jit3A_1370 = arith.constant 18 : i32
    %broadcast_in_dim3A_1371 = vector.broadcast %jit3A_1370 : i32 to vector<512x128xi32>
    %select_n3A_1372 = arith.select %lt3A_1369, %broadcast_in_dim3A_1371, %select_n3A_1357 : vector<512x128xi1>, vector<512x128xi32>
    %min3A_1373 = arith.minimumf %add3A_1368, %min3A_1358 : vector<512x128xf32>
    %slice3A_1374 = vector.extract_strided_slice %dot_general3A_1328 {offsets = [0, 384], sizes = [512, 128], strides = [1, 1]} : vector<512x1024xf32> to vector<512x128xf32>
    %add3A_1375 = vector.broadcast %broadcast_in_dim3A_1070 : vector<512x1xf32> to vector<512x128xf32>
    %add3A_1376 = arith.addf %add3A_1375, %slice3A_1374 : vector<512x128xf32>
    %get3A_1377 = arith.constant 2 : index
    %get3A_1378 = arith.constant 2432 : index
    %get3A_1379 = vector.load %arg3[%get3A_1377, %get3A_1378] : memref<4x4096xf32, #tpu.memory_space<vmem>>, vector<1x128xf32>
    %get3A_1380 = vector.shape_cast %get3A_1379 : vector<1x128xf32> to vector<128xf32>
    %broadcast_in_dim3A_1381 = vector.shape_cast %get3A_1380 : vector<128xf32> to vector<1x128xf32>
    %add3A_1382 = vector.broadcast %broadcast_in_dim3A_1381 : vector<1x128xf32> to vector<512x128xf32>
    %add3A_1383 = arith.addf %add3A_1376, %add3A_1382 : vector<512x128xf32>
    %lt3A_1384 = arith.cmpf olt, %add3A_1383, %min3A_1373 : vector<512x128xf32>
    %jit3A_1385 = arith.constant 19 : i32
    %broadcast_in_dim3A_1386 = vector.broadcast %jit3A_1385 : i32 to vector<512x128xi32>
    %select_n3A_1387 = arith.select %lt3A_1384, %broadcast_in_dim3A_1386, %select_n3A_1372 : vector<512x128xi1>, vector<512x128xi32>
    %min3A_1388 = arith.minimumf %add3A_1383, %min3A_1373 : vector<512x128xf32>
    %slice3A_1389 = vector.extract_strided_slice %dot_general3A_1328 {offsets = [0, 512], sizes = [512, 128], strides = [1, 1]} : vector<512x1024xf32> to vector<512x128xf32>
    %add3A_1390 = vector.broadcast %broadcast_in_dim3A_1070 : vector<512x1xf32> to vector<512x128xf32>
    %add3A_1391 = arith.addf %add3A_1390, %slice3A_1389 : vector<512x128xf32>
    %get3A_1392 = arith.constant 2 : index
    %get3A_1393 = arith.constant 2560 : index
    %get3A_1394 = vector.load %arg3[%get3A_1392, %get3A_1393] : memref<4x4096xf32, #tpu.memory_space<vmem>>, vector<1x128xf32>
    %get3A_1395 = vector.shape_cast %get3A_1394 : vector<1x128xf32> to vector<128xf32>
    %broadcast_in_dim3A_1396 = vector.shape_cast %get3A_1395 : vector<128xf32> to vector<1x128xf32>
    %add3A_1397 = vector.broadcast %broadcast_in_dim3A_1396 : vector<1x128xf32> to vector<512x128xf32>
    %add3A_1398 = arith.addf %add3A_1391, %add3A_1397 : vector<512x128xf32>
    %lt3A_1399 = arith.cmpf olt, %add3A_1398, %min3A_1388 : vector<512x128xf32>
    %jit3A_1400 = arith.constant 20 : i32
    %broadcast_in_dim3A_1401 = vector.broadcast %jit3A_1400 : i32 to vector<512x128xi32>
    %select_n3A_1402 = arith.select %lt3A_1399, %broadcast_in_dim3A_1401, %select_n3A_1387 : vector<512x128xi1>, vector<512x128xi32>
    %min3A_1403 = arith.minimumf %add3A_1398, %min3A_1388 : vector<512x128xf32>
    %slice3A_1404 = vector.extract_strided_slice %dot_general3A_1328 {offsets = [0, 640], sizes = [512, 128], strides = [1, 1]} : vector<512x1024xf32> to vector<512x128xf32>
    %add3A_1405 = vector.broadcast %broadcast_in_dim3A_1070 : vector<512x1xf32> to vector<512x128xf32>
    %add3A_1406 = arith.addf %add3A_1405, %slice3A_1404 : vector<512x128xf32>
    %get3A_1407 = arith.constant 2 : index
    %get3A_1408 = arith.constant 2688 : index
    %get3A_1409 = vector.load %arg3[%get3A_1407, %get3A_1408] : memref<4x4096xf32, #tpu.memory_space<vmem>>, vector<1x128xf32>
    %get3A_1410 = vector.shape_cast %get3A_1409 : vector<1x128xf32> to vector<128xf32>
    %broadcast_in_dim3A_1411 = vector.shape_cast %get3A_1410 : vector<128xf32> to vector<1x128xf32>
    %add3A_1412 = vector.broadcast %broadcast_in_dim3A_1411 : vector<1x128xf32> to vector<512x128xf32>
    %add3A_1413 = arith.addf %add3A_1406, %add3A_1412 : vector<512x128xf32>
    %lt3A_1414 = arith.cmpf olt, %add3A_1413, %min3A_1403 : vector<512x128xf32>
    %jit3A_1415 = arith.constant 21 : i32
    %broadcast_in_dim3A_1416 = vector.broadcast %jit3A_1415 : i32 to vector<512x128xi32>
    %select_n3A_1417 = arith.select %lt3A_1414, %broadcast_in_dim3A_1416, %select_n3A_1402 : vector<512x128xi1>, vector<512x128xi32>
    %min3A_1418 = arith.minimumf %add3A_1413, %min3A_1403 : vector<512x128xf32>
    %slice3A_1419 = vector.extract_strided_slice %dot_general3A_1328 {offsets = [0, 768], sizes = [512, 128], strides = [1, 1]} : vector<512x1024xf32> to vector<512x128xf32>
    %add3A_1420 = vector.broadcast %broadcast_in_dim3A_1070 : vector<512x1xf32> to vector<512x128xf32>
    %add3A_1421 = arith.addf %add3A_1420, %slice3A_1419 : vector<512x128xf32>
    %get3A_1422 = arith.constant 2 : index
    %get3A_1423 = arith.constant 2816 : index
    %get3A_1424 = vector.load %arg3[%get3A_1422, %get3A_1423] : memref<4x4096xf32, #tpu.memory_space<vmem>>, vector<1x128xf32>
    %get3A_1425 = vector.shape_cast %get3A_1424 : vector<1x128xf32> to vector<128xf32>
    %broadcast_in_dim3A_1426 = vector.shape_cast %get3A_1425 : vector<128xf32> to vector<1x128xf32>
    %add3A_1427 = vector.broadcast %broadcast_in_dim3A_1426 : vector<1x128xf32> to vector<512x128xf32>
    %add3A_1428 = arith.addf %add3A_1421, %add3A_1427 : vector<512x128xf32>
    %lt3A_1429 = arith.cmpf olt, %add3A_1428, %min3A_1418 : vector<512x128xf32>
    %jit3A_1430 = arith.constant 22 : i32
    %broadcast_in_dim3A_1431 = vector.broadcast %jit3A_1430 : i32 to vector<512x128xi32>
    %select_n3A_1432 = arith.select %lt3A_1429, %broadcast_in_dim3A_1431, %select_n3A_1417 : vector<512x128xi1>, vector<512x128xi32>
    %min3A_1433 = arith.minimumf %add3A_1428, %min3A_1418 : vector<512x128xf32>
    %slice3A_1434 = vector.extract_strided_slice %dot_general3A_1328 {offsets = [0, 896], sizes = [512, 128], strides = [1, 1]} : vector<512x1024xf32> to vector<512x128xf32>
    %add3A_1435 = vector.broadcast %broadcast_in_dim3A_1070 : vector<512x1xf32> to vector<512x128xf32>
    %add3A_1436 = arith.addf %add3A_1435, %slice3A_1434 : vector<512x128xf32>
    %get3A_1437 = arith.constant 2 : index
    %get3A_1438 = arith.constant 2944 : index
    %get3A_1439 = vector.load %arg3[%get3A_1437, %get3A_1438] : memref<4x4096xf32, #tpu.memory_space<vmem>>, vector<1x128xf32>
    %get3A_1440 = vector.shape_cast %get3A_1439 : vector<1x128xf32> to vector<128xf32>
    %broadcast_in_dim3A_1441 = vector.shape_cast %get3A_1440 : vector<128xf32> to vector<1x128xf32>
    %add3A_1442 = vector.broadcast %broadcast_in_dim3A_1441 : vector<1x128xf32> to vector<512x128xf32>
    %add3A_1443 = arith.addf %add3A_1436, %add3A_1442 : vector<512x128xf32>
    %lt3A_1444 = arith.cmpf olt, %add3A_1443, %min3A_1433 : vector<512x128xf32>
    %jit3A_1445 = arith.constant 23 : i32
    %broadcast_in_dim3A_1446 = vector.broadcast %jit3A_1445 : i32 to vector<512x128xi32>
    %select_n3A_1447 = arith.select %lt3A_1444, %broadcast_in_dim3A_1446, %select_n3A_1432 : vector<512x128xi1>, vector<512x128xi32>
    %min3A_1448 = arith.minimumf %add3A_1443, %min3A_1433 : vector<512x128xf32>
    %get3A_1449 = arith.constant 2 : index
    %get3A_1450 = arith.constant 3072 : index
    %get3A_1451 = arith.constant 0 : index
    %get3A_1452 = vector.load %arg2[%get3A_1449, %get3A_1450, %get3A_1451] : memref<4x4096x64xf32, #tpu.memory_space<vmem>>, vector<1x1024x64xf32>
    %get3A_1453 = vector.shape_cast %get3A_1452 : vector<1x1024x64xf32> to vector<1024x64xf32>
    %dot_general3A_1454 = arith.constant dense<0.000000e+00> : vector<512x1024xf32>
    %dot_general3A_1455 = tpu.matmul %mul3A_1066, %get3A_1453, %dot_general3A_1454 {dimension_numbers = #tpu.dot_dimension_numbers<[1], [1], [0], [0], [0, 0, 1, 0], [], []>, transpose_lhs_hint = false} : vector<512x64xf32>, vector<1024x64xf32>, vector<512x1024xf32> -> vector<512x1024xf32>
    %slice3A_1456 = vector.extract_strided_slice %dot_general3A_1455 {offsets = [0, 0], sizes = [512, 128], strides = [1, 1]} : vector<512x1024xf32> to vector<512x128xf32>
    %add3A_1457 = vector.broadcast %broadcast_in_dim3A_1070 : vector<512x1xf32> to vector<512x128xf32>
    %add3A_1458 = arith.addf %add3A_1457, %slice3A_1456 : vector<512x128xf32>
    %get3A_1459 = arith.constant 2 : index
    %get3A_1460 = arith.constant 3072 : index
    %get3A_1461 = vector.load %arg3[%get3A_1459, %get3A_1460] : memref<4x4096xf32, #tpu.memory_space<vmem>>, vector<1x128xf32>
    %get3A_1462 = vector.shape_cast %get3A_1461 : vector<1x128xf32> to vector<128xf32>
    %broadcast_in_dim3A_1463 = vector.shape_cast %get3A_1462 : vector<128xf32> to vector<1x128xf32>
    %add3A_1464 = vector.broadcast %broadcast_in_dim3A_1463 : vector<1x128xf32> to vector<512x128xf32>
    %add3A_1465 = arith.addf %add3A_1458, %add3A_1464 : vector<512x128xf32>
    %lt3A_1466 = arith.cmpf olt, %add3A_1465, %min3A_1448 : vector<512x128xf32>
    %jit3A_1467 = arith.constant 24 : i32
    %broadcast_in_dim3A_1468 = vector.broadcast %jit3A_1467 : i32 to vector<512x128xi32>
    %select_n3A_1469 = arith.select %lt3A_1466, %broadcast_in_dim3A_1468, %select_n3A_1447 : vector<512x128xi1>, vector<512x128xi32>
    %min3A_1470 = arith.minimumf %add3A_1465, %min3A_1448 : vector<512x128xf32>
    %slice3A_1471 = vector.extract_strided_slice %dot_general3A_1455 {offsets = [0, 128], sizes = [512, 128], strides = [1, 1]} : vector<512x1024xf32> to vector<512x128xf32>
    %add3A_1472 = vector.broadcast %broadcast_in_dim3A_1070 : vector<512x1xf32> to vector<512x128xf32>
    %add3A_1473 = arith.addf %add3A_1472, %slice3A_1471 : vector<512x128xf32>
    %get3A_1474 = arith.constant 2 : index
    %get3A_1475 = arith.constant 3200 : index
    %get3A_1476 = vector.load %arg3[%get3A_1474, %get3A_1475] : memref<4x4096xf32, #tpu.memory_space<vmem>>, vector<1x128xf32>
    %get3A_1477 = vector.shape_cast %get3A_1476 : vector<1x128xf32> to vector<128xf32>
    %broadcast_in_dim3A_1478 = vector.shape_cast %get3A_1477 : vector<128xf32> to vector<1x128xf32>
    %add3A_1479 = vector.broadcast %broadcast_in_dim3A_1478 : vector<1x128xf32> to vector<512x128xf32>
    %add3A_1480 = arith.addf %add3A_1473, %add3A_1479 : vector<512x128xf32>
    %lt3A_1481 = arith.cmpf olt, %add3A_1480, %min3A_1470 : vector<512x128xf32>
    %jit3A_1482 = arith.constant 25 : i32
    %broadcast_in_dim3A_1483 = vector.broadcast %jit3A_1482 : i32 to vector<512x128xi32>
    %select_n3A_1484 = arith.select %lt3A_1481, %broadcast_in_dim3A_1483, %select_n3A_1469 : vector<512x128xi1>, vector<512x128xi32>
    %min3A_1485 = arith.minimumf %add3A_1480, %min3A_1470 : vector<512x128xf32>
    %slice3A_1486 = vector.extract_strided_slice %dot_general3A_1455 {offsets = [0, 256], sizes = [512, 128], strides = [1, 1]} : vector<512x1024xf32> to vector<512x128xf32>
    %add3A_1487 = vector.broadcast %broadcast_in_dim3A_1070 : vector<512x1xf32> to vector<512x128xf32>
    %add3A_1488 = arith.addf %add3A_1487, %slice3A_1486 : vector<512x128xf32>
    %get3A_1489 = arith.constant 2 : index
    %get3A_1490 = arith.constant 3328 : index
    %get3A_1491 = vector.load %arg3[%get3A_1489, %get3A_1490] : memref<4x4096xf32, #tpu.memory_space<vmem>>, vector<1x128xf32>
    %get3A_1492 = vector.shape_cast %get3A_1491 : vector<1x128xf32> to vector<128xf32>
    %broadcast_in_dim3A_1493 = vector.shape_cast %get3A_1492 : vector<128xf32> to vector<1x128xf32>
    %add3A_1494 = vector.broadcast %broadcast_in_dim3A_1493 : vector<1x128xf32> to vector<512x128xf32>
    %add3A_1495 = arith.addf %add3A_1488, %add3A_1494 : vector<512x128xf32>
    %lt3A_1496 = arith.cmpf olt, %add3A_1495, %min3A_1485 : vector<512x128xf32>
    %jit3A_1497 = arith.constant 26 : i32
    %broadcast_in_dim3A_1498 = vector.broadcast %jit3A_1497 : i32 to vector<512x128xi32>
    %select_n3A_1499 = arith.select %lt3A_1496, %broadcast_in_dim3A_1498, %select_n3A_1484 : vector<512x128xi1>, vector<512x128xi32>
    %min3A_1500 = arith.minimumf %add3A_1495, %min3A_1485 : vector<512x128xf32>
    %slice3A_1501 = vector.extract_strided_slice %dot_general3A_1455 {offsets = [0, 384], sizes = [512, 128], strides = [1, 1]} : vector<512x1024xf32> to vector<512x128xf32>
    %add3A_1502 = vector.broadcast %broadcast_in_dim3A_1070 : vector<512x1xf32> to vector<512x128xf32>
    %add3A_1503 = arith.addf %add3A_1502, %slice3A_1501 : vector<512x128xf32>
    %get3A_1504 = arith.constant 2 : index
    %get3A_1505 = arith.constant 3456 : index
    %get3A_1506 = vector.load %arg3[%get3A_1504, %get3A_1505] : memref<4x4096xf32, #tpu.memory_space<vmem>>, vector<1x128xf32>
    %get3A_1507 = vector.shape_cast %get3A_1506 : vector<1x128xf32> to vector<128xf32>
    %broadcast_in_dim3A_1508 = vector.shape_cast %get3A_1507 : vector<128xf32> to vector<1x128xf32>
    %add3A_1509 = vector.broadcast %broadcast_in_dim3A_1508 : vector<1x128xf32> to vector<512x128xf32>
    %add3A_1510 = arith.addf %add3A_1503, %add3A_1509 : vector<512x128xf32>
    %lt3A_1511 = arith.cmpf olt, %add3A_1510, %min3A_1500 : vector<512x128xf32>
    %jit3A_1512 = arith.constant 27 : i32
    %broadcast_in_dim3A_1513 = vector.broadcast %jit3A_1512 : i32 to vector<512x128xi32>
    %select_n3A_1514 = arith.select %lt3A_1511, %broadcast_in_dim3A_1513, %select_n3A_1499 : vector<512x128xi1>, vector<512x128xi32>
    %min3A_1515 = arith.minimumf %add3A_1510, %min3A_1500 : vector<512x128xf32>
    %slice3A_1516 = vector.extract_strided_slice %dot_general3A_1455 {offsets = [0, 512], sizes = [512, 128], strides = [1, 1]} : vector<512x1024xf32> to vector<512x128xf32>
    %add3A_1517 = vector.broadcast %broadcast_in_dim3A_1070 : vector<512x1xf32> to vector<512x128xf32>
    %add3A_1518 = arith.addf %add3A_1517, %slice3A_1516 : vector<512x128xf32>
    %get3A_1519 = arith.constant 2 : index
    %get3A_1520 = arith.constant 3584 : index
    %get3A_1521 = vector.load %arg3[%get3A_1519, %get3A_1520] : memref<4x4096xf32, #tpu.memory_space<vmem>>, vector<1x128xf32>
    %get3A_1522 = vector.shape_cast %get3A_1521 : vector<1x128xf32> to vector<128xf32>
    %broadcast_in_dim3A_1523 = vector.shape_cast %get3A_1522 : vector<128xf32> to vector<1x128xf32>
    %add3A_1524 = vector.broadcast %broadcast_in_dim3A_1523 : vector<1x128xf32> to vector<512x128xf32>
    %add3A_1525 = arith.addf %add3A_1518, %add3A_1524 : vector<512x128xf32>
    %lt3A_1526 = arith.cmpf olt, %add3A_1525, %min3A_1515 : vector<512x128xf32>
    %jit3A_1527 = arith.constant 28 : i32
    %broadcast_in_dim3A_1528 = vector.broadcast %jit3A_1527 : i32 to vector<512x128xi32>
    %select_n3A_1529 = arith.select %lt3A_1526, %broadcast_in_dim3A_1528, %select_n3A_1514 : vector<512x128xi1>, vector<512x128xi32>
    %min3A_1530 = arith.minimumf %add3A_1525, %min3A_1515 : vector<512x128xf32>
    %slice3A_1531 = vector.extract_strided_slice %dot_general3A_1455 {offsets = [0, 640], sizes = [512, 128], strides = [1, 1]} : vector<512x1024xf32> to vector<512x128xf32>
    %add3A_1532 = vector.broadcast %broadcast_in_dim3A_1070 : vector<512x1xf32> to vector<512x128xf32>
    %add3A_1533 = arith.addf %add3A_1532, %slice3A_1531 : vector<512x128xf32>
    %get3A_1534 = arith.constant 2 : index
    %get3A_1535 = arith.constant 3712 : index
    %get3A_1536 = vector.load %arg3[%get3A_1534, %get3A_1535] : memref<4x4096xf32, #tpu.memory_space<vmem>>, vector<1x128xf32>
    %get3A_1537 = vector.shape_cast %get3A_1536 : vector<1x128xf32> to vector<128xf32>
    %broadcast_in_dim3A_1538 = vector.shape_cast %get3A_1537 : vector<128xf32> to vector<1x128xf32>
    %add3A_1539 = vector.broadcast %broadcast_in_dim3A_1538 : vector<1x128xf32> to vector<512x128xf32>
    %add3A_1540 = arith.addf %add3A_1533, %add3A_1539 : vector<512x128xf32>
    %lt3A_1541 = arith.cmpf olt, %add3A_1540, %min3A_1530 : vector<512x128xf32>
    %jit3A_1542 = arith.constant 29 : i32
    %broadcast_in_dim3A_1543 = vector.broadcast %jit3A_1542 : i32 to vector<512x128xi32>
    %select_n3A_1544 = arith.select %lt3A_1541, %broadcast_in_dim3A_1543, %select_n3A_1529 : vector<512x128xi1>, vector<512x128xi32>
    %min3A_1545 = arith.minimumf %add3A_1540, %min3A_1530 : vector<512x128xf32>
    %slice3A_1546 = vector.extract_strided_slice %dot_general3A_1455 {offsets = [0, 768], sizes = [512, 128], strides = [1, 1]} : vector<512x1024xf32> to vector<512x128xf32>
    %add3A_1547 = vector.broadcast %broadcast_in_dim3A_1070 : vector<512x1xf32> to vector<512x128xf32>
    %add3A_1548 = arith.addf %add3A_1547, %slice3A_1546 : vector<512x128xf32>
    %get3A_1549 = arith.constant 2 : index
    %get3A_1550 = arith.constant 3840 : index
    %get3A_1551 = vector.load %arg3[%get3A_1549, %get3A_1550] : memref<4x4096xf32, #tpu.memory_space<vmem>>, vector<1x128xf32>
    %get3A_1552 = vector.shape_cast %get3A_1551 : vector<1x128xf32> to vector<128xf32>
    %broadcast_in_dim3A_1553 = vector.shape_cast %get3A_1552 : vector<128xf32> to vector<1x128xf32>
    %add3A_1554 = vector.broadcast %broadcast_in_dim3A_1553 : vector<1x128xf32> to vector<512x128xf32>
    %add3A_1555 = arith.addf %add3A_1548, %add3A_1554 : vector<512x128xf32>
    %lt3A_1556 = arith.cmpf olt, %add3A_1555, %min3A_1545 : vector<512x128xf32>
    %jit3A_1557 = arith.constant 30 : i32
    %broadcast_in_dim3A_1558 = vector.broadcast %jit3A_1557 : i32 to vector<512x128xi32>
    %select_n3A_1559 = arith.select %lt3A_1556, %broadcast_in_dim3A_1558, %select_n3A_1544 : vector<512x128xi1>, vector<512x128xi32>
    %min3A_1560 = arith.minimumf %add3A_1555, %min3A_1545 : vector<512x128xf32>
    %slice3A_1561 = vector.extract_strided_slice %dot_general3A_1455 {offsets = [0, 896], sizes = [512, 128], strides = [1, 1]} : vector<512x1024xf32> to vector<512x128xf32>
    %add3A_1562 = vector.broadcast %broadcast_in_dim3A_1070 : vector<512x1xf32> to vector<512x128xf32>
    %add3A_1563 = arith.addf %add3A_1562, %slice3A_1561 : vector<512x128xf32>
    %get3A_1564 = arith.constant 2 : index
    %get3A_1565 = arith.constant 3968 : index
    %get3A_1566 = vector.load %arg3[%get3A_1564, %get3A_1565] : memref<4x4096xf32, #tpu.memory_space<vmem>>, vector<1x128xf32>
    %get3A_1567 = vector.shape_cast %get3A_1566 : vector<1x128xf32> to vector<128xf32>
    %broadcast_in_dim3A_1568 = vector.shape_cast %get3A_1567 : vector<128xf32> to vector<1x128xf32>
    %add3A_1569 = vector.broadcast %broadcast_in_dim3A_1568 : vector<1x128xf32> to vector<512x128xf32>
    %add3A_1570 = arith.addf %add3A_1563, %add3A_1569 : vector<512x128xf32>
    %lt3A_1571 = arith.cmpf olt, %add3A_1570, %min3A_1560 : vector<512x128xf32>
    %jit3A_1572 = arith.constant 31 : i32
    %broadcast_in_dim3A_1573 = vector.broadcast %jit3A_1572 : i32 to vector<512x128xi32>
    %select_n3A_1574 = arith.select %lt3A_1571, %broadcast_in_dim3A_1573, %select_n3A_1559 : vector<512x128xi1>, vector<512x128xi32>
    %min3A_1575 = arith.minimumf %add3A_1570, %min3A_1560 : vector<512x128xf32>
    %mul3A_1576 = arith.constant 128 : i32
    %mul3A_1577 = vector.broadcast %mul3A_1576 : i32 to vector<512x128xi32>
    %mul3A_1578 = arith.muli %select_n3A_1574, %mul3A_1577 : vector<512x128xi32>
    %add3A_1579 = arith.addi %mul3A_1578, %iota3A : vector<512x128xi32>
    %reduce_min3A_1580 = arith.constant dense<0x7F800000> : vector<512xf32>
    %reduce_min3A_1581 = vector.multi_reduction <minimumf>, %min3A_1575, %reduce_min3A_1580 [1] : vector<512x128xf32> to vector<512xf32>
    %broadcast_in_dim3A_1582 = vector.shape_cast %reduce_min3A_1581 : vector<512xf32> to vector<512x1xf32>
    %eq3A_1583 = vector.broadcast %broadcast_in_dim3A_1582 : vector<512x1xf32> to vector<512x128xf32>
    %eq3A_1584 = arith.cmpf oeq, %min3A_1575, %eq3A_1583 : vector<512x128xf32>
    %jit3A_1585 = arith.constant 4096 : i32
    %broadcast_in_dim3A_1586 = vector.broadcast %jit3A_1585 : i32 to vector<512x128xi32>
    %select_n3A_1587 = arith.select %eq3A_1584, %add3A_1579, %broadcast_in_dim3A_1586 : vector<512x128xi1>, vector<512x128xi32>
    %reduce_min3A_1588 = arith.constant dense<2147483647> : vector<512xi32>
    %reduce_min3A_1589 = vector.multi_reduction <minsi>, %select_n3A_1587, %reduce_min3A_1588 [1] : vector<512x128xi32> to vector<512xi32>
    %reduce_sum3A_1590 = vector.shape_cast %reduce_min3A_1581 : vector<512xf32> to vector<1x512xf32>
    %reduce_sum3A_1591 = arith.constant dense<0.000000e+00> : vector<1xf32>
    %reduce_sum3A_1592 = vector.multi_reduction <add>, %reduce_sum3A_1590, %reduce_sum3A_1591 [1] : vector<1x512xf32> to vector<1xf32>
    %reduce_sum3A_1593 = vector.shape_cast %reduce_sum3A_1592 : vector<1xf32> to vector<1x1xf32>
    %reduce_sum3A_1594 = vector.extract %reduce_sum3A_1593[0, 0] : f32 from vector<1x1xf32>
    %broadcast_in_dim3A_1595 = vector.broadcast %reduce_sum3A_1594 : f32 to vector<1x1xf32>
    %add3A_1596 = arith.addf %add3A_1061, %broadcast_in_dim3A_1595 : vector<1x1xf32>
    %slice3A_1597 = vector.extract_strided_slice %get3A_2 {offsets = [0, 3, 0], sizes = [512, 1, 64], strides = [1, 1, 1]} : vector<512x4x64xf32> to vector<512x1x64xf32>
    %squeeze3A_1598 = vector.shape_cast %slice3A_1597 : vector<512x1x64xf32> to vector<512x64xf32>
    %mul3A_1599 = arith.constant -2.000000e+00 : f32
    %mul3A_1600 = vector.broadcast %mul3A_1599 : f32 to vector<512x64xf32>
    %mul3A_1601 = arith.mulf %squeeze3A_1598, %mul3A_1600 : vector<512x64xf32>
    %mul3A_1602 = arith.mulf %squeeze3A_1598, %squeeze3A_1598 : vector<512x64xf32>
    %reduce_sum3A_1603 = arith.constant dense<0.000000e+00> : vector<512xf32>
    %reduce_sum3A_1604 = vector.multi_reduction <add>, %mul3A_1602, %reduce_sum3A_1603 [1] : vector<512x64xf32> to vector<512xf32>
    %broadcast_in_dim3A_1605 = vector.shape_cast %reduce_sum3A_1604 : vector<512xf32> to vector<512x1xf32>
    %get3A_1606 = arith.constant 3 : index
    %get3A_1607 = arith.constant 0 : index
    %get3A_1608 = arith.constant 0 : index
    %get3A_1609 = vector.load %arg2[%get3A_1606, %get3A_1607, %get3A_1608] : memref<4x4096x64xf32, #tpu.memory_space<vmem>>, vector<1x1024x64xf32>
    %get3A_1610 = vector.shape_cast %get3A_1609 : vector<1x1024x64xf32> to vector<1024x64xf32>
    %dot_general3A_1611 = arith.constant dense<0.000000e+00> : vector<512x1024xf32>
    %dot_general3A_1612 = tpu.matmul %mul3A_1601, %get3A_1610, %dot_general3A_1611 {dimension_numbers = #tpu.dot_dimension_numbers<[1], [1], [0], [0], [0, 0, 1, 0], [], []>, transpose_lhs_hint = false} : vector<512x64xf32>, vector<1024x64xf32>, vector<512x1024xf32> -> vector<512x1024xf32>
    %slice3A_1613 = vector.extract_strided_slice %dot_general3A_1612 {offsets = [0, 0], sizes = [512, 128], strides = [1, 1]} : vector<512x1024xf32> to vector<512x128xf32>
    %add3A_1614 = vector.broadcast %broadcast_in_dim3A_1605 : vector<512x1xf32> to vector<512x128xf32>
    %add3A_1615 = arith.addf %add3A_1614, %slice3A_1613 : vector<512x128xf32>
    %get3A_1616 = arith.constant 3 : index
    %get3A_1617 = arith.constant 0 : index
    %get3A_1618 = vector.load %arg3[%get3A_1616, %get3A_1617] : memref<4x4096xf32, #tpu.memory_space<vmem>>, vector<1x128xf32>
    %get3A_1619 = vector.shape_cast %get3A_1618 : vector<1x128xf32> to vector<128xf32>
    %broadcast_in_dim3A_1620 = vector.shape_cast %get3A_1619 : vector<128xf32> to vector<1x128xf32>
    %add3A_1621 = vector.broadcast %broadcast_in_dim3A_1620 : vector<1x128xf32> to vector<512x128xf32>
    %add3A_1622 = arith.addf %add3A_1615, %add3A_1621 : vector<512x128xf32>
    %broadcast_in_dim3A_1623 = arith.constant 0 : i32
    %broadcast_in_dim3A_1624 = vector.broadcast %broadcast_in_dim3A_1623 : i32 to vector<512x128xi32>
    %slice3A_1625 = vector.extract_strided_slice %dot_general3A_1612 {offsets = [0, 128], sizes = [512, 128], strides = [1, 1]} : vector<512x1024xf32> to vector<512x128xf32>
    %add3A_1626 = vector.broadcast %broadcast_in_dim3A_1605 : vector<512x1xf32> to vector<512x128xf32>
    %add3A_1627 = arith.addf %add3A_1626, %slice3A_1625 : vector<512x128xf32>
    %get3A_1628 = arith.constant 3 : index
    %get3A_1629 = arith.constant 128 : index
    %get3A_1630 = vector.load %arg3[%get3A_1628, %get3A_1629] : memref<4x4096xf32, #tpu.memory_space<vmem>>, vector<1x128xf32>
    %get3A_1631 = vector.shape_cast %get3A_1630 : vector<1x128xf32> to vector<128xf32>
    %broadcast_in_dim3A_1632 = vector.shape_cast %get3A_1631 : vector<128xf32> to vector<1x128xf32>
    %add3A_1633 = vector.broadcast %broadcast_in_dim3A_1632 : vector<1x128xf32> to vector<512x128xf32>
    %add3A_1634 = arith.addf %add3A_1627, %add3A_1633 : vector<512x128xf32>
    %lt3A_1635 = arith.cmpf olt, %add3A_1634, %add3A_1622 : vector<512x128xf32>
    %jit3A_1636 = arith.constant 1 : i32
    %broadcast_in_dim3A_1637 = vector.broadcast %jit3A_1636 : i32 to vector<512x128xi32>
    %select_n3A_1638 = arith.select %lt3A_1635, %broadcast_in_dim3A_1637, %broadcast_in_dim3A_1624 : vector<512x128xi1>, vector<512x128xi32>
    %min3A_1639 = arith.minimumf %add3A_1634, %add3A_1622 : vector<512x128xf32>
    %slice3A_1640 = vector.extract_strided_slice %dot_general3A_1612 {offsets = [0, 256], sizes = [512, 128], strides = [1, 1]} : vector<512x1024xf32> to vector<512x128xf32>
    %add3A_1641 = vector.broadcast %broadcast_in_dim3A_1605 : vector<512x1xf32> to vector<512x128xf32>
    %add3A_1642 = arith.addf %add3A_1641, %slice3A_1640 : vector<512x128xf32>
    %get3A_1643 = arith.constant 3 : index
    %get3A_1644 = arith.constant 256 : index
    %get3A_1645 = vector.load %arg3[%get3A_1643, %get3A_1644] : memref<4x4096xf32, #tpu.memory_space<vmem>>, vector<1x128xf32>
    %get3A_1646 = vector.shape_cast %get3A_1645 : vector<1x128xf32> to vector<128xf32>
    %broadcast_in_dim3A_1647 = vector.shape_cast %get3A_1646 : vector<128xf32> to vector<1x128xf32>
    %add3A_1648 = vector.broadcast %broadcast_in_dim3A_1647 : vector<1x128xf32> to vector<512x128xf32>
    %add3A_1649 = arith.addf %add3A_1642, %add3A_1648 : vector<512x128xf32>
    %lt3A_1650 = arith.cmpf olt, %add3A_1649, %min3A_1639 : vector<512x128xf32>
    %jit3A_1651 = arith.constant 2 : i32
    %broadcast_in_dim3A_1652 = vector.broadcast %jit3A_1651 : i32 to vector<512x128xi32>
    %select_n3A_1653 = arith.select %lt3A_1650, %broadcast_in_dim3A_1652, %select_n3A_1638 : vector<512x128xi1>, vector<512x128xi32>
    %min3A_1654 = arith.minimumf %add3A_1649, %min3A_1639 : vector<512x128xf32>
    %slice3A_1655 = vector.extract_strided_slice %dot_general3A_1612 {offsets = [0, 384], sizes = [512, 128], strides = [1, 1]} : vector<512x1024xf32> to vector<512x128xf32>
    %add3A_1656 = vector.broadcast %broadcast_in_dim3A_1605 : vector<512x1xf32> to vector<512x128xf32>
    %add3A_1657 = arith.addf %add3A_1656, %slice3A_1655 : vector<512x128xf32>
    %get3A_1658 = arith.constant 3 : index
    %get3A_1659 = arith.constant 384 : index
    %get3A_1660 = vector.load %arg3[%get3A_1658, %get3A_1659] : memref<4x4096xf32, #tpu.memory_space<vmem>>, vector<1x128xf32>
    %get3A_1661 = vector.shape_cast %get3A_1660 : vector<1x128xf32> to vector<128xf32>
    %broadcast_in_dim3A_1662 = vector.shape_cast %get3A_1661 : vector<128xf32> to vector<1x128xf32>
    %add3A_1663 = vector.broadcast %broadcast_in_dim3A_1662 : vector<1x128xf32> to vector<512x128xf32>
    %add3A_1664 = arith.addf %add3A_1657, %add3A_1663 : vector<512x128xf32>
    %lt3A_1665 = arith.cmpf olt, %add3A_1664, %min3A_1654 : vector<512x128xf32>
    %jit3A_1666 = arith.constant 3 : i32
    %broadcast_in_dim3A_1667 = vector.broadcast %jit3A_1666 : i32 to vector<512x128xi32>
    %select_n3A_1668 = arith.select %lt3A_1665, %broadcast_in_dim3A_1667, %select_n3A_1653 : vector<512x128xi1>, vector<512x128xi32>
    %min3A_1669 = arith.minimumf %add3A_1664, %min3A_1654 : vector<512x128xf32>
    %slice3A_1670 = vector.extract_strided_slice %dot_general3A_1612 {offsets = [0, 512], sizes = [512, 128], strides = [1, 1]} : vector<512x1024xf32> to vector<512x128xf32>
    %add3A_1671 = vector.broadcast %broadcast_in_dim3A_1605 : vector<512x1xf32> to vector<512x128xf32>
    %add3A_1672 = arith.addf %add3A_1671, %slice3A_1670 : vector<512x128xf32>
    %get3A_1673 = arith.constant 3 : index
    %get3A_1674 = arith.constant 512 : index
    %get3A_1675 = vector.load %arg3[%get3A_1673, %get3A_1674] : memref<4x4096xf32, #tpu.memory_space<vmem>>, vector<1x128xf32>
    %get3A_1676 = vector.shape_cast %get3A_1675 : vector<1x128xf32> to vector<128xf32>
    %broadcast_in_dim3A_1677 = vector.shape_cast %get3A_1676 : vector<128xf32> to vector<1x128xf32>
    %add3A_1678 = vector.broadcast %broadcast_in_dim3A_1677 : vector<1x128xf32> to vector<512x128xf32>
    %add3A_1679 = arith.addf %add3A_1672, %add3A_1678 : vector<512x128xf32>
    %lt3A_1680 = arith.cmpf olt, %add3A_1679, %min3A_1669 : vector<512x128xf32>
    %jit3A_1681 = arith.constant 4 : i32
    %broadcast_in_dim3A_1682 = vector.broadcast %jit3A_1681 : i32 to vector<512x128xi32>
    %select_n3A_1683 = arith.select %lt3A_1680, %broadcast_in_dim3A_1682, %select_n3A_1668 : vector<512x128xi1>, vector<512x128xi32>
    %min3A_1684 = arith.minimumf %add3A_1679, %min3A_1669 : vector<512x128xf32>
    %slice3A_1685 = vector.extract_strided_slice %dot_general3A_1612 {offsets = [0, 640], sizes = [512, 128], strides = [1, 1]} : vector<512x1024xf32> to vector<512x128xf32>
    %add3A_1686 = vector.broadcast %broadcast_in_dim3A_1605 : vector<512x1xf32> to vector<512x128xf32>
    %add3A_1687 = arith.addf %add3A_1686, %slice3A_1685 : vector<512x128xf32>
    %get3A_1688 = arith.constant 3 : index
    %get3A_1689 = arith.constant 640 : index
    %get3A_1690 = vector.load %arg3[%get3A_1688, %get3A_1689] : memref<4x4096xf32, #tpu.memory_space<vmem>>, vector<1x128xf32>
    %get3A_1691 = vector.shape_cast %get3A_1690 : vector<1x128xf32> to vector<128xf32>
    %broadcast_in_dim3A_1692 = vector.shape_cast %get3A_1691 : vector<128xf32> to vector<1x128xf32>
    %add3A_1693 = vector.broadcast %broadcast_in_dim3A_1692 : vector<1x128xf32> to vector<512x128xf32>
    %add3A_1694 = arith.addf %add3A_1687, %add3A_1693 : vector<512x128xf32>
    %lt3A_1695 = arith.cmpf olt, %add3A_1694, %min3A_1684 : vector<512x128xf32>
    %jit3A_1696 = arith.constant 5 : i32
    %broadcast_in_dim3A_1697 = vector.broadcast %jit3A_1696 : i32 to vector<512x128xi32>
    %select_n3A_1698 = arith.select %lt3A_1695, %broadcast_in_dim3A_1697, %select_n3A_1683 : vector<512x128xi1>, vector<512x128xi32>
    %min3A_1699 = arith.minimumf %add3A_1694, %min3A_1684 : vector<512x128xf32>
    %slice3A_1700 = vector.extract_strided_slice %dot_general3A_1612 {offsets = [0, 768], sizes = [512, 128], strides = [1, 1]} : vector<512x1024xf32> to vector<512x128xf32>
    %add3A_1701 = vector.broadcast %broadcast_in_dim3A_1605 : vector<512x1xf32> to vector<512x128xf32>
    %add3A_1702 = arith.addf %add3A_1701, %slice3A_1700 : vector<512x128xf32>
    %get3A_1703 = arith.constant 3 : index
    %get3A_1704 = arith.constant 768 : index
    %get3A_1705 = vector.load %arg3[%get3A_1703, %get3A_1704] : memref<4x4096xf32, #tpu.memory_space<vmem>>, vector<1x128xf32>
    %get3A_1706 = vector.shape_cast %get3A_1705 : vector<1x128xf32> to vector<128xf32>
    %broadcast_in_dim3A_1707 = vector.shape_cast %get3A_1706 : vector<128xf32> to vector<1x128xf32>
    %add3A_1708 = vector.broadcast %broadcast_in_dim3A_1707 : vector<1x128xf32> to vector<512x128xf32>
    %add3A_1709 = arith.addf %add3A_1702, %add3A_1708 : vector<512x128xf32>
    %lt3A_1710 = arith.cmpf olt, %add3A_1709, %min3A_1699 : vector<512x128xf32>
    %jit3A_1711 = arith.constant 6 : i32
    %broadcast_in_dim3A_1712 = vector.broadcast %jit3A_1711 : i32 to vector<512x128xi32>
    %select_n3A_1713 = arith.select %lt3A_1710, %broadcast_in_dim3A_1712, %select_n3A_1698 : vector<512x128xi1>, vector<512x128xi32>
    %min3A_1714 = arith.minimumf %add3A_1709, %min3A_1699 : vector<512x128xf32>
    %slice3A_1715 = vector.extract_strided_slice %dot_general3A_1612 {offsets = [0, 896], sizes = [512, 128], strides = [1, 1]} : vector<512x1024xf32> to vector<512x128xf32>
    %add3A_1716 = vector.broadcast %broadcast_in_dim3A_1605 : vector<512x1xf32> to vector<512x128xf32>
    %add3A_1717 = arith.addf %add3A_1716, %slice3A_1715 : vector<512x128xf32>
    %get3A_1718 = arith.constant 3 : index
    %get3A_1719 = arith.constant 896 : index
    %get3A_1720 = vector.load %arg3[%get3A_1718, %get3A_1719] : memref<4x4096xf32, #tpu.memory_space<vmem>>, vector<1x128xf32>
    %get3A_1721 = vector.shape_cast %get3A_1720 : vector<1x128xf32> to vector<128xf32>
    %broadcast_in_dim3A_1722 = vector.shape_cast %get3A_1721 : vector<128xf32> to vector<1x128xf32>
    %add3A_1723 = vector.broadcast %broadcast_in_dim3A_1722 : vector<1x128xf32> to vector<512x128xf32>
    %add3A_1724 = arith.addf %add3A_1717, %add3A_1723 : vector<512x128xf32>
    %lt3A_1725 = arith.cmpf olt, %add3A_1724, %min3A_1714 : vector<512x128xf32>
    %jit3A_1726 = arith.constant 7 : i32
    %broadcast_in_dim3A_1727 = vector.broadcast %jit3A_1726 : i32 to vector<512x128xi32>
    %select_n3A_1728 = arith.select %lt3A_1725, %broadcast_in_dim3A_1727, %select_n3A_1713 : vector<512x128xi1>, vector<512x128xi32>
    %min3A_1729 = arith.minimumf %add3A_1724, %min3A_1714 : vector<512x128xf32>
    %get3A_1730 = arith.constant 3 : index
    %get3A_1731 = arith.constant 1024 : index
    %get3A_1732 = arith.constant 0 : index
    %get3A_1733 = vector.load %arg2[%get3A_1730, %get3A_1731, %get3A_1732] : memref<4x4096x64xf32, #tpu.memory_space<vmem>>, vector<1x1024x64xf32>
    %get3A_1734 = vector.shape_cast %get3A_1733 : vector<1x1024x64xf32> to vector<1024x64xf32>
    %dot_general3A_1735 = arith.constant dense<0.000000e+00> : vector<512x1024xf32>
    %dot_general3A_1736 = tpu.matmul %mul3A_1601, %get3A_1734, %dot_general3A_1735 {dimension_numbers = #tpu.dot_dimension_numbers<[1], [1], [0], [0], [0, 0, 1, 0], [], []>, transpose_lhs_hint = false} : vector<512x64xf32>, vector<1024x64xf32>, vector<512x1024xf32> -> vector<512x1024xf32>
    %slice3A_1737 = vector.extract_strided_slice %dot_general3A_1736 {offsets = [0, 0], sizes = [512, 128], strides = [1, 1]} : vector<512x1024xf32> to vector<512x128xf32>
    %add3A_1738 = vector.broadcast %broadcast_in_dim3A_1605 : vector<512x1xf32> to vector<512x128xf32>
    %add3A_1739 = arith.addf %add3A_1738, %slice3A_1737 : vector<512x128xf32>
    %get3A_1740 = arith.constant 3 : index
    %get3A_1741 = arith.constant 1024 : index
    %get3A_1742 = vector.load %arg3[%get3A_1740, %get3A_1741] : memref<4x4096xf32, #tpu.memory_space<vmem>>, vector<1x128xf32>
    %get3A_1743 = vector.shape_cast %get3A_1742 : vector<1x128xf32> to vector<128xf32>
    %broadcast_in_dim3A_1744 = vector.shape_cast %get3A_1743 : vector<128xf32> to vector<1x128xf32>
    %add3A_1745 = vector.broadcast %broadcast_in_dim3A_1744 : vector<1x128xf32> to vector<512x128xf32>
    %add3A_1746 = arith.addf %add3A_1739, %add3A_1745 : vector<512x128xf32>
    %lt3A_1747 = arith.cmpf olt, %add3A_1746, %min3A_1729 : vector<512x128xf32>
    %jit3A_1748 = arith.constant 8 : i32
    %broadcast_in_dim3A_1749 = vector.broadcast %jit3A_1748 : i32 to vector<512x128xi32>
    %select_n3A_1750 = arith.select %lt3A_1747, %broadcast_in_dim3A_1749, %select_n3A_1728 : vector<512x128xi1>, vector<512x128xi32>
    %min3A_1751 = arith.minimumf %add3A_1746, %min3A_1729 : vector<512x128xf32>
    %slice3A_1752 = vector.extract_strided_slice %dot_general3A_1736 {offsets = [0, 128], sizes = [512, 128], strides = [1, 1]} : vector<512x1024xf32> to vector<512x128xf32>
    %add3A_1753 = vector.broadcast %broadcast_in_dim3A_1605 : vector<512x1xf32> to vector<512x128xf32>
    %add3A_1754 = arith.addf %add3A_1753, %slice3A_1752 : vector<512x128xf32>
    %get3A_1755 = arith.constant 3 : index
    %get3A_1756 = arith.constant 1152 : index
    %get3A_1757 = vector.load %arg3[%get3A_1755, %get3A_1756] : memref<4x4096xf32, #tpu.memory_space<vmem>>, vector<1x128xf32>
    %get3A_1758 = vector.shape_cast %get3A_1757 : vector<1x128xf32> to vector<128xf32>
    %broadcast_in_dim3A_1759 = vector.shape_cast %get3A_1758 : vector<128xf32> to vector<1x128xf32>
    %add3A_1760 = vector.broadcast %broadcast_in_dim3A_1759 : vector<1x128xf32> to vector<512x128xf32>
    %add3A_1761 = arith.addf %add3A_1754, %add3A_1760 : vector<512x128xf32>
    %lt3A_1762 = arith.cmpf olt, %add3A_1761, %min3A_1751 : vector<512x128xf32>
    %jit3A_1763 = arith.constant 9 : i32
    %broadcast_in_dim3A_1764 = vector.broadcast %jit3A_1763 : i32 to vector<512x128xi32>
    %select_n3A_1765 = arith.select %lt3A_1762, %broadcast_in_dim3A_1764, %select_n3A_1750 : vector<512x128xi1>, vector<512x128xi32>
    %min3A_1766 = arith.minimumf %add3A_1761, %min3A_1751 : vector<512x128xf32>
    %slice3A_1767 = vector.extract_strided_slice %dot_general3A_1736 {offsets = [0, 256], sizes = [512, 128], strides = [1, 1]} : vector<512x1024xf32> to vector<512x128xf32>
    %add3A_1768 = vector.broadcast %broadcast_in_dim3A_1605 : vector<512x1xf32> to vector<512x128xf32>
    %add3A_1769 = arith.addf %add3A_1768, %slice3A_1767 : vector<512x128xf32>
    %get3A_1770 = arith.constant 3 : index
    %get3A_1771 = arith.constant 1280 : index
    %get3A_1772 = vector.load %arg3[%get3A_1770, %get3A_1771] : memref<4x4096xf32, #tpu.memory_space<vmem>>, vector<1x128xf32>
    %get3A_1773 = vector.shape_cast %get3A_1772 : vector<1x128xf32> to vector<128xf32>
    %broadcast_in_dim3A_1774 = vector.shape_cast %get3A_1773 : vector<128xf32> to vector<1x128xf32>
    %add3A_1775 = vector.broadcast %broadcast_in_dim3A_1774 : vector<1x128xf32> to vector<512x128xf32>
    %add3A_1776 = arith.addf %add3A_1769, %add3A_1775 : vector<512x128xf32>
    %lt3A_1777 = arith.cmpf olt, %add3A_1776, %min3A_1766 : vector<512x128xf32>
    %jit3A_1778 = arith.constant 10 : i32
    %broadcast_in_dim3A_1779 = vector.broadcast %jit3A_1778 : i32 to vector<512x128xi32>
    %select_n3A_1780 = arith.select %lt3A_1777, %broadcast_in_dim3A_1779, %select_n3A_1765 : vector<512x128xi1>, vector<512x128xi32>
    %min3A_1781 = arith.minimumf %add3A_1776, %min3A_1766 : vector<512x128xf32>
    %slice3A_1782 = vector.extract_strided_slice %dot_general3A_1736 {offsets = [0, 384], sizes = [512, 128], strides = [1, 1]} : vector<512x1024xf32> to vector<512x128xf32>
    %add3A_1783 = vector.broadcast %broadcast_in_dim3A_1605 : vector<512x1xf32> to vector<512x128xf32>
    %add3A_1784 = arith.addf %add3A_1783, %slice3A_1782 : vector<512x128xf32>
    %get3A_1785 = arith.constant 3 : index
    %get3A_1786 = arith.constant 1408 : index
    %get3A_1787 = vector.load %arg3[%get3A_1785, %get3A_1786] : memref<4x4096xf32, #tpu.memory_space<vmem>>, vector<1x128xf32>
    %get3A_1788 = vector.shape_cast %get3A_1787 : vector<1x128xf32> to vector<128xf32>
    %broadcast_in_dim3A_1789 = vector.shape_cast %get3A_1788 : vector<128xf32> to vector<1x128xf32>
    %add3A_1790 = vector.broadcast %broadcast_in_dim3A_1789 : vector<1x128xf32> to vector<512x128xf32>
    %add3A_1791 = arith.addf %add3A_1784, %add3A_1790 : vector<512x128xf32>
    %lt3A_1792 = arith.cmpf olt, %add3A_1791, %min3A_1781 : vector<512x128xf32>
    %jit3A_1793 = arith.constant 11 : i32
    %broadcast_in_dim3A_1794 = vector.broadcast %jit3A_1793 : i32 to vector<512x128xi32>
    %select_n3A_1795 = arith.select %lt3A_1792, %broadcast_in_dim3A_1794, %select_n3A_1780 : vector<512x128xi1>, vector<512x128xi32>
    %min3A_1796 = arith.minimumf %add3A_1791, %min3A_1781 : vector<512x128xf32>
    %slice3A_1797 = vector.extract_strided_slice %dot_general3A_1736 {offsets = [0, 512], sizes = [512, 128], strides = [1, 1]} : vector<512x1024xf32> to vector<512x128xf32>
    %add3A_1798 = vector.broadcast %broadcast_in_dim3A_1605 : vector<512x1xf32> to vector<512x128xf32>
    %add3A_1799 = arith.addf %add3A_1798, %slice3A_1797 : vector<512x128xf32>
    %get3A_1800 = arith.constant 3 : index
    %get3A_1801 = arith.constant 1536 : index
    %get3A_1802 = vector.load %arg3[%get3A_1800, %get3A_1801] : memref<4x4096xf32, #tpu.memory_space<vmem>>, vector<1x128xf32>
    %get3A_1803 = vector.shape_cast %get3A_1802 : vector<1x128xf32> to vector<128xf32>
    %broadcast_in_dim3A_1804 = vector.shape_cast %get3A_1803 : vector<128xf32> to vector<1x128xf32>
    %add3A_1805 = vector.broadcast %broadcast_in_dim3A_1804 : vector<1x128xf32> to vector<512x128xf32>
    %add3A_1806 = arith.addf %add3A_1799, %add3A_1805 : vector<512x128xf32>
    %lt3A_1807 = arith.cmpf olt, %add3A_1806, %min3A_1796 : vector<512x128xf32>
    %jit3A_1808 = arith.constant 12 : i32
    %broadcast_in_dim3A_1809 = vector.broadcast %jit3A_1808 : i32 to vector<512x128xi32>
    %select_n3A_1810 = arith.select %lt3A_1807, %broadcast_in_dim3A_1809, %select_n3A_1795 : vector<512x128xi1>, vector<512x128xi32>
    %min3A_1811 = arith.minimumf %add3A_1806, %min3A_1796 : vector<512x128xf32>
    %slice3A_1812 = vector.extract_strided_slice %dot_general3A_1736 {offsets = [0, 640], sizes = [512, 128], strides = [1, 1]} : vector<512x1024xf32> to vector<512x128xf32>
    %add3A_1813 = vector.broadcast %broadcast_in_dim3A_1605 : vector<512x1xf32> to vector<512x128xf32>
    %add3A_1814 = arith.addf %add3A_1813, %slice3A_1812 : vector<512x128xf32>
    %get3A_1815 = arith.constant 3 : index
    %get3A_1816 = arith.constant 1664 : index
    %get3A_1817 = vector.load %arg3[%get3A_1815, %get3A_1816] : memref<4x4096xf32, #tpu.memory_space<vmem>>, vector<1x128xf32>
    %get3A_1818 = vector.shape_cast %get3A_1817 : vector<1x128xf32> to vector<128xf32>
    %broadcast_in_dim3A_1819 = vector.shape_cast %get3A_1818 : vector<128xf32> to vector<1x128xf32>
    %add3A_1820 = vector.broadcast %broadcast_in_dim3A_1819 : vector<1x128xf32> to vector<512x128xf32>
    %add3A_1821 = arith.addf %add3A_1814, %add3A_1820 : vector<512x128xf32>
    %lt3A_1822 = arith.cmpf olt, %add3A_1821, %min3A_1811 : vector<512x128xf32>
    %jit3A_1823 = arith.constant 13 : i32
    %broadcast_in_dim3A_1824 = vector.broadcast %jit3A_1823 : i32 to vector<512x128xi32>
    %select_n3A_1825 = arith.select %lt3A_1822, %broadcast_in_dim3A_1824, %select_n3A_1810 : vector<512x128xi1>, vector<512x128xi32>
    %min3A_1826 = arith.minimumf %add3A_1821, %min3A_1811 : vector<512x128xf32>
    %slice3A_1827 = vector.extract_strided_slice %dot_general3A_1736 {offsets = [0, 768], sizes = [512, 128], strides = [1, 1]} : vector<512x1024xf32> to vector<512x128xf32>
    %add3A_1828 = vector.broadcast %broadcast_in_dim3A_1605 : vector<512x1xf32> to vector<512x128xf32>
    %add3A_1829 = arith.addf %add3A_1828, %slice3A_1827 : vector<512x128xf32>
    %get3A_1830 = arith.constant 3 : index
    %get3A_1831 = arith.constant 1792 : index
    %get3A_1832 = vector.load %arg3[%get3A_1830, %get3A_1831] : memref<4x4096xf32, #tpu.memory_space<vmem>>, vector<1x128xf32>
    %get3A_1833 = vector.shape_cast %get3A_1832 : vector<1x128xf32> to vector<128xf32>
    %broadcast_in_dim3A_1834 = vector.shape_cast %get3A_1833 : vector<128xf32> to vector<1x128xf32>
    %add3A_1835 = vector.broadcast %broadcast_in_dim3A_1834 : vector<1x128xf32> to vector<512x128xf32>
    %add3A_1836 = arith.addf %add3A_1829, %add3A_1835 : vector<512x128xf32>
    %lt3A_1837 = arith.cmpf olt, %add3A_1836, %min3A_1826 : vector<512x128xf32>
    %jit3A_1838 = arith.constant 14 : i32
    %broadcast_in_dim3A_1839 = vector.broadcast %jit3A_1838 : i32 to vector<512x128xi32>
    %select_n3A_1840 = arith.select %lt3A_1837, %broadcast_in_dim3A_1839, %select_n3A_1825 : vector<512x128xi1>, vector<512x128xi32>
    %min3A_1841 = arith.minimumf %add3A_1836, %min3A_1826 : vector<512x128xf32>
    %slice3A_1842 = vector.extract_strided_slice %dot_general3A_1736 {offsets = [0, 896], sizes = [512, 128], strides = [1, 1]} : vector<512x1024xf32> to vector<512x128xf32>
    %add3A_1843 = vector.broadcast %broadcast_in_dim3A_1605 : vector<512x1xf32> to vector<512x128xf32>
    %add3A_1844 = arith.addf %add3A_1843, %slice3A_1842 : vector<512x128xf32>
    %get3A_1845 = arith.constant 3 : index
    %get3A_1846 = arith.constant 1920 : index
    %get3A_1847 = vector.load %arg3[%get3A_1845, %get3A_1846] : memref<4x4096xf32, #tpu.memory_space<vmem>>, vector<1x128xf32>
    %get3A_1848 = vector.shape_cast %get3A_1847 : vector<1x128xf32> to vector<128xf32>
    %broadcast_in_dim3A_1849 = vector.shape_cast %get3A_1848 : vector<128xf32> to vector<1x128xf32>
    %add3A_1850 = vector.broadcast %broadcast_in_dim3A_1849 : vector<1x128xf32> to vector<512x128xf32>
    %add3A_1851 = arith.addf %add3A_1844, %add3A_1850 : vector<512x128xf32>
    %lt3A_1852 = arith.cmpf olt, %add3A_1851, %min3A_1841 : vector<512x128xf32>
    %jit3A_1853 = arith.constant 15 : i32
    %broadcast_in_dim3A_1854 = vector.broadcast %jit3A_1853 : i32 to vector<512x128xi32>
    %select_n3A_1855 = arith.select %lt3A_1852, %broadcast_in_dim3A_1854, %select_n3A_1840 : vector<512x128xi1>, vector<512x128xi32>
    %min3A_1856 = arith.minimumf %add3A_1851, %min3A_1841 : vector<512x128xf32>
    %get3A_1857 = arith.constant 3 : index
    %get3A_1858 = arith.constant 2048 : index
    %get3A_1859 = arith.constant 0 : index
    %get3A_1860 = vector.load %arg2[%get3A_1857, %get3A_1858, %get3A_1859] : memref<4x4096x64xf32, #tpu.memory_space<vmem>>, vector<1x1024x64xf32>
    %get3A_1861 = vector.shape_cast %get3A_1860 : vector<1x1024x64xf32> to vector<1024x64xf32>
    %dot_general3A_1862 = arith.constant dense<0.000000e+00> : vector<512x1024xf32>
    %dot_general3A_1863 = tpu.matmul %mul3A_1601, %get3A_1861, %dot_general3A_1862 {dimension_numbers = #tpu.dot_dimension_numbers<[1], [1], [0], [0], [0, 0, 1, 0], [], []>, transpose_lhs_hint = false} : vector<512x64xf32>, vector<1024x64xf32>, vector<512x1024xf32> -> vector<512x1024xf32>
    %slice3A_1864 = vector.extract_strided_slice %dot_general3A_1863 {offsets = [0, 0], sizes = [512, 128], strides = [1, 1]} : vector<512x1024xf32> to vector<512x128xf32>
    %add3A_1865 = vector.broadcast %broadcast_in_dim3A_1605 : vector<512x1xf32> to vector<512x128xf32>
    %add3A_1866 = arith.addf %add3A_1865, %slice3A_1864 : vector<512x128xf32>
    %get3A_1867 = arith.constant 3 : index
    %get3A_1868 = arith.constant 2048 : index
    %get3A_1869 = vector.load %arg3[%get3A_1867, %get3A_1868] : memref<4x4096xf32, #tpu.memory_space<vmem>>, vector<1x128xf32>
    %get3A_1870 = vector.shape_cast %get3A_1869 : vector<1x128xf32> to vector<128xf32>
    %broadcast_in_dim3A_1871 = vector.shape_cast %get3A_1870 : vector<128xf32> to vector<1x128xf32>
    %add3A_1872 = vector.broadcast %broadcast_in_dim3A_1871 : vector<1x128xf32> to vector<512x128xf32>
    %add3A_1873 = arith.addf %add3A_1866, %add3A_1872 : vector<512x128xf32>
    %lt3A_1874 = arith.cmpf olt, %add3A_1873, %min3A_1856 : vector<512x128xf32>
    %jit3A_1875 = arith.constant 16 : i32
    %broadcast_in_dim3A_1876 = vector.broadcast %jit3A_1875 : i32 to vector<512x128xi32>
    %select_n3A_1877 = arith.select %lt3A_1874, %broadcast_in_dim3A_1876, %select_n3A_1855 : vector<512x128xi1>, vector<512x128xi32>
    %min3A_1878 = arith.minimumf %add3A_1873, %min3A_1856 : vector<512x128xf32>
    %slice3A_1879 = vector.extract_strided_slice %dot_general3A_1863 {offsets = [0, 128], sizes = [512, 128], strides = [1, 1]} : vector<512x1024xf32> to vector<512x128xf32>
    %add3A_1880 = vector.broadcast %broadcast_in_dim3A_1605 : vector<512x1xf32> to vector<512x128xf32>
    %add3A_1881 = arith.addf %add3A_1880, %slice3A_1879 : vector<512x128xf32>
    %get3A_1882 = arith.constant 3 : index
    %get3A_1883 = arith.constant 2176 : index
    %get3A_1884 = vector.load %arg3[%get3A_1882, %get3A_1883] : memref<4x4096xf32, #tpu.memory_space<vmem>>, vector<1x128xf32>
    %get3A_1885 = vector.shape_cast %get3A_1884 : vector<1x128xf32> to vector<128xf32>
    %broadcast_in_dim3A_1886 = vector.shape_cast %get3A_1885 : vector<128xf32> to vector<1x128xf32>
    %add3A_1887 = vector.broadcast %broadcast_in_dim3A_1886 : vector<1x128xf32> to vector<512x128xf32>
    %add3A_1888 = arith.addf %add3A_1881, %add3A_1887 : vector<512x128xf32>
    %lt3A_1889 = arith.cmpf olt, %add3A_1888, %min3A_1878 : vector<512x128xf32>
    %jit3A_1890 = arith.constant 17 : i32
    %broadcast_in_dim3A_1891 = vector.broadcast %jit3A_1890 : i32 to vector<512x128xi32>
    %select_n3A_1892 = arith.select %lt3A_1889, %broadcast_in_dim3A_1891, %select_n3A_1877 : vector<512x128xi1>, vector<512x128xi32>
    %min3A_1893 = arith.minimumf %add3A_1888, %min3A_1878 : vector<512x128xf32>
    %slice3A_1894 = vector.extract_strided_slice %dot_general3A_1863 {offsets = [0, 256], sizes = [512, 128], strides = [1, 1]} : vector<512x1024xf32> to vector<512x128xf32>
    %add3A_1895 = vector.broadcast %broadcast_in_dim3A_1605 : vector<512x1xf32> to vector<512x128xf32>
    %add3A_1896 = arith.addf %add3A_1895, %slice3A_1894 : vector<512x128xf32>
    %get3A_1897 = arith.constant 3 : index
    %get3A_1898 = arith.constant 2304 : index
    %get3A_1899 = vector.load %arg3[%get3A_1897, %get3A_1898] : memref<4x4096xf32, #tpu.memory_space<vmem>>, vector<1x128xf32>
    %get3A_1900 = vector.shape_cast %get3A_1899 : vector<1x128xf32> to vector<128xf32>
    %broadcast_in_dim3A_1901 = vector.shape_cast %get3A_1900 : vector<128xf32> to vector<1x128xf32>
    %add3A_1902 = vector.broadcast %broadcast_in_dim3A_1901 : vector<1x128xf32> to vector<512x128xf32>
    %add3A_1903 = arith.addf %add3A_1896, %add3A_1902 : vector<512x128xf32>
    %lt3A_1904 = arith.cmpf olt, %add3A_1903, %min3A_1893 : vector<512x128xf32>
    %jit3A_1905 = arith.constant 18 : i32
    %broadcast_in_dim3A_1906 = vector.broadcast %jit3A_1905 : i32 to vector<512x128xi32>
    %select_n3A_1907 = arith.select %lt3A_1904, %broadcast_in_dim3A_1906, %select_n3A_1892 : vector<512x128xi1>, vector<512x128xi32>
    %min3A_1908 = arith.minimumf %add3A_1903, %min3A_1893 : vector<512x128xf32>
    %slice3A_1909 = vector.extract_strided_slice %dot_general3A_1863 {offsets = [0, 384], sizes = [512, 128], strides = [1, 1]} : vector<512x1024xf32> to vector<512x128xf32>
    %add3A_1910 = vector.broadcast %broadcast_in_dim3A_1605 : vector<512x1xf32> to vector<512x128xf32>
    %add3A_1911 = arith.addf %add3A_1910, %slice3A_1909 : vector<512x128xf32>
    %get3A_1912 = arith.constant 3 : index
    %get3A_1913 = arith.constant 2432 : index
    %get3A_1914 = vector.load %arg3[%get3A_1912, %get3A_1913] : memref<4x4096xf32, #tpu.memory_space<vmem>>, vector<1x128xf32>
    %get3A_1915 = vector.shape_cast %get3A_1914 : vector<1x128xf32> to vector<128xf32>
    %broadcast_in_dim3A_1916 = vector.shape_cast %get3A_1915 : vector<128xf32> to vector<1x128xf32>
    %add3A_1917 = vector.broadcast %broadcast_in_dim3A_1916 : vector<1x128xf32> to vector<512x128xf32>
    %add3A_1918 = arith.addf %add3A_1911, %add3A_1917 : vector<512x128xf32>
    %lt3A_1919 = arith.cmpf olt, %add3A_1918, %min3A_1908 : vector<512x128xf32>
    %jit3A_1920 = arith.constant 19 : i32
    %broadcast_in_dim3A_1921 = vector.broadcast %jit3A_1920 : i32 to vector<512x128xi32>
    %select_n3A_1922 = arith.select %lt3A_1919, %broadcast_in_dim3A_1921, %select_n3A_1907 : vector<512x128xi1>, vector<512x128xi32>
    %min3A_1923 = arith.minimumf %add3A_1918, %min3A_1908 : vector<512x128xf32>
    %slice3A_1924 = vector.extract_strided_slice %dot_general3A_1863 {offsets = [0, 512], sizes = [512, 128], strides = [1, 1]} : vector<512x1024xf32> to vector<512x128xf32>
    %add3A_1925 = vector.broadcast %broadcast_in_dim3A_1605 : vector<512x1xf32> to vector<512x128xf32>
    %add3A_1926 = arith.addf %add3A_1925, %slice3A_1924 : vector<512x128xf32>
    %get3A_1927 = arith.constant 3 : index
    %get3A_1928 = arith.constant 2560 : index
    %get3A_1929 = vector.load %arg3[%get3A_1927, %get3A_1928] : memref<4x4096xf32, #tpu.memory_space<vmem>>, vector<1x128xf32>
    %get3A_1930 = vector.shape_cast %get3A_1929 : vector<1x128xf32> to vector<128xf32>
    %broadcast_in_dim3A_1931 = vector.shape_cast %get3A_1930 : vector<128xf32> to vector<1x128xf32>
    %add3A_1932 = vector.broadcast %broadcast_in_dim3A_1931 : vector<1x128xf32> to vector<512x128xf32>
    %add3A_1933 = arith.addf %add3A_1926, %add3A_1932 : vector<512x128xf32>
    %lt3A_1934 = arith.cmpf olt, %add3A_1933, %min3A_1923 : vector<512x128xf32>
    %jit3A_1935 = arith.constant 20 : i32
    %broadcast_in_dim3A_1936 = vector.broadcast %jit3A_1935 : i32 to vector<512x128xi32>
    %select_n3A_1937 = arith.select %lt3A_1934, %broadcast_in_dim3A_1936, %select_n3A_1922 : vector<512x128xi1>, vector<512x128xi32>
    %min3A_1938 = arith.minimumf %add3A_1933, %min3A_1923 : vector<512x128xf32>
    %slice3A_1939 = vector.extract_strided_slice %dot_general3A_1863 {offsets = [0, 640], sizes = [512, 128], strides = [1, 1]} : vector<512x1024xf32> to vector<512x128xf32>
    %add3A_1940 = vector.broadcast %broadcast_in_dim3A_1605 : vector<512x1xf32> to vector<512x128xf32>
    %add3A_1941 = arith.addf %add3A_1940, %slice3A_1939 : vector<512x128xf32>
    %get3A_1942 = arith.constant 3 : index
    %get3A_1943 = arith.constant 2688 : index
    %get3A_1944 = vector.load %arg3[%get3A_1942, %get3A_1943] : memref<4x4096xf32, #tpu.memory_space<vmem>>, vector<1x128xf32>
    %get3A_1945 = vector.shape_cast %get3A_1944 : vector<1x128xf32> to vector<128xf32>
    %broadcast_in_dim3A_1946 = vector.shape_cast %get3A_1945 : vector<128xf32> to vector<1x128xf32>
    %add3A_1947 = vector.broadcast %broadcast_in_dim3A_1946 : vector<1x128xf32> to vector<512x128xf32>
    %add3A_1948 = arith.addf %add3A_1941, %add3A_1947 : vector<512x128xf32>
    %lt3A_1949 = arith.cmpf olt, %add3A_1948, %min3A_1938 : vector<512x128xf32>
    %jit3A_1950 = arith.constant 21 : i32
    %broadcast_in_dim3A_1951 = vector.broadcast %jit3A_1950 : i32 to vector<512x128xi32>
    %select_n3A_1952 = arith.select %lt3A_1949, %broadcast_in_dim3A_1951, %select_n3A_1937 : vector<512x128xi1>, vector<512x128xi32>
    %min3A_1953 = arith.minimumf %add3A_1948, %min3A_1938 : vector<512x128xf32>
    %slice3A_1954 = vector.extract_strided_slice %dot_general3A_1863 {offsets = [0, 768], sizes = [512, 128], strides = [1, 1]} : vector<512x1024xf32> to vector<512x128xf32>
    %add3A_1955 = vector.broadcast %broadcast_in_dim3A_1605 : vector<512x1xf32> to vector<512x128xf32>
    %add3A_1956 = arith.addf %add3A_1955, %slice3A_1954 : vector<512x128xf32>
    %get3A_1957 = arith.constant 3 : index
    %get3A_1958 = arith.constant 2816 : index
    %get3A_1959 = vector.load %arg3[%get3A_1957, %get3A_1958] : memref<4x4096xf32, #tpu.memory_space<vmem>>, vector<1x128xf32>
    %get3A_1960 = vector.shape_cast %get3A_1959 : vector<1x128xf32> to vector<128xf32>
    %broadcast_in_dim3A_1961 = vector.shape_cast %get3A_1960 : vector<128xf32> to vector<1x128xf32>
    %add3A_1962 = vector.broadcast %broadcast_in_dim3A_1961 : vector<1x128xf32> to vector<512x128xf32>
    %add3A_1963 = arith.addf %add3A_1956, %add3A_1962 : vector<512x128xf32>
    %lt3A_1964 = arith.cmpf olt, %add3A_1963, %min3A_1953 : vector<512x128xf32>
    %jit3A_1965 = arith.constant 22 : i32
    %broadcast_in_dim3A_1966 = vector.broadcast %jit3A_1965 : i32 to vector<512x128xi32>
    %select_n3A_1967 = arith.select %lt3A_1964, %broadcast_in_dim3A_1966, %select_n3A_1952 : vector<512x128xi1>, vector<512x128xi32>
    %min3A_1968 = arith.minimumf %add3A_1963, %min3A_1953 : vector<512x128xf32>
    %slice3A_1969 = vector.extract_strided_slice %dot_general3A_1863 {offsets = [0, 896], sizes = [512, 128], strides = [1, 1]} : vector<512x1024xf32> to vector<512x128xf32>
    %add3A_1970 = vector.broadcast %broadcast_in_dim3A_1605 : vector<512x1xf32> to vector<512x128xf32>
    %add3A_1971 = arith.addf %add3A_1970, %slice3A_1969 : vector<512x128xf32>
    %get3A_1972 = arith.constant 3 : index
    %get3A_1973 = arith.constant 2944 : index
    %get3A_1974 = vector.load %arg3[%get3A_1972, %get3A_1973] : memref<4x4096xf32, #tpu.memory_space<vmem>>, vector<1x128xf32>
    %get3A_1975 = vector.shape_cast %get3A_1974 : vector<1x128xf32> to vector<128xf32>
    %broadcast_in_dim3A_1976 = vector.shape_cast %get3A_1975 : vector<128xf32> to vector<1x128xf32>
    %add3A_1977 = vector.broadcast %broadcast_in_dim3A_1976 : vector<1x128xf32> to vector<512x128xf32>
    %add3A_1978 = arith.addf %add3A_1971, %add3A_1977 : vector<512x128xf32>
    %lt3A_1979 = arith.cmpf olt, %add3A_1978, %min3A_1968 : vector<512x128xf32>
    %jit3A_1980 = arith.constant 23 : i32
    %broadcast_in_dim3A_1981 = vector.broadcast %jit3A_1980 : i32 to vector<512x128xi32>
    %select_n3A_1982 = arith.select %lt3A_1979, %broadcast_in_dim3A_1981, %select_n3A_1967 : vector<512x128xi1>, vector<512x128xi32>
    %min3A_1983 = arith.minimumf %add3A_1978, %min3A_1968 : vector<512x128xf32>
    %get3A_1984 = arith.constant 3 : index
    %get3A_1985 = arith.constant 3072 : index
    %get3A_1986 = arith.constant 0 : index
    %get3A_1987 = vector.load %arg2[%get3A_1984, %get3A_1985, %get3A_1986] : memref<4x4096x64xf32, #tpu.memory_space<vmem>>, vector<1x1024x64xf32>
    %get3A_1988 = vector.shape_cast %get3A_1987 : vector<1x1024x64xf32> to vector<1024x64xf32>
    %dot_general3A_1989 = arith.constant dense<0.000000e+00> : vector<512x1024xf32>
    %dot_general3A_1990 = tpu.matmul %mul3A_1601, %get3A_1988, %dot_general3A_1989 {dimension_numbers = #tpu.dot_dimension_numbers<[1], [1], [0], [0], [0, 0, 1, 0], [], []>, transpose_lhs_hint = false} : vector<512x64xf32>, vector<1024x64xf32>, vector<512x1024xf32> -> vector<512x1024xf32>
    %slice3A_1991 = vector.extract_strided_slice %dot_general3A_1990 {offsets = [0, 0], sizes = [512, 128], strides = [1, 1]} : vector<512x1024xf32> to vector<512x128xf32>
    %add3A_1992 = vector.broadcast %broadcast_in_dim3A_1605 : vector<512x1xf32> to vector<512x128xf32>
    %add3A_1993 = arith.addf %add3A_1992, %slice3A_1991 : vector<512x128xf32>
    %get3A_1994 = arith.constant 3 : index
    %get3A_1995 = arith.constant 3072 : index
    %get3A_1996 = vector.load %arg3[%get3A_1994, %get3A_1995] : memref<4x4096xf32, #tpu.memory_space<vmem>>, vector<1x128xf32>
    %get3A_1997 = vector.shape_cast %get3A_1996 : vector<1x128xf32> to vector<128xf32>
    %broadcast_in_dim3A_1998 = vector.shape_cast %get3A_1997 : vector<128xf32> to vector<1x128xf32>
    %add3A_1999 = vector.broadcast %broadcast_in_dim3A_1998 : vector<1x128xf32> to vector<512x128xf32>
    %add3A_2000 = arith.addf %add3A_1993, %add3A_1999 : vector<512x128xf32>
    %lt3A_2001 = arith.cmpf olt, %add3A_2000, %min3A_1983 : vector<512x128xf32>
    %jit3A_2002 = arith.constant 24 : i32
    %broadcast_in_dim3A_2003 = vector.broadcast %jit3A_2002 : i32 to vector<512x128xi32>
    %select_n3A_2004 = arith.select %lt3A_2001, %broadcast_in_dim3A_2003, %select_n3A_1982 : vector<512x128xi1>, vector<512x128xi32>
    %min3A_2005 = arith.minimumf %add3A_2000, %min3A_1983 : vector<512x128xf32>
    %slice3A_2006 = vector.extract_strided_slice %dot_general3A_1990 {offsets = [0, 128], sizes = [512, 128], strides = [1, 1]} : vector<512x1024xf32> to vector<512x128xf32>
    %add3A_2007 = vector.broadcast %broadcast_in_dim3A_1605 : vector<512x1xf32> to vector<512x128xf32>
    %add3A_2008 = arith.addf %add3A_2007, %slice3A_2006 : vector<512x128xf32>
    %get3A_2009 = arith.constant 3 : index
    %get3A_2010 = arith.constant 3200 : index
    %get3A_2011 = vector.load %arg3[%get3A_2009, %get3A_2010] : memref<4x4096xf32, #tpu.memory_space<vmem>>, vector<1x128xf32>
    %get3A_2012 = vector.shape_cast %get3A_2011 : vector<1x128xf32> to vector<128xf32>
    %broadcast_in_dim3A_2013 = vector.shape_cast %get3A_2012 : vector<128xf32> to vector<1x128xf32>
    %add3A_2014 = vector.broadcast %broadcast_in_dim3A_2013 : vector<1x128xf32> to vector<512x128xf32>
    %add3A_2015 = arith.addf %add3A_2008, %add3A_2014 : vector<512x128xf32>
    %lt3A_2016 = arith.cmpf olt, %add3A_2015, %min3A_2005 : vector<512x128xf32>
    %jit3A_2017 = arith.constant 25 : i32
    %broadcast_in_dim3A_2018 = vector.broadcast %jit3A_2017 : i32 to vector<512x128xi32>
    %select_n3A_2019 = arith.select %lt3A_2016, %broadcast_in_dim3A_2018, %select_n3A_2004 : vector<512x128xi1>, vector<512x128xi32>
    %min3A_2020 = arith.minimumf %add3A_2015, %min3A_2005 : vector<512x128xf32>
    %slice3A_2021 = vector.extract_strided_slice %dot_general3A_1990 {offsets = [0, 256], sizes = [512, 128], strides = [1, 1]} : vector<512x1024xf32> to vector<512x128xf32>
    %add3A_2022 = vector.broadcast %broadcast_in_dim3A_1605 : vector<512x1xf32> to vector<512x128xf32>
    %add3A_2023 = arith.addf %add3A_2022, %slice3A_2021 : vector<512x128xf32>
    %get3A_2024 = arith.constant 3 : index
    %get3A_2025 = arith.constant 3328 : index
    %get3A_2026 = vector.load %arg3[%get3A_2024, %get3A_2025] : memref<4x4096xf32, #tpu.memory_space<vmem>>, vector<1x128xf32>
    %get3A_2027 = vector.shape_cast %get3A_2026 : vector<1x128xf32> to vector<128xf32>
    %broadcast_in_dim3A_2028 = vector.shape_cast %get3A_2027 : vector<128xf32> to vector<1x128xf32>
    %add3A_2029 = vector.broadcast %broadcast_in_dim3A_2028 : vector<1x128xf32> to vector<512x128xf32>
    %add3A_2030 = arith.addf %add3A_2023, %add3A_2029 : vector<512x128xf32>
    %lt3A_2031 = arith.cmpf olt, %add3A_2030, %min3A_2020 : vector<512x128xf32>
    %jit3A_2032 = arith.constant 26 : i32
    %broadcast_in_dim3A_2033 = vector.broadcast %jit3A_2032 : i32 to vector<512x128xi32>
    %select_n3A_2034 = arith.select %lt3A_2031, %broadcast_in_dim3A_2033, %select_n3A_2019 : vector<512x128xi1>, vector<512x128xi32>
    %min3A_2035 = arith.minimumf %add3A_2030, %min3A_2020 : vector<512x128xf32>
    %slice3A_2036 = vector.extract_strided_slice %dot_general3A_1990 {offsets = [0, 384], sizes = [512, 128], strides = [1, 1]} : vector<512x1024xf32> to vector<512x128xf32>
    %add3A_2037 = vector.broadcast %broadcast_in_dim3A_1605 : vector<512x1xf32> to vector<512x128xf32>
    %add3A_2038 = arith.addf %add3A_2037, %slice3A_2036 : vector<512x128xf32>
    %get3A_2039 = arith.constant 3 : index
    %get3A_2040 = arith.constant 3456 : index
    %get3A_2041 = vector.load %arg3[%get3A_2039, %get3A_2040] : memref<4x4096xf32, #tpu.memory_space<vmem>>, vector<1x128xf32>
    %get3A_2042 = vector.shape_cast %get3A_2041 : vector<1x128xf32> to vector<128xf32>
    %broadcast_in_dim3A_2043 = vector.shape_cast %get3A_2042 : vector<128xf32> to vector<1x128xf32>
    %add3A_2044 = vector.broadcast %broadcast_in_dim3A_2043 : vector<1x128xf32> to vector<512x128xf32>
    %add3A_2045 = arith.addf %add3A_2038, %add3A_2044 : vector<512x128xf32>
    %lt3A_2046 = arith.cmpf olt, %add3A_2045, %min3A_2035 : vector<512x128xf32>
    %jit3A_2047 = arith.constant 27 : i32
    %broadcast_in_dim3A_2048 = vector.broadcast %jit3A_2047 : i32 to vector<512x128xi32>
    %select_n3A_2049 = arith.select %lt3A_2046, %broadcast_in_dim3A_2048, %select_n3A_2034 : vector<512x128xi1>, vector<512x128xi32>
    %min3A_2050 = arith.minimumf %add3A_2045, %min3A_2035 : vector<512x128xf32>
    %slice3A_2051 = vector.extract_strided_slice %dot_general3A_1990 {offsets = [0, 512], sizes = [512, 128], strides = [1, 1]} : vector<512x1024xf32> to vector<512x128xf32>
    %add3A_2052 = vector.broadcast %broadcast_in_dim3A_1605 : vector<512x1xf32> to vector<512x128xf32>
    %add3A_2053 = arith.addf %add3A_2052, %slice3A_2051 : vector<512x128xf32>
    %get3A_2054 = arith.constant 3 : index
    %get3A_2055 = arith.constant 3584 : index
    %get3A_2056 = vector.load %arg3[%get3A_2054, %get3A_2055] : memref<4x4096xf32, #tpu.memory_space<vmem>>, vector<1x128xf32>
    %get3A_2057 = vector.shape_cast %get3A_2056 : vector<1x128xf32> to vector<128xf32>
    %broadcast_in_dim3A_2058 = vector.shape_cast %get3A_2057 : vector<128xf32> to vector<1x128xf32>
    %add3A_2059 = vector.broadcast %broadcast_in_dim3A_2058 : vector<1x128xf32> to vector<512x128xf32>
    %add3A_2060 = arith.addf %add3A_2053, %add3A_2059 : vector<512x128xf32>
    %lt3A_2061 = arith.cmpf olt, %add3A_2060, %min3A_2050 : vector<512x128xf32>
    %jit3A_2062 = arith.constant 28 : i32
    %broadcast_in_dim3A_2063 = vector.broadcast %jit3A_2062 : i32 to vector<512x128xi32>
    %select_n3A_2064 = arith.select %lt3A_2061, %broadcast_in_dim3A_2063, %select_n3A_2049 : vector<512x128xi1>, vector<512x128xi32>
    %min3A_2065 = arith.minimumf %add3A_2060, %min3A_2050 : vector<512x128xf32>
    %slice3A_2066 = vector.extract_strided_slice %dot_general3A_1990 {offsets = [0, 640], sizes = [512, 128], strides = [1, 1]} : vector<512x1024xf32> to vector<512x128xf32>
    %add3A_2067 = vector.broadcast %broadcast_in_dim3A_1605 : vector<512x1xf32> to vector<512x128xf32>
    %add3A_2068 = arith.addf %add3A_2067, %slice3A_2066 : vector<512x128xf32>
    %get3A_2069 = arith.constant 3 : index
    %get3A_2070 = arith.constant 3712 : index
    %get3A_2071 = vector.load %arg3[%get3A_2069, %get3A_2070] : memref<4x4096xf32, #tpu.memory_space<vmem>>, vector<1x128xf32>
    %get3A_2072 = vector.shape_cast %get3A_2071 : vector<1x128xf32> to vector<128xf32>
    %broadcast_in_dim3A_2073 = vector.shape_cast %get3A_2072 : vector<128xf32> to vector<1x128xf32>
    %add3A_2074 = vector.broadcast %broadcast_in_dim3A_2073 : vector<1x128xf32> to vector<512x128xf32>
    %add3A_2075 = arith.addf %add3A_2068, %add3A_2074 : vector<512x128xf32>
    %lt3A_2076 = arith.cmpf olt, %add3A_2075, %min3A_2065 : vector<512x128xf32>
    %jit3A_2077 = arith.constant 29 : i32
    %broadcast_in_dim3A_2078 = vector.broadcast %jit3A_2077 : i32 to vector<512x128xi32>
    %select_n3A_2079 = arith.select %lt3A_2076, %broadcast_in_dim3A_2078, %select_n3A_2064 : vector<512x128xi1>, vector<512x128xi32>
    %min3A_2080 = arith.minimumf %add3A_2075, %min3A_2065 : vector<512x128xf32>
    %slice3A_2081 = vector.extract_strided_slice %dot_general3A_1990 {offsets = [0, 768], sizes = [512, 128], strides = [1, 1]} : vector<512x1024xf32> to vector<512x128xf32>
    %add3A_2082 = vector.broadcast %broadcast_in_dim3A_1605 : vector<512x1xf32> to vector<512x128xf32>
    %add3A_2083 = arith.addf %add3A_2082, %slice3A_2081 : vector<512x128xf32>
    %get3A_2084 = arith.constant 3 : index
    %get3A_2085 = arith.constant 3840 : index
    %get3A_2086 = vector.load %arg3[%get3A_2084, %get3A_2085] : memref<4x4096xf32, #tpu.memory_space<vmem>>, vector<1x128xf32>
    %get3A_2087 = vector.shape_cast %get3A_2086 : vector<1x128xf32> to vector<128xf32>
    %broadcast_in_dim3A_2088 = vector.shape_cast %get3A_2087 : vector<128xf32> to vector<1x128xf32>
    %add3A_2089 = vector.broadcast %broadcast_in_dim3A_2088 : vector<1x128xf32> to vector<512x128xf32>
    %add3A_2090 = arith.addf %add3A_2083, %add3A_2089 : vector<512x128xf32>
    %lt3A_2091 = arith.cmpf olt, %add3A_2090, %min3A_2080 : vector<512x128xf32>
    %jit3A_2092 = arith.constant 30 : i32
    %broadcast_in_dim3A_2093 = vector.broadcast %jit3A_2092 : i32 to vector<512x128xi32>
    %select_n3A_2094 = arith.select %lt3A_2091, %broadcast_in_dim3A_2093, %select_n3A_2079 : vector<512x128xi1>, vector<512x128xi32>
    %min3A_2095 = arith.minimumf %add3A_2090, %min3A_2080 : vector<512x128xf32>
    %slice3A_2096 = vector.extract_strided_slice %dot_general3A_1990 {offsets = [0, 896], sizes = [512, 128], strides = [1, 1]} : vector<512x1024xf32> to vector<512x128xf32>
    %add3A_2097 = vector.broadcast %broadcast_in_dim3A_1605 : vector<512x1xf32> to vector<512x128xf32>
    %add3A_2098 = arith.addf %add3A_2097, %slice3A_2096 : vector<512x128xf32>
    %get3A_2099 = arith.constant 3 : index
    %get3A_2100 = arith.constant 3968 : index
    %get3A_2101 = vector.load %arg3[%get3A_2099, %get3A_2100] : memref<4x4096xf32, #tpu.memory_space<vmem>>, vector<1x128xf32>
    %get3A_2102 = vector.shape_cast %get3A_2101 : vector<1x128xf32> to vector<128xf32>
    %broadcast_in_dim3A_2103 = vector.shape_cast %get3A_2102 : vector<128xf32> to vector<1x128xf32>
    %add3A_2104 = vector.broadcast %broadcast_in_dim3A_2103 : vector<1x128xf32> to vector<512x128xf32>
    %add3A_2105 = arith.addf %add3A_2098, %add3A_2104 : vector<512x128xf32>
    %lt3A_2106 = arith.cmpf olt, %add3A_2105, %min3A_2095 : vector<512x128xf32>
    %jit3A_2107 = arith.constant 31 : i32
    %broadcast_in_dim3A_2108 = vector.broadcast %jit3A_2107 : i32 to vector<512x128xi32>
    %select_n3A_2109 = arith.select %lt3A_2106, %broadcast_in_dim3A_2108, %select_n3A_2094 : vector<512x128xi1>, vector<512x128xi32>
    %min3A_2110 = arith.minimumf %add3A_2105, %min3A_2095 : vector<512x128xf32>
    %mul3A_2111 = arith.constant 128 : i32
    %mul3A_2112 = vector.broadcast %mul3A_2111 : i32 to vector<512x128xi32>
    %mul3A_2113 = arith.muli %select_n3A_2109, %mul3A_2112 : vector<512x128xi32>
    %add3A_2114 = arith.addi %mul3A_2113, %iota3A : vector<512x128xi32>
    %reduce_min3A_2115 = arith.constant dense<0x7F800000> : vector<512xf32>
    %reduce_min3A_2116 = vector.multi_reduction <minimumf>, %min3A_2110, %reduce_min3A_2115 [1] : vector<512x128xf32> to vector<512xf32>
    %broadcast_in_dim3A_2117 = vector.shape_cast %reduce_min3A_2116 : vector<512xf32> to vector<512x1xf32>
    %eq3A_2118 = vector.broadcast %broadcast_in_dim3A_2117 : vector<512x1xf32> to vector<512x128xf32>
    %eq3A_2119 = arith.cmpf oeq, %min3A_2110, %eq3A_2118 : vector<512x128xf32>
    %jit3A_2120 = arith.constant 4096 : i32
    %broadcast_in_dim3A_2121 = vector.broadcast %jit3A_2120 : i32 to vector<512x128xi32>
    %select_n3A_2122 = arith.select %eq3A_2119, %add3A_2114, %broadcast_in_dim3A_2121 : vector<512x128xi1>, vector<512x128xi32>
    %reduce_min3A_2123 = arith.constant dense<2147483647> : vector<512xi32>
    %reduce_min3A_2124 = vector.multi_reduction <minsi>, %select_n3A_2122, %reduce_min3A_2123 [1] : vector<512x128xi32> to vector<512xi32>
    %reduce_sum3A_2125 = vector.shape_cast %reduce_min3A_2116 : vector<512xf32> to vector<1x512xf32>
    %reduce_sum3A_2126 = arith.constant dense<0.000000e+00> : vector<1xf32>
    %reduce_sum3A_2127 = vector.multi_reduction <add>, %reduce_sum3A_2125, %reduce_sum3A_2126 [1] : vector<1x512xf32> to vector<1xf32>
    %reduce_sum3A_2128 = vector.shape_cast %reduce_sum3A_2127 : vector<1xf32> to vector<1x1xf32>
    %reduce_sum3A_2129 = vector.extract %reduce_sum3A_2128[0, 0] : f32 from vector<1x1xf32>
    %broadcast_in_dim3A_2130 = vector.broadcast %reduce_sum3A_2129 : f32 to vector<1x1xf32>
    %add3A_2131 = arith.addf %add3A_1596, %broadcast_in_dim3A_2130 : vector<1x1xf32>
    %stack3A = vector.shape_cast %reduce_min3A_519 : vector<512xi32> to vector<1x512xi32>
    %stack3A_2132 = vector.shape_cast %reduce_min3A_1054 : vector<512xi32> to vector<1x512xi32>
    %stack3A_2133 = vector.shape_cast %reduce_min3A_1589 : vector<512xi32> to vector<1x512xi32>
    %stack3A_2134 = vector.shape_cast %reduce_min3A_2124 : vector<512xi32> to vector<1x512xi32>
    %stack3A_2135 = tpu.concatenate %stack3A, %stack3A_2132, %stack3A_2133, %stack3A_2134 in 0 : vector<1x512xi32>, vector<1x512xi32>, vector<1x512xi32>, vector<1x512xi32> -> vector<4x512xi32>
    %swap3A = arith.constant 0 : index
    %swap3A_2136 = arith.constant 0 : index
    %swap3A_2137 = vector.load %arg4[%swap3A, %swap3A_2136] : memref<4x512xi32, #tpu.memory_space<vmem>>, vector<4x512xi32>
    tpu.vector_store %arg4[%swap3A, %swap3A_2136], %stack3A_2135 {strides = array<i32>} : memref<4x512xi32, #tpu.memory_space<vmem>>, vector<4x512xi32>,
    %eq3A_2138 = arith.constant 0 : i32
    %eq3A_2139 = arith.cmpi eq, %arg0, %eq3A_2138 : i32
    %convert_element_type3A = arith.extui %eq3A_2139 : i1 to i32
    %cond3A = arith.constant 0 : i32
    %cond3A_2140 = arith.cmpi ne, %convert_element_type3A, %cond3A : i32
    scf.if %cond3A_2140 {
      %swap3A_2145 = arith.constant 0 : index
      %swap3A_2146 = arith.constant 0 : index
      %swap3A_2147 = vector.load %arg5[%swap3A_2145, %swap3A_2146] : memref<1x1xf32, #tpu.memory_space<vmem>>, vector<1x1xf32>
      tpu.vector_store %arg5[%swap3A_2145, %swap3A_2146], %add3A_2131 {strides = array<i32>} : memref<1x1xf32, #tpu.memory_space<vmem>>, vector<1x1xf32>,
    } else {
    }
    %gt3A = arith.constant 0 : i32
    %gt3A_2141 = arith.cmpi sgt, %arg0, %gt3A : i32
    %convert_element_type3A_2142 = arith.extui %gt3A_2141 : i1 to i32
    %cond3A_2143 = arith.constant 0 : i32
    %cond3A_2144 = arith.cmpi ne, %convert_element_type3A_2142, %cond3A_2143 : i32
    scf.if %cond3A_2144 {
      %get3A_2145 = arith.constant 0 : index
      %get3A_2146 = arith.constant 0 : index
      %get3A_2147 = vector.load %arg5[%get3A_2145, %get3A_2146] : memref<1x1xf32, #tpu.memory_space<vmem>>, vector<1x1xf32>
      %add3A_2148 = arith.addf %get3A_2147, %add3A_2131 : vector<1x1xf32>
      %swap3A_2149 = arith.constant 0 : index
      %swap3A_2150 = arith.constant 0 : index
      %swap3A_2151 = vector.load %arg5[%swap3A_2149, %swap3A_2150] : memref<1x1xf32, #tpu.memory_space<vmem>>, vector<1x1xf32>
      tpu.vector_store %arg5[%swap3A_2149, %swap3A_2150], %add3A_2148 {strides = array<i32>} : memref<1x1xf32, #tpu.memory_space<vmem>>, vector<1x1xf32>,
    } else {
    }
    return
  }
  func.func @transform_0(%arg0: i32) -> (i32, i32, i32) {
    %c0_i32 = arith.constant 0 : i32
    %c0_i32_0 = arith.constant 0 : i32
    %c0_i32_1 = arith.constant 0 : i32
    return %arg0, %c0_i32, %c0_i32_0 : i32, i32, i32
  }
  func.func @transform_1(%arg0: i32) -> (i32, i32, i32) {
    %c0_i32 = arith.constant 0 : i32
    %c0_i32_0 = arith.constant 0 : i32
    %c0_i32_1 = arith.constant 0 : i32
    %c0_i32_2 = arith.constant 0 : i32
    return %c0_i32, %c0_i32_0, %c0_i32_1 : i32, i32, i32
  }
  func.func @transform_2(%arg0: i32) -> (i32, i32) {
    %c0_i32 = arith.constant 0 : i32
    %c0_i32_0 = arith.constant 0 : i32
    %c0_i32_1 = arith.constant 0 : i32
    return %c0_i32, %c0_i32_0 : i32, i32
  }
  func.func @transform_3(%arg0: i32) -> (i32, i32) {
    %c0_i32 = arith.constant 0 : i32
    %c0_i32_0 = arith.constant 0 : i32
    return %c0_i32, %arg0 : i32, i32
  }
  func.func @transform_4(%arg0: i32) -> (i32, i32) {
    %c0_i32 = arith.constant 0 : i32
    %c0_i32_0 = arith.constant 0 : i32
    %c0_i32_1 = arith.constant 0 : i32
    return %c0_i32, %c0_i32_0 : i32, i32
  }
}

module attributes {stable_mosaic.version = 14 : i64} {
  func.func @_finalize(%arg0: memref<32x16384xf32, #tpu.memory_space<vmem>>, %arg1: memref<1x1xf32, #tpu.memory_space<vmem>>, %arg2: memref<1x1xf32, #tpu.memory_space<vmem>>, %arg3: memref<1x1xf32, #tpu.memory_space<vmem>>, %arg4: memref<1x1xf32, #tpu.memory_space<vmem>>) attributes {dimension_semantics = [], scalar_prefetch = 0 : i64, scratch_operands = 0 : i64, tpu.core_type = #tpu.core_type<tc>} {
    %get3A = arith.constant 0 : index
    %get3A_0 = arith.constant 0 : index
    %get3A_1 = vector.load %arg0[%get3A, %get3A_0] : memref<32x16384xf32, #tpu.memory_space<vmem>>, vector<32x16384xf32>
    %reduce_sum3A = arith.constant dense<0.000000e+00> : vector<16384xf32>
    %reduce_sum3A_2 = vector.multi_reduction <add>, %get3A_1, %reduce_sum3A [0] : vector<32x16384xf32> to vector<16384xf32>
    %div3A = arith.constant 4.608000e+03 : f32
    %div3A_3 = vector.broadcast %div3A : f32 to vector<16384xf32>
    %div3A_4 = arith.divf %reduce_sum3A_2, %div3A_3 : vector<16384xf32>
    %add3A = arith.constant 1.000000e-10 : f32
    %add3A_5 = vector.broadcast %add3A : f32 to vector<16384xf32>
    %add3A_6 = arith.addf %div3A_4, %add3A_5 : vector<16384xf32>
    %log3A = math.log %add3A_6 : vector<16384xf32>
    %mul3A = arith.mulf %div3A_4, %log3A : vector<16384xf32>
    %reduce_sum3A_7 = vector.shape_cast %mul3A : vector<16384xf32> to vector<1x16384xf32>
    %reduce_sum3A_8 = arith.constant dense<0.000000e+00> : vector<1xf32>
    %reduce_sum3A_9 = vector.multi_reduction <add>, %reduce_sum3A_7, %reduce_sum3A_8 [1] : vector<1x16384xf32> to vector<1xf32>
    %reduce_sum3A_10 = vector.shape_cast %reduce_sum3A_9 : vector<1xf32> to vector<1x1xf32>
    %reduce_sum3A_11 = vector.extract %reduce_sum3A_10[0, 0] : f32 from vector<1x1xf32>
    %neg3A = arith.constant 0.000000e+00 : f32
    %neg3A_12 = arith.subf %neg3A, %reduce_sum3A_11 : f32
    %exp3A = math.exp %neg3A_12 : f32
    %broadcast_in_dim3A = vector.broadcast %exp3A : f32 to vector<1x1xf32>
    %swap3A = arith.constant 0 : index
    %swap3A_13 = arith.constant 0 : index
    %swap3A_14 = vector.load %arg4[%swap3A, %swap3A_13] : memref<1x1xf32, #tpu.memory_space<vmem>>, vector<1x1xf32>
    tpu.vector_store %arg4[%swap3A, %swap3A_13], %broadcast_in_dim3A {strides = array<i32>} : memref<1x1xf32, #tpu.memory_space<vmem>>, vector<1x1xf32>,
    %get3A_15 = arith.constant 0 : index
    %get3A_16 = arith.constant 0 : index
    %get3A_17 = vector.load %arg1[%get3A_15, %get3A_16] : memref<1x1xf32, #tpu.memory_space<vmem>>, vector<1x1xf32>
    %get3A_18 = vector.extract %get3A_17[0, 0] : f32 from vector<1x1xf32>
    %div3A_19 = arith.constant 0x49900000 : f32
    %div3A_20 = arith.divf %get3A_18, %div3A_19 : f32
    %broadcast_in_dim3A_21 = vector.broadcast %div3A_20 : f32 to vector<1x1xf32>
    %swap3A_22 = arith.constant 0 : index
    %swap3A_23 = arith.constant 0 : index
    %swap3A_24 = vector.load %arg3[%swap3A_22, %swap3A_23] : memref<1x1xf32, #tpu.memory_space<vmem>>, vector<1x1xf32>
    tpu.vector_store %arg3[%swap3A_22, %swap3A_23], %broadcast_in_dim3A_21 {strides = array<i32>} : memref<1x1xf32, #tpu.memory_space<vmem>>, vector<1x1xf32>,
    %mul3A_25 = arith.constant 2.500000e-01 : f32
    %mul3A_26 = arith.mulf %mul3A_25, %div3A_20 : f32
    %broadcast_in_dim3A_27 = vector.broadcast %mul3A_26 : f32 to vector<1x1xf32>
    %swap3A_28 = arith.constant 0 : index
    %swap3A_29 = arith.constant 0 : index
    %swap3A_30 = vector.load %arg2[%swap3A_28, %swap3A_29] : memref<1x1xf32, #tpu.memory_space<vmem>>, vector<1x1xf32>
    tpu.vector_store %arg2[%swap3A_28, %swap3A_29], %broadcast_in_dim3A_27 {strides = array<i32>} : memref<1x1xf32, #tpu.memory_space<vmem>>, vector<1x1xf32>,
    return
  }
}

</mosaic_0001>

<sc_bundles>
// kernel: kernel.5.cloned.1.call-start
scs
__scs_entry_jumppad:
0x0: {  	(pc) =	sbr.rel $0x88, $3  }
0x1: {  	(tag) =	ssettag $0x0;
	lr =	simm.s32 $0x1  }
0x2: {  	[smem:$0x3F9F] =	sst lr;
	_ =	strace $0xD0000000  }
0x3: {  	_ = 	snop  }
0x4: {  	_ = 	snop  }
0x5: {  	_ = 	snop  }
0x6: {  	_ = 	snop  }
0x7: {  	_ = 	snop  }
__scs_overlays_trampoline_lowered:
0x8: {  	[smem:$0x3FAE] =	sst s0  }
0x9: {  	[smem:$0x3FAF] =	sst s1  }
0xa: {  	[smem:$0x3FB0] =	sst s2  }
0xb: {  	[smem:$0x3FB1] =	sst s3  }
0xc: {  	[smem:$0x3FB2] =	sst s4  }
0xd: {  	[smem:$0x3FB3] =	sst s5  }
0xe: {  	[smem:$0x3FB4] =	sst s6  }
0xf: {  	[smem:$0x3FB5] =	sst s7  }
0x10: {  	[smem:$0x3FB6] =	sst s8  }
0x11: {  	[smem:$0x3FB7] =	sst s9;
	s0 =	simm.s32 @!p0 $0x0  }
0x12: {  	s1 =	sld [smem:$0x3F9D];
	s0 =	simm.s32 @p0 $0x1  }
0x13: {  	[smem:$0x3FB8] =	sst s0;
	s0 =	simm.s32 @!p1 $0x0  }
0x14: {  	s2 =	sld [smem:$0x3F9C];
	s0 =	simm.s32 @p1 $0x1  }
0x15: {  	[smem:$0x3FB9] =	sst s0;
	s0 =	simm.s32 @!p2 $0x0  }
0x16: {  	s3 =	sld [smem:$0x3FDB];
	s0 =	simm.s32 @p2 $0x1  }
0x17: {  	s4 =	simm.s32 $0x1BF5;
	[smem:$0x3FBB] =	sst s0  }
0x18: {  	s0 =	sld [smem:$0x3F9E];
	_ =	swait.ge [sflag:s4], $0x0  }
0x19: {  	s7 =	sld [smem:$0x3F9F]  }
0x1a: {  	s8 =	sadd.s32 $0xFFFFE003, lr  }
0x1b: {  	s9 =	sadd.s32 $0xFFFFFEF7, lr;
	s5 =	simm.s32 $0xFFFFFFFF;
	p2 =	slt.u32 s8, $0xFFFFF086  }
0x1c: {  	p1 =	slt.u32 s9, $0xF7A;
	s5 =	simm.s32 @!p2 $0x0  }
0x1d: {  	s5 =	simm.s32 @p1 $0x1;
	p0 =	seq.s32 s7, s2  }
0x1e: {  	s7 =	smul.u32 @!p0 $0xF7A, s2;
	p2 =	seq.s32 @!p0 s5, $0x0  }
0x1f: {  	s9 =	smul.u32 $0xF7A, s1;
	s8 =	simm.s32 @!p0 $0x1BF5;
	p2 =	por !p2, p0  }
0x20: {  	[sflag:s8] =	ssyncset.s32 @!p0 $0xFFFFF086;
	s6 =	sadd.s32 @!p0 s3, s7;
	s7 =	simm.s32 @!p0 $0x108  }
0x21: {  	s3 =	sadd.s32 s3, s9;
	s6 =	sadd.s32 @!p0 $0x88, s6;
	s7 =	simm.s32 @p2 $0x1082  }
0x22: {  	[simem:s7], [sflag:s8] =	dma.local @!p0 [hbm:s6], $0xF7A  }
0x23: {  	s9 =	sor.u32 $0xD0000000, s2;
	s6 =	simm.s32 $0x108;
	_ =	swait.ge @!p0 [sflag:s8], $0x0  }
0x24: {  	s3 =	sadd.s32 $0x88, s3;
	s6 =	simm.s32 @!p1 $0x1082;
	[sflag:s4] =	ssyncset.s32 $0xFFFFF086  }
0x25: {  	[simem:s6], [sflag:s4] =	dma.local [hbm:s3], $0xF7A  }
0x26: {  	[smem:$0x3F9F] =	sst s1;
	(tag) =	ssettag s2;
	_ =	strace s9  }
0x27: {  	s1 =	sld [smem:$0x3FAF]  }
0x28: {  	s2 =	sld [smem:$0x3FB0]  }
0x29: {  	s4 =	sld [smem:$0x3FB2]  }
0x2a: {  	p0 =	seq.s32 s5, $0x0;
	s5 =	sld [smem:$0x3FB3]  }
0x2b: {  	s6 =	sld [smem:$0x3FB4]  }
0x2c: {  	s7 =	sld [smem:$0x3FB5]  }
0x2d: {  	s3 =	simm.s32 $0x108;
	s8 =	sld [smem:$0x3FB6]  }
0x2e: {  	s3 =	simm.s32 @!p0 $0x1082;
	s9 =	sld [smem:$0x3FB7]  }
0x2f: {  	lr =	sadd.s32 s0, s3;
	s0 =	sld [smem:$0x3FAE]  }
0x30: {  	s3 =	sld [smem:$0x3FB1]  }
0x31: {  	[smem:$0x3FBA] =	sst s10  }
0x32: {  	s10 =	sld [smem:$0x3FB8];
	_ =	sdelay $0x3  }
0x33: {  	p0 =	seq.s32 s10, $0x1;
	s10 =	sld [smem:$0x3FBA];
	_ =	sdelay $0x3  }
0x34: {  	[smem:$0x3FBA] =	sst s10  }
0x35: {  	s10 =	sld [smem:$0x3FB9];
	_ =	sdelay $0x3  }
0x36: {  	p1 =	seq.s32 s10, $0x1;
	s10 =	sld [smem:$0x3FBA];
	_ =	sdelay $0x3  }
0x37: {  	[smem:$0x3FBA] =	sst s10  }
0x38: {  	s10 =	sld [smem:$0x3FBB]  }
0x39: {  	_ = 	snop;
	(pc) =	sbr.ind lr, $3  }
0x3a: {  	_ = 	snop  }
0x3b: {  	_ = 	snop  }
0x3c: {  	p2 =	seq.s32 s10, $0x1;
	s10 =	sld [smem:$0x3FBA]  }
0x3d: {  	_ =	shalt  }
0x3e: {  	_ =	shalt  }
0x3f: {  	_ =	shalt  }
0x40: {  	_ =	shalt  }
0x41: {  	_ =	shalt  }
0x42: {  	_ =	shalt  }
0x43: {  	_ =	shalt  }
0x44: {  	_ =	shalt  }
0x45: {  	_ =	shalt  }
0x46: {  	_ =	shalt  }
0x47: {  	_ =	shalt  }
0x48: {  	_ =	shalt  }
0x49: {  	_ =	shalt  }
0x4a: {  	_ =	shalt  }
0x4b: {  	_ =	shalt  }
0x4c: {  	_ =	shalt  }
0x4d: {  	_ =	shalt  }
0x4e: {  	_ =	shalt  }
0x4f: {  	_ =	shalt  }
0x50: {  	_ =	shalt  }
0x51: {  	_ =	shalt  }
0x52: {  	_ =	shalt  }
0x53: {  	_ =	shalt  }
0x54: {  	_ =	shalt  }
0x55: {  	_ =	shalt  }
0x56: {  	_ =	shalt  }
0x57: {  	_ =	shalt  }
0x58: {  	_ =	shalt  }
0x59: {  	_ =	shalt  }
0x5a: {  	_ =	shalt  }
0x5b: {  	_ =	shalt  }
0x5c: {  	_ =	shalt  }
0x5d: {  	_ =	shalt  }
0x5e: {  	_ =	shalt  }
0x5f: {  	_ =	shalt  }
0x60: {  	_ =	shalt  }
0x61: {  	_ =	shalt  }
0x62: {  	_ =	shalt  }
0x63: {  	_ =	shalt  }
0x64: {  	_ =	shalt  }
0x65: {  	_ =	shalt  }
0x66: {  	_ =	shalt  }
0x67: {  	_ =	shalt  }
0x68: {  	_ =	shalt  }
0x69: {  	_ =	shalt  }
0x6a: {  	_ =	shalt  }
0x6b: {  	_ =	shalt  }
0x6c: {  	_ =	shalt  }
0x6d: {  	_ =	shalt  }
0x6e: {  	_ =	shalt  }
0x6f: {  	_ =	shalt  }
0x70: {  	_ =	shalt  }
0x71: {  	_ =	shalt  }
0x72: {  	_ =	shalt  }
0x73: {  	_ =	shalt  }
0x74: {  	_ =	shalt  }
0x75: {  	_ =	shalt  }
0x76: {  	_ =	shalt  }
0x77: {  	_ =	shalt  }
0x78: {  	_ =	shalt  }
0x79: {  	_ =	shalt  }
0x7a: {  	_ =	shalt  }
0x7b: {  	_ =	shalt  }
0x7c: {  	_ =	shalt  }
0x7d: {  	_ =	shalt  }
0x7e: {  	_ =	shalt  }
0x7f: {  	_ =	shalt  }
0x80: {  	_ =	shalt  }
0x81: {  	_ =	shalt  }
0x82: {  	_ =	shalt  }
0x83: {  	_ =	shalt  }
0x84: {  	_ =	shalt  }
0x85: {  	_ =	shalt  }
0x86: {  	_ =	shalt  }
0x87: {  	_ =	shalt  }
.Lfunc_end0:
.L_simem_size_0:
called_computation_lowered:
.L_overlay_start_0:
0x88: {  	s2 =	sld [smem:$0x3FD9]  }
0x89: {  	s3 =	sld [smem:$0x3FFE];
	_ =	sdelay $0x1  }
0x8a: {  	s1 =	srdreg.scid  }
0x8b: {  	s0 =	sand.u32 $0x1, s1  }
0x8c: {  	s14 =	sshll.u32 s0, $0xA;
	s2 =	sadd.s32 s3, s2  }
0x8d: {  	s2 =	sadd.s32 s2, s14  }
0x8e: {  	[smem:$0x3FC6] =	sst s2  }
0x8f: {  	_ = 	snop  }
0x90: {  	s2 =	sld [smem:$0x3FD0];
	_ =	sdelay $0x2  }
0x91: {  	s15 =	simm.s32 $0xA;
	s4 =	simm.s32 $0x10  }
0x92: {  	[smem:s4], [sflag:s15] =	dma.local [hbm:s2], $0x1  }
0x93: {  	_ =	swait.eq [sflag:s15], $0x1  }
0x94: {  	[sflag:s15] =	ssyncset.done $0x0  }
0x95: {  	[sflag:s15] =	ssyncadd.s32 $0xFFFFFFFF  }
0x96: {  	s16 =	sld [smem:$0x10];
	(tm) =	ssettm $0x1  }
0x97: {  	s17 =	sld [smem:$0x3FFB];
	_ =	sdelay $0x3  }
0x98: {  	_ =	strace s17  }
0x99: {  	s3 =	sld [smem:$0x3FFC];
	_ =	sdelay $0x3  }
0x9a: {  	_ =	strace s3  }
0x9b: {  	s3 =	sld [smem:$0x3FFD];
	_ =	sdelay $0x3  }
0x9c: {  	_ =	strace s3  }
0x9d: {  	_ =	strace $0x8FFFFFFF  }
0x9e: {  	s18 =	sld [smem:$0x3FDB];
	_ =	sdelay $0x1  }
0x9f: {  	s19 =	simm.s32 $_scs_section_size  }
0xa0: {  	s5 =	simm.s32 $_size__tile_overlayer_lowered;
	s6 =	simm.s32 $_tile_overlayer_lowered  }
0xa1: {  	s22 =	simm.s32 $0x1BFF;
	s21 =	sshll.u32 s6, $0x1;
	s3 =	sadd.s32 s19, s18  }
0xa2: {  	s7 =	simm.s32 $0x0;
	s20 =	sshll.u32 s5, $0x1;
	s5 =	sadd.s32 s21, s3  }
0xa3: {  	[timem:s7], [sflag:s22] =	dma.local [hbm:s5], s20  }
0xa4: {  	_ =	swait.ge [sflag:s22], s20  }
0xa5: {  	s4 =	ssub.s32 $0x0, s20;
	[sflag:s22] =	ssyncset.done $0x0  }
0xa6: {  	[sflag:s22] =	ssyncadd.s32 s4;
	_ =	sdelay $0x1  }
0xa7: {  	s23 =	simm.s32 $0x1B8B  }
0xa8: {  	_ =	swait.ge [sflag:s23], $0x1  }
0xa9: {  	[sflag:s23] =	ssyncset.done $0x0  }
0xaa: {  	s25 =	simm.s32 $0x1B8E;
	s24 =	sld [smem:$0x3FFE];
	[sflag:s23] =	ssyncadd.s32 $0xFFFFFFFF  }
0xab: {  	s26 =	simm.s32 $execute0_lowered;
	[smem:$0x3FD2] =	sst s25  }
0xac: {  	s5 =	sshll.u32 s26, $0x1;
	_ =	strace $0x80000046;
	[dreg:$0x1] =	wrdreg $0xFFFFFFFF  }
0xad: {  	s28 =	simm.s32 $_size_execute0_lowered;
	s3 =	sadd.s32 s3, s5;
	[dreg:$0x0] =	wrdreg $0x0  }
0xae: {  	s5 =	sshll.u32 s28, $0x1;
	[dreg:$0x2] =	wrdreg s3  }
0xaf: {  	[dreg:$0x3] =	wrdreg s5  }
0xb0: {  	[dreg:$0x4] =	wrdreg $0xC0  }
0xb1: {  	_ =	task [dreg:s7], $0x5FFFF  }
0xb2: {  	[dreg:$0x1] =	wrdreg $0xFFFFFFFF  }
0xb3: {  	[dreg:$0x0] =	wrdreg $0x60  }
0xb4: {  	[dreg:$0x2] =	wrdreg s16  }
0xb5: {  	[dreg:$0x3] =	wrdreg s24  }
0xb6: {  	[dreg:$0x4] =	wrdreg $0x9  }
0xb7: {  	_ =	task.clear_ibuf [dreg:s7], $0x5FFFF;
	_ =	strace $0x90000046  }
0xb8: {  	s29 =	simm.s32 $0x9;
	_ =	strace $0x80000048  }
0xb9: {  	_ =	swait.ge [sflag:s29], $0x1  }
0xba: {  	[sflag:s29] =	ssyncadd.s32 $0xFFFFFFFF  }
0xbb: {  	_ =	strace $0x90000048  }
0xbc: {  	_ =	sfence  }
0xbd: {  	s30 =	sld [smem:$0x0];
	_ =	sdelay $0x2  }
0xbe: {  	s31 =	sshll.u32 s1, $0xD;
	s1 =	sshrl.u32 s1, $0x2  }
0xbf: {  	s3 =	sand.u32 $0x4000, s31;
	s1 =	sadd.s32 s1, s30  }
0xc0: {  	s0 =	sor.u32 s3, s0;
	s1 =	sshll.u32 s1, $0x11  }
0xc1: {  	s0 =	sor.u32 s1, s0  }
0xc2: {  	s0 =	sadd.s32 $0x8F2B, s0  }
0xc3: {  	[sflag:s0] =	ssyncadd.remote.s32 $0x1  }
0xc4: {  	_ =	sfence.sel $0xFFFF  }
0xc5: {  	[dreg:$0x0] =	wrdreg $0xFFFFFFFF;
	(pc) =	sbr.abs _section_cstart, $3  }
0xc6: {  	[dreg:$0x1] =	wrdreg $0xFFFFFFFF  }
0xc7: {  	_ =	task.clear_ibuf [dreg:s7], $0x2FFFF;
	_ =	strace $0x9FFFFFFF  }
0xc8: {  	(tm) =	ssettm $0x7FFFFFFF  }
0xc9: {  	_ =	shalt  }
tec
execute0_lowered:
.L_overlay_start_1:
0x0: {  	(tag) =	ssettag $0x1  }
0x1: {  	s1 =	srdreg.scid  }
0x2: {  	s0 =	stileid.u32;
	s2 =	rddreg [dreg:$0x0]  }
0x3: {  	s5 =	rddreg [dreg:$0x1];
	s3 =	simm.s32 $0x0;
	s10 =	simm.s32 $0x240  }
0x4: {  	s11 =	simm.s32 $0x1A40;
	s12 =	simm.s32 $0xC0;
	s13 =	simm.s32 $0x3240  }
0x5: {  	s14 =	simm.s32 $0x120;
	s15 =	simm.s32 $0x4A40;
	s16 =	simm.s32 $0x180  }
0x6: {  	s17 =	simm.s32 $0x6240;
	s18 =	simm.s32 $0x1E0;
	s19 =	simm.s32 $0x7A40  }
0x7: {  	s20 =	simm.s32 $0x9240;
	s4 =	sand.u32 $0x1, s1;
	s31 =	sshll.u32 s0, $0x1  }
0x8: {  	s21 =	simm.s32 $0x1;
	s1 =	rddreg [dreg:$0x2];
	s6 =	sor.u32 s4, s31  }
0x9: {  	s22 =	simm.s32 $0x0;
	[smem:$0x7FF] =	sst s3;
	s7 =	smul.u32 $0x48, s6  }
0xa: {  	s4 =	ssub.s32 $0x2, s4;
	s8 =	smul.u32 $0x1200, s6;
	s6 =	sshll.u32 s6, $0xB  }
0xb: {  	_ =	strace $0x80000047;
	s9 =	sshrl.u32 s4, $0x1;
	s6 =	sadd.s32 s6, s5  }
0xc: {  	s9 =	ssub.s32 s4, s9;
	s7 =	sadd.s32 s7, s5;
	s8 =	sadd.s32 s8, s5  }
0xd: {  	s6 =	sadd.s32 $0x1800, s6;
	s4 =	sadd.s32 $0xE00, s7;
	s5 =	sadd.s32 $0x11800, s8  }
0xe: {  	v0 =	vimm.f32 $0.0e+00;
	v1 =	vimm.f32 $1.000000000e+00;
	s7 =	smax.u32 s9, $0x1;
	s8 =	simm.s32 $0x2;
	s9 =	simm.s32 $0x60  }
.LBB2_1:
0xf: {  	[tilespmem:s3], [sflag:$0x2] =	stream.linear.gather [hbm4b:s4+s3], $0x240, $0x38;
	[tilespmem:$0xD240] =	vst v63  }
0x10: {  	_ =	swait.ge [sflag:s8], $0x240  }
0x11: {  	[sflag:s8] =	ssyncset.done $0x0  }
0x12: {  	[sflag:s8] =	ssyncadd.s32 $0xFFFFFDC0  }
0x13: {  	[tilespmem:s10], [sflag:$0x1] =	stream.indirect.gather [hbm4b:s2+s9], $0x40, s3, s9, $0xb8;
	[tilespmem:$0xD240] =	vst v63  }
0x14: {  	_ = 	snop  }
0x15: {  	[tilespmem:s11], [sflag:$0x1] =	stream.indirect.gather [hbm4b:s2+s9], $0x40, s9, s9, $0xb8;
	[tilespmem:$0xD240] =	vst v63  }
0x16: {  	_ = 	snop  }
0x17: {  	[tilespmem:s13], [sflag:$0x1] =	stream.indirect.gather [hbm4b:s2+s9], $0x40, s12, s9, $0xb8;
	[tilespmem:$0xD240] =	vst v63  }
0x18: {  	_ = 	snop  }
0x19: {  	[tilespmem:s15], [sflag:$0x1] =	stream.indirect.gather [hbm4b:s2+s9], $0x40, s14, s9, $0xb8;
	[tilespmem:$0xD240] =	vst v63  }
0x1a: {  	_ = 	snop  }
0x1b: {  	[tilespmem:s17], [sflag:$0x1] =	stream.indirect.gather [hbm4b:s2+s9], $0x40, s16, s9, $0xb8;
	[tilespmem:$0xD240] =	vst v63  }
0x1c: {  	s23 =	simm.s32 $0x40;
	s24 =	simm.s32 $0x0  }
0x1d: {  	[tilespmem:s19], [sflag:$0x1] =	stream.indirect.gather [hbm4b:s2+s9], $0x40, s18, s9, $0xb8;
	[tilespmem:$0xD240] =	vst v63  }
.LBB2_2:
0x1e: {  	p0 =	sne.s32 s23, $0xFFC0;
	[tilespmem:s24+$0x9240] =	vst v0;
	s24 =	smov.u32 s23;
	s23 =	sadd.s32 $0x40, s23  }
.Ltmp0:
0x1f: {  	(pc) =	sbr.rel @p0 .LBB2_2-.Ltmp0, $2  }
0x20: {  	_ =	sdelay $0x2  }
0x21: {  	s24 =	sshra.s32 s24, $0x2  }
0x22: {  	[tilespmem:s24+$0x9240] =	vst v0  }
0x23: {  	v2 =	vld [tilespmem:$0x0];
	_ =	sdelay $0x7  }
0x24: {  	[tilespmem:v2+s20+$0x0] =	vst.idx.add.f32.msk $0xffff, v1  }
0x25: {  	v2 =	vld [tilespmem:$0x10];
	_ =	sdelay $0x7  }
0x26: {  	[tilespmem:v2+s20+$0x0] =	vst.idx.add.f32.msk $0xffff, v1  }
0x27: {  	v2 =	vld [tilespmem:$0x20];
	_ =	sdelay $0x7  }
0x28: {  	[tilespmem:v2+s20+$0x0] =	vst.idx.add.f32.msk $0xffff, v1  }
0x29: {  	v2 =	vld [tilespmem:$0x30];
	_ =	sdelay $0x7  }
0x2a: {  	[tilespmem:v2+s20+$0x0] =	vst.idx.add.f32.msk $0xffff, v1  }
0x2b: {  	v2 =	vld [tilespmem:$0x40];
	_ =	sdelay $0x7  }
0x2c: {  	[tilespmem:v2+s20+$0x0] =	vst.idx.add.f32.msk $0xffff, v1  }
0x2d: {  	v2 =	vld [tilespmem:$0x50];
	_ =	sdelay $0x7  }
0x2e: {  	[tilespmem:v2+s20+$0x0] =	vst.idx.add.f32.msk $0xffff, v1  }
0x2f: {  	v2 =	vld [tilespmem:$0x60];
	_ =	sdelay $0x7  }
0x30: {  	[tilespmem:v2+s20+$0x0] =	vst.idx.add.f32.msk $0xffff, v1  }
0x31: {  	v2 =	vld [tilespmem:$0x70];
	_ =	sdelay $0x7  }
0x32: {  	[tilespmem:v2+s20+$0x0] =	vst.idx.add.f32.msk $0xffff, v1  }
0x33: {  	v2 =	vld [tilespmem:$0x80];
	_ =	sdelay $0x7  }
0x34: {  	[tilespmem:v2+s20+$0x0] =	vst.idx.add.f32.msk $0xffff, v1  }
0x35: {  	v2 =	vld [tilespmem:$0x90];
	_ =	sdelay $0x7  }
0x36: {  	[tilespmem:v2+s20+$0x0] =	vst.idx.add.f32.msk $0xffff, v1  }
0x37: {  	v2 =	vld [tilespmem:$0xA0];
	_ =	sdelay $0x7  }
0x38: {  	[tilespmem:v2+s20+$0x0] =	vst.idx.add.f32.msk $0xffff, v1  }
0x39: {  	v2 =	vld [tilespmem:$0xB0];
	_ =	sdelay $0x7  }
0x3a: {  	[tilespmem:v2+s20+$0x0] =	vst.idx.add.f32.msk $0xffff, v1  }
0x3b: {  	v2 =	vld [tilespmem:$0xC0];
	_ =	sdelay $0x7  }
0x3c: {  	[tilespmem:v2+s20+$0x0] =	vst.idx.add.f32.msk $0xffff, v1  }
0x3d: {  	v2 =	vld [tilespmem:$0xD0];
	_ =	sdelay $0x7  }
0x3e: {  	[tilespmem:v2+s20+$0x0] =	vst.idx.add.f32.msk $0xffff, v1  }
0x3f: {  	v2 =	vld [tilespmem:$0xE0];
	_ =	sdelay $0x7  }
0x40: {  	[tilespmem:v2+s20+$0x0] =	vst.idx.add.f32.msk $0xffff, v1  }
0x41: {  	v2 =	vld [tilespmem:$0xF0];
	_ =	sdelay $0x7  }
0x42: {  	[tilespmem:v2+s20+$0x0] =	vst.idx.add.f32.msk $0xffff, v1  }
0x43: {  	v2 =	vld [tilespmem:$0x100];
	_ =	sdelay $0x7  }
0x44: {  	[tilespmem:v2+s20+$0x0] =	vst.idx.add.f32.msk $0xffff, v1  }
0x45: {  	v2 =	vld [tilespmem:$0x110];
	_ =	sdelay $0x7  }
0x46: {  	[tilespmem:v2+s20+$0x0] =	vst.idx.add.f32.msk $0xffff, v1  }
0x47: {  	v2 =	vld [tilespmem:$0x120];
	_ =	sdelay $0x7  }
0x48: {  	[tilespmem:v2+s20+$0x0] =	vst.idx.add.f32.msk $0xffff, v1  }
0x49: {  	v2 =	vld [tilespmem:$0x130];
	_ =	sdelay $0x7  }
0x4a: {  	[tilespmem:v2+s20+$0x0] =	vst.idx.add.f32.msk $0xffff, v1  }
0x4b: {  	v2 =	vld [tilespmem:$0x140];
	_ =	sdelay $0x7  }
0x4c: {  	[tilespmem:v2+s20+$0x0] =	vst.idx.add.f32.msk $0xffff, v1  }
0x4d: {  	v2 =	vld [tilespmem:$0x150];
	_ =	sdelay $0x7  }
0x4e: {  	[tilespmem:v2+s20+$0x0] =	vst.idx.add.f32.msk $0xffff, v1  }
0x4f: {  	v2 =	vld [tilespmem:$0x160];
	_ =	sdelay $0x7  }
0x50: {  	[tilespmem:v2+s20+$0x0] =	vst.idx.add.f32.msk $0xffff, v1  }
0x51: {  	v2 =	vld [tilespmem:$0x170];
	_ =	sdelay $0x7  }
0x52: {  	[tilespmem:v2+s20+$0x0] =	vst.idx.add.f32.msk $0xffff, v1  }
0x53: {  	v2 =	vld [tilespmem:$0x180];
	_ =	sdelay $0x7  }
0x54: {  	[tilespmem:v2+s20+$0x0] =	vst.idx.add.f32.msk $0xffff, v1  }
0x55: {  	v2 =	vld [tilespmem:$0x190];
	_ =	sdelay $0x7  }
0x56: {  	[tilespmem:v2+s20+$0x0] =	vst.idx.add.f32.msk $0xffff, v1  }
0x57: {  	v2 =	vld [tilespmem:$0x1A0];
	_ =	sdelay $0x7  }
0x58: {  	[tilespmem:v2+s20+$0x0] =	vst.idx.add.f32.msk $0xffff, v1  }
0x59: {  	v2 =	vld [tilespmem:$0x1B0];
	_ =	sdelay $0x7  }
0x5a: {  	[tilespmem:v2+s20+$0x0] =	vst.idx.add.f32.msk $0xffff, v1  }
0x5b: {  	v2 =	vld [tilespmem:$0x1C0];
	_ =	sdelay $0x7  }
0x5c: {  	[tilespmem:v2+s20+$0x0] =	vst.idx.add.f32.msk $0xffff, v1  }
0x5d: {  	v2 =	vld [tilespmem:$0x1D0];
	_ =	sdelay $0x7  }
0x5e: {  	[tilespmem:v2+s20+$0x0] =	vst.idx.add.f32.msk $0xffff, v1  }
0x5f: {  	v2 =	vld [tilespmem:$0x1E0];
	_ =	sdelay $0x7  }
0x60: {  	[tilespmem:v2+s20+$0x0] =	vst.idx.add.f32.msk $0xffff, v1  }
0x61: {  	v2 =	vld [tilespmem:$0x1F0];
	_ =	sdelay $0x7  }
0x62: {  	[tilespmem:v2+s20+$0x0] =	vst.idx.add.f32.msk $0xffff, v1  }
0x63: {  	v2 =	vld [tilespmem:$0x200];
	_ =	sdelay $0x7  }
0x64: {  	[tilespmem:v2+s20+$0x0] =	vst.idx.add.f32.msk $0xffff, v1  }
0x65: {  	v2 =	vld [tilespmem:$0x210];
	_ =	sdelay $0x7  }
0x66: {  	[tilespmem:v2+s20+$0x0] =	vst.idx.add.f32.msk $0xffff, v1  }
0x67: {  	v2 =	vld [tilespmem:$0x220];
	_ =	sdelay $0x7  }
0x68: {  	[tilespmem:v2+s20+$0x0] =	vst.idx.add.f32.msk $0xffff, v1  }
0x69: {  	v2 =	vld [tilespmem:$0x230];
	_ =	sdelay $0x7  }
0x6a: {  	[tilespmem:v2+s20+$0x0] =	vst.idx.add.f32.msk $0xffff, v1  }
0x6b: {  	_ =	swait.ge [sflag:s21], $0x1800  }
0x6c: {  	[sflag:s21] =	ssyncset.done $0x0  }
0x6d: {  	[sflag:s21] =	ssyncadd.s32 $0xFFFFE800  }
0x6e: {  	_ =	swait.ge [sflag:s21], $0x1800  }
0x6f: {  	[sflag:s21] =	ssyncset.done $0x0  }
0x70: {  	[sflag:s21] =	ssyncadd.s32 $0xFFFFE800  }
0x71: {  	_ =	swait.ge [sflag:s21], $0x1800  }
0x72: {  	[sflag:s21] =	ssyncset.done $0x0  }
0x73: {  	[sflag:s21] =	ssyncadd.s32 $0xFFFFE800  }
0x74: {  	_ =	swait.ge [sflag:s21], $0x1800  }
0x75: {  	[sflag:s21] =	ssyncset.done $0x0  }
0x76: {  	[sflag:s21] =	ssyncadd.s32 $0xFFFFE800  }
0x77: {  	_ =	swait.ge [sflag:s21], $0x1800  }
0x78: {  	[sflag:s21] =	ssyncset.done $0x0  }
0x79: {  	[sflag:s21] =	ssyncadd.s32 $0xFFFFE800  }
0x7a: {  	_ =	swait.ge [sflag:s21], $0x1800  }
0x7b: {  	[sflag:s21] =	ssyncset.done $0x0  }
0x7c: {  	[sflag:s21] =	ssyncadd.s32 $0xFFFFE800  }
0x7d: {  	[hbm4b:s5+s3] =	stream.linear.scatter [tilespmem:s10], [sflag:$0x2], $0x9000, $0x38;
	[tilespmem:$0xD240] =	vst v63  }
0x7e: {  	s22 =	sadd.s32 $0x1, s22;
	_ =	swait.ge [sflag:s8], $0x9000  }
0x7f: {  	p0 =	sne.s32 s22, s7;
	[sflag:s8] =	ssyncset.done $0x0  }
.Ltmp1:
0x80: {  	[sflag:s8] =	ssyncadd.s32 $0xFFFF7000;
	(pc) =	sbr.rel @p0 .LBB2_1-.Ltmp1, $4  }
0x81: {  	[hbm4b:s6+s3] =	stream.linear.scatter [tilespmem:s20], [sflag:$0x2], $0x4000, $0x38;
	[tilespmem:$0xD240] =	vst v63  }
0x82: {  	_ =	swait.ge [sflag:s8], $0x4000  }
0x83: {  	[sflag:s8] =	ssyncset.done $0x0  }
0x84: {  	[sflag:s8] =	ssyncadd.s32 $0xFFFFC000  }
0x85: {  	_ =	sfence.sel $0x180000  }
0x86: {  	[bflag:$0x0] =	sbarrier.arrive $0xFFFF  }
0x87: {  	p0 =	sne.s32 s0, $0x0;
	_ =	strace $0x90000047  }
0x88: {  	s0 =	sadd.s32 @!p0 $0x100000, s1;
	[bflag:$0x2] =	sbarrier.arrive $0xFFFF  }
0x89: {  	[sflag:s0] =	ssyncadd.tile.s32 @!p0 $0x1;
	_ =	shalt  }
.Lfunc_end2:
_tile_overlayer_lowered:
.L_overlay_start_2:
0x8a: {  	(tag) =	ssettag $0x2  }
0x8b: {  	s0 =	rddreg [dreg:$0x0];
	s2 =	stileid.u32  }
0x8c: {  	s1 =	rddreg [dreg:$0x1];
	p0 =	sne.s32 s2, $0x0  }
0x8d: {  	s3 =	rddreg [dreg:$0x2];
	[bflag:$0x3] =	sbarrier.arrive $0xFFFF;
	s2 =	simm.s32 @!p0 $0x1C02  }
0x8e: {  	[timem:s3], [sflag:s2] =	dma.local @!p0 [hbm:s0], s1  }
0x8f: {  	s0 =	simm.s32 @!p0 $0x2  }
0x90: {  	_ =	swait.ge @!p0 [sflag:s0], s1  }
0x91: {  	s1 =	ssub.s32 @!p0 $0x0, s1;
	[sflag:s0] =	ssyncset.done @!p0 $0x0  }
0x92: {  	[sflag:s0] =	ssyncadd.s32 @!p0 s1  }
0x93: {  	[bflag:$0x3] =	sbarrier.arrive $0xFFFF  }
0x94: {  	_ =	shalt  }

</sc_bundles>
